<compile_context>
chip_gen: v7x
topology: tpu7x:2x2x1
jax: 0.10.2.dev20260603
libtpu: 0.0.44.dev20260713+nightly
codegen_flags: <defaults>
</compile_context>

<pallas_src>
import functools

import jax
import jax.numpy as jnp
from jax import lax
from jax.experimental import pallas as pl
from jax.experimental.pallas import tpu as pltpu
from jax.experimental.pallas import tpu_sc as plsc

_K = 512
_D = 128
_B = 16
_L = 4096
_LBLK = 2048
_RC = 8

_NW = 32
_CHUNK = 256


def _idx_body(z_ref, w_ref, idx_ref, loss_ref):
    b = pl.program_id(0)
    l = pl.program_id(1)
    zb = z_ref[0]
    w = w_ref[...]
    fz2 = jnp.sum(zb * zb, axis=0, keepdims=True)
    w2 = jnp.sum(w * w, axis=1, keepdims=True)
    dot2 = jax.lax.dot_general(
        w * 2.0, zb, (((1,), (0,)), ((), ())),
        preferred_element_type=jnp.float32)

    accv = (fz2 + w2[0:_RC]) - dot2[0:_RC]
    acci = jnp.zeros((_RC, _LBLK), jnp.int32)
    for i in range(1, _K // _RC):
        dch = (fz2 + w2[i * _RC:(i + 1) * _RC]) - dot2[i * _RC:(i + 1) * _RC]
        lt = dch < accv
        accv = jnp.where(lt, dch, accv)
        acci = jnp.where(lt, i, acci)

    minv = jnp.min(accv, axis=0, keepdims=True)
    siota = jax.lax.broadcasted_iota(jnp.int32, (_RC, _LBLK), 0)
    fidx = acci * _RC + siota
    idx = jnp.min(jnp.where(accv == minv, fidx, _K),
                  axis=0, keepdims=True)
    idx_ref[0] = idx

    @pl.when((b == 0) & (l == 0))
    def _init():
        loss_ref[...] = jnp.zeros((1, 1), jnp.float32)

    loss_ref[...] += jnp.sum(minv, axis=1, keepdims=True)


def _tc_indices(z, W):
    grid = (_B, _L // _LBLK)
    idx, loss = pl.pallas_call(
        _idx_body,
        grid=grid,
        in_specs=[
            pl.BlockSpec((1, _D, _LBLK), lambda b, l: (b, 0, l)),
            pl.BlockSpec((_K, _D), lambda b, l: (0, 0)),
        ],
        out_specs=[
            pl.BlockSpec((1, 1, _LBLK), lambda b, l: (b, 0, l)),
            pl.BlockSpec((1, 1), lambda b, l: (0, 0)),
        ],
        out_shape=[
            jax.ShapeDtypeStruct((_B, 1, _L), jnp.int32),
            jax.ShapeDtypeStruct((1, 1), jnp.float32),
        ],
    )(z, W)
    return idx, loss


def _make_sc_gather():
    mesh = plsc.VectorSubcoreMesh(core_axis_name="c", subcore_axis_name="s",
                                  num_cores=2, num_subcores=16)

    @functools.partial(
        pl.kernel, mesh=mesh,
        out_type=jax.ShapeDtypeStruct((_B, _D, _L), jnp.float32),
        scratch_types=[
            pltpu.VMEM((_D * _K,), jnp.float32),
            pltpu.VMEM((_CHUNK,), jnp.int32),
            pltpu.VMEM((_D, _CHUNK), jnp.float32),
        ],
        compiler_params=pltpu.CompilerParams(use_tc_tiling_on_sc=False,
                                             needs_layout_passes=False),
    )
    def sc_gather(wt_hbm, idx_hbm, out_hbm, wt_v, idx_v, stage_v):
        wid = lax.axis_index("s") * 2 + lax.axis_index("c")
        pltpu.sync_copy(wt_hbm, wt_v)
        b = wid // 2
        lhalf = (wid % 2) * (_L // 2)

        def sub_body(sub, _):
            lbase = lhalf + sub * _CHUNK
            pltpu.sync_copy(idx_hbm.at[b, 0, pl.ds(lbase, _CHUNK)], idx_v)

            def j_body(j, _):
                iv = idx_v[pl.ds(j * 16, 16)]
                for c in range(_D):
                    row = plsc.load_gather(wt_v, [iv + (c * _K)])
                    stage_v[c, pl.ds(j * 16, 16)] = row
                return 0

            lax.fori_loop(0, _CHUNK // 16, j_body, 0)
            pltpu.sync_copy(stage_v, out_hbm.at[b, :, pl.ds(lbase, _CHUNK)])
            return 0

        lax.fori_loop(0, (_L // 2) // _CHUNK, sub_body, 0)

    return sc_gather


_sc_gather = _make_sc_gather()


@jax.jit
def kernel(z, W):
    idx, loss = _tc_indices(z, W)
    wt = W.T.reshape(-1)
    out = _sc_gather(wt, idx)
    scale = 1.25 / (_B * _L * _D)
    return out, (loss[0, 0] * scale).astype(jnp.float32)

# --- scband reference (transcript-rebuilt; emitter-appended) ---
"""Pipeline reference for scband-vector-quantizer-62302795595989 (READ-ONLY COPY).

The authoritative reference and input builder live on the scoring server;
editing this copy changes nothing except your own understanding.
"""

import jax, jax.numpy as jnp
import numpy as np

NUM_EMBEDDINGS = 512
EMBEDDING_DIM = 128
COMMITMENT_COST = 0.25


def setup_inputs(seed: int = 0) -> dict:
    key = jax.random.key(seed)
    k1, k2 = jax.random.split(key)
    z = jax.random.normal(k1, (16, 128, 4096), dtype=jnp.float32)
    # nn.Embedding weight initialized uniform(-1/K, 1/K)
    W = jax.random.uniform(k2, (NUM_EMBEDDINGS, EMBEDDING_DIM), dtype=jnp.float32,
                           minval=-1.0 / NUM_EMBEDDINGS, maxval=1.0 / NUM_EMBEDDINGS)
    return {"z": z, "W": W}


def reference(z, W):
    # z: [B, C, L] -> [B, L, C]
    z_p = jnp.transpose(z, (0, 2, 1))
    flat_z = z_p.reshape(-1, EMBEDDING_DIM)
    distances = (jnp.sum(flat_z ** 2, axis=1, keepdims=True)
                 + jnp.sum(W ** 2, axis=1)
                 - 2.0 * jnp.matmul(flat_z, W.T))
    encoding_indices = jnp.argmin(distances, axis=1)
    quantized = jnp.take(W, encoding_indices, axis=0).reshape(z_p.shape)
    e_latent_loss = jnp.mean((jax.lax.stop_gradient(quantized) - z_p) ** 2)
    q_latent_loss = jnp.mean((quantized - jax.lax.stop_gradient(z_p)) ** 2)
    loss = q_latent_loss + COMMITMENT_COST * e_latent_loss
    quantized_st = z_p + jax.lax.stop_gradient(quantized - z_p)
    return (jnp.transpose(quantized_st, (0, 2, 1)), loss)

if __name__ == "__main__":
    import jax
    _d = setup_inputs()
    print(jax.jit(kernel)(*tuple(_d.values())))

</pallas_src>

<mosaic_0001>
#map = affine_map<(d0, d1) -> (0)>
#map1 = affine_map<(d0, d1) -> (0, 0, 0)>
module attributes {stable_mosaic.version = 14 : i64} {
  func.func @sc_gather(%arg0: i32, %arg1: i32, %arg2: memref<65536xf32, #tpu.memory_space<hbm>>, %arg3: memref<16x1x4096xi32, #tpu.memory_space<hbm>>, %arg4: memref<16x128x4096xf32, #tpu.memory_space<hbm>>, %arg5: memref<65536xf32, #tpu.memory_space<vmem>>, %arg6: memref<256xi32, #tpu.memory_space<vmem>>, %arg7: memref<128x256xf32, #tpu.memory_space<vmem>>) attributes {dimension_semantics = [#tpu.dimension_semantics<core_parallel>, #tpu.dimension_semantics<subcore_parallel>], iteration_bounds = array<i64: 2, 16>, scalar_prefetch = 0 : i64, scratch_operands = 3 : i64, tpu.core_type = #tpu.core_type<sc_vector_subcore>, window_params = [{transform_indices = #map}, {transform_indices = #map1}, {transform_indices = #map1}]} {
    %mul3A = arith.constant 2 : i32
    %mul3A_0 = arith.muli %arg1, %mul3A : i32
    %add3A = arith.addi %mul3A_0, %arg0 : i32
    "tpu.region"() ({
      %run_scoped3A = tpu.sem_alloc : memref<!tpu.dma_semaphore, #tpu.memory_space<semaphore_mem>>
      tpu.enqueue_dma source(%arg2 : memref<65536xf32, #tpu.memory_space<hbm>>) target(%arg5 : memref<65536xf32, #tpu.memory_space<vmem>>) target_semaphore(%run_scoped3A : memref<!tpu.dma_semaphore, #tpu.memory_space<semaphore_mem>>)
      tpu.wait_dma2 semaphore(%run_scoped3A : memref<!tpu.dma_semaphore, #tpu.memory_space<semaphore_mem>>) src(%arg2 : memref<65536xf32, #tpu.memory_space<hbm>>) dst(%arg5 : memref<65536xf32, #tpu.memory_space<vmem>>)
      tpu.yield
    }) : () -> ()
    %jit3A = arith.constant 2 : i32
    %div3A = arith.divsi %add3A, %jit3A : i32
    %sign3A = arith.constant 0 : i32
    %sign3A_1 = arith.cmpi sgt, %add3A, %sign3A : i32
    %sign3A_2 = arith.extui %sign3A_1 : i1 to i32
    %sign3A_3 = arith.constant 0 : i32
    %sign3A_4 = arith.cmpi slt, %add3A, %sign3A_3 : i32
    %sign3A_5 = arith.extui %sign3A_4 : i1 to i32
    %sign3A_6 = arith.subi %sign3A_2, %sign3A_5 : i32
    %sign3A_7 = arith.constant 0 : i32
    %sign3A_8 = arith.cmpi sgt, %jit3A, %sign3A_7 : i32
    %sign3A_9 = arith.extui %sign3A_8 : i1 to i32
    %sign3A_10 = arith.constant 0 : i32
    %sign3A_11 = arith.cmpi slt, %jit3A, %sign3A_10 : i32
    %sign3A_12 = arith.extui %sign3A_11 : i1 to i32
    %sign3A_13 = arith.subi %sign3A_9, %sign3A_12 : i32
    %ne3A = arith.cmpi ne, %sign3A_6, %sign3A_13 : i32
    %rem3A = arith.remsi %add3A, %jit3A : i32
    %ne3A_14 = arith.constant 0 : i32
    %ne3A_15 = arith.cmpi ne, %rem3A, %ne3A_14 : i32
    %and3A = arith.andi %ne3A, %ne3A_15 : i1
    %sub3A = arith.constant 1 : i32
    %sub3A_16 = arith.subi %div3A, %sub3A : i32
    %select_n3A = arith.select %and3A, %sub3A_16, %div3A : i32
    %jit3A_17 = arith.constant 2 : i32
    %eq3A = arith.constant 0 : i32
    %eq3A_18 = arith.cmpi eq, %jit3A_17, %eq3A : i32
    %jit3A_19 = arith.constant 1 : i32
    %select_n3A_20 = arith.select %eq3A_18, %jit3A_19, %jit3A_17 : i32
    %rem3A_21 = arith.remsi %add3A, %select_n3A_20 : i32
    %ne3A_22 = arith.constant 0 : i32
    %ne3A_23 = arith.cmpi ne, %rem3A_21, %ne3A_22 : i32
    %lt3A = arith.constant 0 : i32
    %lt3A_24 = arith.cmpi slt, %rem3A_21, %lt3A : i32
    %lt3A_25 = arith.constant 0 : i32
    %lt3A_26 = arith.cmpi slt, %select_n3A_20, %lt3A_25 : i32
    %ne3A_27 = arith.xori %lt3A_24, %lt3A_26 : i1
    %and3A_28 = arith.andi %ne3A_27, %ne3A_23 : i1
    %add3A_29 = arith.addi %rem3A_21, %select_n3A_20 : i32
    %select_n3A_30 = arith.select %and3A_28, %add3A_29, %rem3A_21 : i32
    %mul3A_31 = arith.constant 2048 : i32
    %mul3A_32 = arith.muli %select_n3A_30, %mul3A_31 : i32
    %scan3A = arith.constant 0 : i32
    %scan3A_33 = arith.constant 0 : i32
    %scan3A_34 = arith.constant 8 : i32
    %scan3A_35 = arith.addi %scan3A_33, %scan3A_34 : i32
    %scan3A_36 = arith.constant 1 : i32
    %scan3A_37 = scf.for %scan3A_39 = %scan3A_33 to %scan3A_35 step %scan3A_36 iter_args(%scan3A_40 = %scan3A) -> (i32)  : i32 {
      %mul3A_41 = arith.constant 256 : i32
      %mul3A_42 = arith.muli %scan3A_39, %mul3A_41 : i32
      %add3A_43 = arith.addi %mul3A_32, %mul3A_42 : i32
      %run_scoped3A = arith.constant 0 : i32
      "tpu.region"() ({
        %run_scoped3A_52 = tpu.sem_alloc : memref<!tpu.dma_semaphore, #tpu.memory_space<semaphore_mem>>
        %dma_start3A = tpu.memref_slice %arg3[%select_n3A, %run_scoped3A, %add3A_43] : memref<16x1x4096xi32, #tpu.memory_space<hbm>> -> memref<1x1x256xi32, #tpu.memory_space<hbm>>
        %dma_start3A_53 = tpu.memref_squeeze %dma_start3A : memref<1x1x256xi32, #tpu.memory_space<hbm>> -> memref<256xi32, #tpu.memory_space<hbm>>
        %dma_start3A_54 = tpu.memref_slice %arg3[%select_n3A, %run_scoped3A, %add3A_43] : memref<16x1x4096xi32, #tpu.memory_space<hbm>> -> memref<1x1x256xi32, #tpu.memory_space<hbm>>
        %dma_start3A_55 = tpu.memref_squeeze %dma_start3A_54 : memref<1x1x256xi32, #tpu.memory_space<hbm>> -> memref<256xi32, #tpu.memory_space<hbm>>
        tpu.enqueue_dma source(%dma_start3A_55 : memref<256xi32, #tpu.memory_space<hbm>>) target(%arg6 : memref<256xi32, #tpu.memory_space<vmem>>) target_semaphore(%run_scoped3A_52 : memref<!tpu.dma_semaphore, #tpu.memory_space<semaphore_mem>>)
        %dma_wait3A = tpu.memref_slice %arg3[%select_n3A, %run_scoped3A, %add3A_43] : memref<16x1x4096xi32, #tpu.memory_space<hbm>> -> memref<1x1x256xi32, #tpu.memory_space<hbm>>
        %dma_wait3A_56 = tpu.memref_squeeze %dma_wait3A : memref<1x1x256xi32, #tpu.memory_space<hbm>> -> memref<256xi32, #tpu.memory_space<hbm>>
        %dma_wait3A_57 = tpu.memref_slice %arg3[%select_n3A, %run_scoped3A, %add3A_43] : memref<16x1x4096xi32, #tpu.memory_space<hbm>> -> memref<1x1x256xi32, #tpu.memory_space<hbm>>
        %dma_wait3A_58 = tpu.memref_squeeze %dma_wait3A_57 : memref<1x1x256xi32, #tpu.memory_space<hbm>> -> memref<256xi32, #tpu.memory_space<hbm>>
        tpu.wait_dma2 semaphore(%run_scoped3A_52 : memref<!tpu.dma_semaphore, #tpu.memory_space<semaphore_mem>>) src(%dma_wait3A_58 : memref<256xi32, #tpu.memory_space<hbm>>) dst(%arg6 : memref<256xi32, #tpu.memory_space<vmem>>)
        tpu.yield
      }) : () -> ()
      %scan3A_44 = arith.constant 0 : i32
      %scan3A_45 = arith.constant 0 : i32
      %scan3A_46 = arith.constant 16 : i32
      %scan3A_47 = arith.addi %scan3A_45, %scan3A_46 : i32
      %scan3A_48 = arith.constant 1 : i32
      %scan3A_49 = scf.for %scan3A_52 = %scan3A_45 to %scan3A_47 step %scan3A_48 iter_args(%scan3A_53 = %scan3A_44) -> (i32)  : i32 {
        %mul3A_54 = arith.constant 16 : i32
        %mul3A_55 = arith.muli %scan3A_52, %mul3A_54 : i32
        %get3A = arith.index_cast %mul3A_55 : i32 to index
        %get3A_56 = tpu.vector_load %arg6[%get3A] {strides = array<i32>} : memref<256xi32, #tpu.memory_space<vmem>>, vector<16xi32>,
        %add3A_57 = arith.constant 0 : i32
        %add3A_58 = vector.broadcast %add3A_57 : i32 to vector<16xi32>
        %add3A_59 = arith.addi %get3A_56, %add3A_58 : vector<16xi32>
        %gather3A = tpu.vector_load_idx %arg5[%add3A_59] : memref<65536xf32, #tpu.memory_space<vmem>>[vector<16xi32>], vector<16xf32>,
        %mul3A_60 = arith.constant 16 : i32
        %mul3A_61 = arith.muli %scan3A_52, %mul3A_60 : i32
        %swap3A = arith.constant 0 : i32
        %swap3A_62 = arith.index_cast %swap3A : i32 to index
        %swap3A_63 = arith.index_cast %mul3A_61 : i32 to index
        %swap3A_64 = tpu.vector_load %arg7[%swap3A_62, %swap3A_63] {strides = array<i32>} : memref<128x256xf32, #tpu.memory_space<vmem>>, vector<16xf32>,
        tpu.vector_store %arg7[%swap3A_62, %swap3A_63], %gather3A {strides = array<i32>} : memref<128x256xf32, #tpu.memory_space<vmem>>, vector<16xf32>,
        %add3A_65 = arith.constant 512 : i32
        %add3A_66 = vector.broadcast %add3A_65 : i32 to vector<16xi32>
        %add3A_67 = arith.addi %get3A_56, %add3A_66 : vector<16xi32>
        %gather3A_68 = tpu.vector_load_idx %arg5[%add3A_67] : memref<65536xf32, #tpu.memory_space<vmem>>[vector<16xi32>], vector<16xf32>,
        %mul3A_69 = arith.constant 16 : i32
        %mul3A_70 = arith.muli %scan3A_52, %mul3A_69 : i32
        %swap3A_71 = arith.constant 1 : i32
        %swap3A_72 = arith.index_cast %swap3A_71 : i32 to index
        %swap3A_73 = arith.index_cast %mul3A_70 : i32 to index
        %swap3A_74 = tpu.vector_load %arg7[%swap3A_72, %swap3A_73] {strides = array<i32>} : memref<128x256xf32, #tpu.memory_space<vmem>>, vector<16xf32>,
        tpu.vector_store %arg7[%swap3A_72, %swap3A_73], %gather3A_68 {strides = array<i32>} : memref<128x256xf32, #tpu.memory_space<vmem>>, vector<16xf32>,
        %add3A_75 = arith.constant 1024 : i32
        %add3A_76 = vector.broadcast %add3A_75 : i32 to vector<16xi32>
        %add3A_77 = arith.addi %get3A_56, %add3A_76 : vector<16xi32>
        %gather3A_78 = tpu.vector_load_idx %arg5[%add3A_77] : memref<65536xf32, #tpu.memory_space<vmem>>[vector<16xi32>], vector<16xf32>,
        %mul3A_79 = arith.constant 16 : i32
        %mul3A_80 = arith.muli %scan3A_52, %mul3A_79 : i32
        %swap3A_81 = arith.constant 2 : i32
        %swap3A_82 = arith.index_cast %swap3A_81 : i32 to index
        %swap3A_83 = arith.index_cast %mul3A_80 : i32 to index
        %swap3A_84 = tpu.vector_load %arg7[%swap3A_82, %swap3A_83] {strides = array<i32>} : memref<128x256xf32, #tpu.memory_space<vmem>>, vector<16xf32>,
        tpu.vector_store %arg7[%swap3A_82, %swap3A_83], %gather3A_78 {strides = array<i32>} : memref<128x256xf32, #tpu.memory_space<vmem>>, vector<16xf32>,
        %add3A_85 = arith.constant 1536 : i32
        %add3A_86 = vector.broadcast %add3A_85 : i32 to vector<16xi32>
        %add3A_87 = arith.addi %get3A_56, %add3A_86 : vector<16xi32>
        %gather3A_88 = tpu.vector_load_idx %arg5[%add3A_87] : memref<65536xf32, #tpu.memory_space<vmem>>[vector<16xi32>], vector<16xf32>,
        %mul3A_89 = arith.constant 16 : i32
        %mul3A_90 = arith.muli %scan3A_52, %mul3A_89 : i32
        %swap3A_91 = arith.constant 3 : i32
        %swap3A_92 = arith.index_cast %swap3A_91 : i32 to index
        %swap3A_93 = arith.index_cast %mul3A_90 : i32 to index
        %swap3A_94 = tpu.vector_load %arg7[%swap3A_92, %swap3A_93] {strides = array<i32>} : memref<128x256xf32, #tpu.memory_space<vmem>>, vector<16xf32>,
        tpu.vector_store %arg7[%swap3A_92, %swap3A_93], %gather3A_88 {strides = array<i32>} : memref<128x256xf32, #tpu.memory_space<vmem>>, vector<16xf32>,
        %add3A_95 = arith.constant 2048 : i32
        %add3A_96 = vector.broadcast %add3A_95 : i32 to vector<16xi32>
        %add3A_97 = arith.addi %get3A_56, %add3A_96 : vector<16xi32>
        %gather3A_98 = tpu.vector_load_idx %arg5[%add3A_97] : memref<65536xf32, #tpu.memory_space<vmem>>[vector<16xi32>], vector<16xf32>,
        %mul3A_99 = arith.constant 16 : i32
        %mul3A_100 = arith.muli %scan3A_52, %mul3A_99 : i32
        %swap3A_101 = arith.constant 4 : i32
        %swap3A_102 = arith.index_cast %swap3A_101 : i32 to index
        %swap3A_103 = arith.index_cast %mul3A_100 : i32 to index
        %swap3A_104 = tpu.vector_load %arg7[%swap3A_102, %swap3A_103] {strides = array<i32>} : memref<128x256xf32, #tpu.memory_space<vmem>>, vector<16xf32>,
        tpu.vector_store %arg7[%swap3A_102, %swap3A_103], %gather3A_98 {strides = array<i32>} : memref<128x256xf32, #tpu.memory_space<vmem>>, vector<16xf32>,
        %add3A_105 = arith.constant 2560 : i32
        %add3A_106 = vector.broadcast %add3A_105 : i32 to vector<16xi32>
        %add3A_107 = arith.addi %get3A_56, %add3A_106 : vector<16xi32>
        %gather3A_108 = tpu.vector_load_idx %arg5[%add3A_107] : memref<65536xf32, #tpu.memory_space<vmem>>[vector<16xi32>], vector<16xf32>,
        %mul3A_109 = arith.constant 16 : i32
        %mul3A_110 = arith.muli %scan3A_52, %mul3A_109 : i32
        %swap3A_111 = arith.constant 5 : i32
        %swap3A_112 = arith.index_cast %swap3A_111 : i32 to index
        %swap3A_113 = arith.index_cast %mul3A_110 : i32 to index
        %swap3A_114 = tpu.vector_load %arg7[%swap3A_112, %swap3A_113] {strides = array<i32>} : memref<128x256xf32, #tpu.memory_space<vmem>>, vector<16xf32>,
        tpu.vector_store %arg7[%swap3A_112, %swap3A_113], %gather3A_108 {strides = array<i32>} : memref<128x256xf32, #tpu.memory_space<vmem>>, vector<16xf32>,
        %add3A_115 = arith.constant 3072 : i32
        %add3A_116 = vector.broadcast %add3A_115 : i32 to vector<16xi32>
        %add3A_117 = arith.addi %get3A_56, %add3A_116 : vector<16xi32>
        %gather3A_118 = tpu.vector_load_idx %arg5[%add3A_117] : memref<65536xf32, #tpu.memory_space<vmem>>[vector<16xi32>], vector<16xf32>,
        %mul3A_119 = arith.constant 16 : i32
        %mul3A_120 = arith.muli %scan3A_52, %mul3A_119 : i32
        %swap3A_121 = arith.constant 6 : i32
        %swap3A_122 = arith.index_cast %swap3A_121 : i32 to index
        %swap3A_123 = arith.index_cast %mul3A_120 : i32 to index
        %swap3A_124 = tpu.vector_load %arg7[%swap3A_122, %swap3A_123] {strides = array<i32>} : memref<128x256xf32, #tpu.memory_space<vmem>>, vector<16xf32>,
        tpu.vector_store %arg7[%swap3A_122, %swap3A_123], %gather3A_118 {strides = array<i32>} : memref<128x256xf32, #tpu.memory_space<vmem>>, vector<16xf32>,
        %add3A_125 = arith.constant 3584 : i32
        %add3A_126 = vector.broadcast %add3A_125 : i32 to vector<16xi32>
        %add3A_127 = arith.addi %get3A_56, %add3A_126 : vector<16xi32>
        %gather3A_128 = tpu.vector_load_idx %arg5[%add3A_127] : memref<65536xf32, #tpu.memory_space<vmem>>[vector<16xi32>], vector<16xf32>,
        %mul3A_129 = arith.constant 16 : i32
        %mul3A_130 = arith.muli %scan3A_52, %mul3A_129 : i32
        %swap3A_131 = arith.constant 7 : i32
        %swap3A_132 = arith.index_cast %swap3A_131 : i32 to index
        %swap3A_133 = arith.index_cast %mul3A_130 : i32 to index
        %swap3A_134 = tpu.vector_load %arg7[%swap3A_132, %swap3A_133] {strides = array<i32>} : memref<128x256xf32, #tpu.memory_space<vmem>>, vector<16xf32>,
        tpu.vector_store %arg7[%swap3A_132, %swap3A_133], %gather3A_128 {strides = array<i32>} : memref<128x256xf32, #tpu.memory_space<vmem>>, vector<16xf32>,
        %add3A_135 = arith.constant 4096 : i32
        %add3A_136 = vector.broadcast %add3A_135 : i32 to vector<16xi32>
        %add3A_137 = arith.addi %get3A_56, %add3A_136 : vector<16xi32>
        %gather3A_138 = tpu.vector_load_idx %arg5[%add3A_137] : memref<65536xf32, #tpu.memory_space<vmem>>[vector<16xi32>], vector<16xf32>,
        %mul3A_139 = arith.constant 16 : i32
        %mul3A_140 = arith.muli %scan3A_52, %mul3A_139 : i32
        %swap3A_141 = arith.constant 8 : i32
        %swap3A_142 = arith.index_cast %swap3A_141 : i32 to index
        %swap3A_143 = arith.index_cast %mul3A_140 : i32 to index
        %swap3A_144 = tpu.vector_load %arg7[%swap3A_142, %swap3A_143] {strides = array<i32>} : memref<128x256xf32, #tpu.memory_space<vmem>>, vector<16xf32>,
        tpu.vector_store %arg7[%swap3A_142, %swap3A_143], %gather3A_138 {strides = array<i32>} : memref<128x256xf32, #tpu.memory_space<vmem>>, vector<16xf32>,
        %add3A_145 = arith.constant 4608 : i32
        %add3A_146 = vector.broadcast %add3A_145 : i32 to vector<16xi32>
        %add3A_147 = arith.addi %get3A_56, %add3A_146 : vector<16xi32>
        %gather3A_148 = tpu.vector_load_idx %arg5[%add3A_147] : memref<65536xf32, #tpu.memory_space<vmem>>[vector<16xi32>], vector<16xf32>,
        %mul3A_149 = arith.constant 16 : i32
        %mul3A_150 = arith.muli %scan3A_52, %mul3A_149 : i32
        %swap3A_151 = arith.constant 9 : i32
        %swap3A_152 = arith.index_cast %swap3A_151 : i32 to index
        %swap3A_153 = arith.index_cast %mul3A_150 : i32 to index
        %swap3A_154 = tpu.vector_load %arg7[%swap3A_152, %swap3A_153] {strides = array<i32>} : memref<128x256xf32, #tpu.memory_space<vmem>>, vector<16xf32>,
        tpu.vector_store %arg7[%swap3A_152, %swap3A_153], %gather3A_148 {strides = array<i32>} : memref<128x256xf32, #tpu.memory_space<vmem>>, vector<16xf32>,
        %add3A_155 = arith.constant 5120 : i32
        %add3A_156 = vector.broadcast %add3A_155 : i32 to vector<16xi32>
        %add3A_157 = arith.addi %get3A_56, %add3A_156 : vector<16xi32>
        %gather3A_158 = tpu.vector_load_idx %arg5[%add3A_157] : memref<65536xf32, #tpu.memory_space<vmem>>[vector<16xi32>], vector<16xf32>,
        %mul3A_159 = arith.constant 16 : i32
        %mul3A_160 = arith.muli %scan3A_52, %mul3A_159 : i32
        %swap3A_161 = arith.constant 10 : i32
        %swap3A_162 = arith.index_cast %swap3A_161 : i32 to index
        %swap3A_163 = arith.index_cast %mul3A_160 : i32 to index
        %swap3A_164 = tpu.vector_load %arg7[%swap3A_162, %swap3A_163] {strides = array<i32>} : memref<128x256xf32, #tpu.memory_space<vmem>>, vector<16xf32>,
        tpu.vector_store %arg7[%swap3A_162, %swap3A_163], %gather3A_158 {strides = array<i32>} : memref<128x256xf32, #tpu.memory_space<vmem>>, vector<16xf32>,
        %add3A_165 = arith.constant 5632 : i32
        %add3A_166 = vector.broadcast %add3A_165 : i32 to vector<16xi32>
        %add3A_167 = arith.addi %get3A_56, %add3A_166 : vector<16xi32>
        %gather3A_168 = tpu.vector_load_idx %arg5[%add3A_167] : memref<65536xf32, #tpu.memory_space<vmem>>[vector<16xi32>], vector<16xf32>,
        %mul3A_169 = arith.constant 16 : i32
        %mul3A_170 = arith.muli %scan3A_52, %mul3A_169 : i32
        %swap3A_171 = arith.constant 11 : i32
        %swap3A_172 = arith.index_cast %swap3A_171 : i32 to index
        %swap3A_173 = arith.index_cast %mul3A_170 : i32 to index
        %swap3A_174 = tpu.vector_load %arg7[%swap3A_172, %swap3A_173] {strides = array<i32>} : memref<128x256xf32, #tpu.memory_space<vmem>>, vector<16xf32>,
        tpu.vector_store %arg7[%swap3A_172, %swap3A_173], %gather3A_168 {strides = array<i32>} : memref<128x256xf32, #tpu.memory_space<vmem>>, vector<16xf32>,
        %add3A_175 = arith.constant 6144 : i32
        %add3A_176 = vector.broadcast %add3A_175 : i32 to vector<16xi32>
        %add3A_177 = arith.addi %get3A_56, %add3A_176 : vector<16xi32>
        %gather3A_178 = tpu.vector_load_idx %arg5[%add3A_177] : memref<65536xf32, #tpu.memory_space<vmem>>[vector<16xi32>], vector<16xf32>,
        %mul3A_179 = arith.constant 16 : i32
        %mul3A_180 = arith.muli %scan3A_52, %mul3A_179 : i32
        %swap3A_181 = arith.constant 12 : i32
        %swap3A_182 = arith.index_cast %swap3A_181 : i32 to index
        %swap3A_183 = arith.index_cast %mul3A_180 : i32 to index
        %swap3A_184 = tpu.vector_load %arg7[%swap3A_182, %swap3A_183] {strides = array<i32>} : memref<128x256xf32, #tpu.memory_space<vmem>>, vector<16xf32>,
        tpu.vector_store %arg7[%swap3A_182, %swap3A_183], %gather3A_178 {strides = array<i32>} : memref<128x256xf32, #tpu.memory_space<vmem>>, vector<16xf32>,
        %add3A_185 = arith.constant 6656 : i32
        %add3A_186 = vector.broadcast %add3A_185 : i32 to vector<16xi32>
        %add3A_187 = arith.addi %get3A_56, %add3A_186 : vector<16xi32>
        %gather3A_188 = tpu.vector_load_idx %arg5[%add3A_187] : memref<65536xf32, #tpu.memory_space<vmem>>[vector<16xi32>], vector<16xf32>,
        %mul3A_189 = arith.constant 16 : i32
        %mul3A_190 = arith.muli %scan3A_52, %mul3A_189 : i32
        %swap3A_191 = arith.constant 13 : i32
        %swap3A_192 = arith.index_cast %swap3A_191 : i32 to index
        %swap3A_193 = arith.index_cast %mul3A_190 : i32 to index
        %swap3A_194 = tpu.vector_load %arg7[%swap3A_192, %swap3A_193] {strides = array<i32>} : memref<128x256xf32, #tpu.memory_space<vmem>>, vector<16xf32>,
        tpu.vector_store %arg7[%swap3A_192, %swap3A_193], %gather3A_188 {strides = array<i32>} : memref<128x256xf32, #tpu.memory_space<vmem>>, vector<16xf32>,
        %add3A_195 = arith.constant 7168 : i32
        %add3A_196 = vector.broadcast %add3A_195 : i32 to vector<16xi32>
        %add3A_197 = arith.addi %get3A_56, %add3A_196 : vector<16xi32>
        %gather3A_198 = tpu.vector_load_idx %arg5[%add3A_197] : memref<65536xf32, #tpu.memory_space<vmem>>[vector<16xi32>], vector<16xf32>,
        %mul3A_199 = arith.constant 16 : i32
        %mul3A_200 = arith.muli %scan3A_52, %mul3A_199 : i32
        %swap3A_201 = arith.constant 14 : i32
        %swap3A_202 = arith.index_cast %swap3A_201 : i32 to index
        %swap3A_203 = arith.index_cast %mul3A_200 : i32 to index
        %swap3A_204 = tpu.vector_load %arg7[%swap3A_202, %swap3A_203] {strides = array<i32>} : memref<128x256xf32, #tpu.memory_space<vmem>>, vector<16xf32>,
        tpu.vector_store %arg7[%swap3A_202, %swap3A_203], %gather3A_198 {strides = array<i32>} : memref<128x256xf32, #tpu.memory_space<vmem>>, vector<16xf32>,
        %add3A_205 = arith.constant 7680 : i32
        %add3A_206 = vector.broadcast %add3A_205 : i32 to vector<16xi32>
        %add3A_207 = arith.addi %get3A_56, %add3A_206 : vector<16xi32>
        %gather3A_208 = tpu.vector_load_idx %arg5[%add3A_207] : memref<65536xf32, #tpu.memory_space<vmem>>[vector<16xi32>], vector<16xf32>,
        %mul3A_209 = arith.constant 16 : i32
        %mul3A_210 = arith.muli %scan3A_52, %mul3A_209 : i32
        %swap3A_211 = arith.constant 15 : i32
        %swap3A_212 = arith.index_cast %swap3A_211 : i32 to index
        %swap3A_213 = arith.index_cast %mul3A_210 : i32 to index
        %swap3A_214 = tpu.vector_load %arg7[%swap3A_212, %swap3A_213] {strides = array<i32>} : memref<128x256xf32, #tpu.memory_space<vmem>>, vector<16xf32>,
        tpu.vector_store %arg7[%swap3A_212, %swap3A_213], %gather3A_208 {strides = array<i32>} : memref<128x256xf32, #tpu.memory_space<vmem>>, vector<16xf32>,
        %add3A_215 = arith.constant 8192 : i32
        %add3A_216 = vector.broadcast %add3A_215 : i32 to vector<16xi32>
        %add3A_217 = arith.addi %get3A_56, %add3A_216 : vector<16xi32>
        %gather3A_218 = tpu.vector_load_idx %arg5[%add3A_217] : memref<65536xf32, #tpu.memory_space<vmem>>[vector<16xi32>], vector<16xf32>,
        %mul3A_219 = arith.constant 16 : i32
        %mul3A_220 = arith.muli %scan3A_52, %mul3A_219 : i32
        %swap3A_221 = arith.constant 16 : i32
        %swap3A_222 = arith.index_cast %swap3A_221 : i32 to index
        %swap3A_223 = arith.index_cast %mul3A_220 : i32 to index
        %swap3A_224 = tpu.vector_load %arg7[%swap3A_222, %swap3A_223] {strides = array<i32>} : memref<128x256xf32, #tpu.memory_space<vmem>>, vector<16xf32>,
        tpu.vector_store %arg7[%swap3A_222, %swap3A_223], %gather3A_218 {strides = array<i32>} : memref<128x256xf32, #tpu.memory_space<vmem>>, vector<16xf32>,
        %add3A_225 = arith.constant 8704 : i32
        %add3A_226 = vector.broadcast %add3A_225 : i32 to vector<16xi32>
        %add3A_227 = arith.addi %get3A_56, %add3A_226 : vector<16xi32>
        %gather3A_228 = tpu.vector_load_idx %arg5[%add3A_227] : memref<65536xf32, #tpu.memory_space<vmem>>[vector<16xi32>], vector<16xf32>,
        %mul3A_229 = arith.constant 16 : i32
        %mul3A_230 = arith.muli %scan3A_52, %mul3A_229 : i32
        %swap3A_231 = arith.constant 17 : i32
        %swap3A_232 = arith.index_cast %swap3A_231 : i32 to index
        %swap3A_233 = arith.index_cast %mul3A_230 : i32 to index
        %swap3A_234 = tpu.vector_load %arg7[%swap3A_232, %swap3A_233] {strides = array<i32>} : memref<128x256xf32, #tpu.memory_space<vmem>>, vector<16xf32>,
        tpu.vector_store %arg7[%swap3A_232, %swap3A_233], %gather3A_228 {strides = array<i32>} : memref<128x256xf32, #tpu.memory_space<vmem>>, vector<16xf32>,
        %add3A_235 = arith.constant 9216 : i32
        %add3A_236 = vector.broadcast %add3A_235 : i32 to vector<16xi32>
        %add3A_237 = arith.addi %get3A_56, %add3A_236 : vector<16xi32>
        %gather3A_238 = tpu.vector_load_idx %arg5[%add3A_237] : memref<65536xf32, #tpu.memory_space<vmem>>[vector<16xi32>], vector<16xf32>,
        %mul3A_239 = arith.constant 16 : i32
        %mul3A_240 = arith.muli %scan3A_52, %mul3A_239 : i32
        %swap3A_241 = arith.constant 18 : i32
        %swap3A_242 = arith.index_cast %swap3A_241 : i32 to index
        %swap3A_243 = arith.index_cast %mul3A_240 : i32 to index
        %swap3A_244 = tpu.vector_load %arg7[%swap3A_242, %swap3A_243] {strides = array<i32>} : memref<128x256xf32, #tpu.memory_space<vmem>>, vector<16xf32>,
        tpu.vector_store %arg7[%swap3A_242, %swap3A_243], %gather3A_238 {strides = array<i32>} : memref<128x256xf32, #tpu.memory_space<vmem>>, vector<16xf32>,
        %add3A_245 = arith.constant 9728 : i32
        %add3A_246 = vector.broadcast %add3A_245 : i32 to vector<16xi32>
        %add3A_247 = arith.addi %get3A_56, %add3A_246 : vector<16xi32>
        %gather3A_248 = tpu.vector_load_idx %arg5[%add3A_247] : memref<65536xf32, #tpu.memory_space<vmem>>[vector<16xi32>], vector<16xf32>,
        %mul3A_249 = arith.constant 16 : i32
        %mul3A_250 = arith.muli %scan3A_52, %mul3A_249 : i32
        %swap3A_251 = arith.constant 19 : i32
        %swap3A_252 = arith.index_cast %swap3A_251 : i32 to index
        %swap3A_253 = arith.index_cast %mul3A_250 : i32 to index
        %swap3A_254 = tpu.vector_load %arg7[%swap3A_252, %swap3A_253] {strides = array<i32>} : memref<128x256xf32, #tpu.memory_space<vmem>>, vector<16xf32>,
        tpu.vector_store %arg7[%swap3A_252, %swap3A_253], %gather3A_248 {strides = array<i32>} : memref<128x256xf32, #tpu.memory_space<vmem>>, vector<16xf32>,
        %add3A_255 = arith.constant 10240 : i32
        %add3A_256 = vector.broadcast %add3A_255 : i32 to vector<16xi32>
        %add3A_257 = arith.addi %get3A_56, %add3A_256 : vector<16xi32>
        %gather3A_258 = tpu.vector_load_idx %arg5[%add3A_257] : memref<65536xf32, #tpu.memory_space<vmem>>[vector<16xi32>], vector<16xf32>,
        %mul3A_259 = arith.constant 16 : i32
        %mul3A_260 = arith.muli %scan3A_52, %mul3A_259 : i32
        %swap3A_261 = arith.constant 20 : i32
        %swap3A_262 = arith.index_cast %swap3A_261 : i32 to index
        %swap3A_263 = arith.index_cast %mul3A_260 : i32 to index
        %swap3A_264 = tpu.vector_load %arg7[%swap3A_262, %swap3A_263] {strides = array<i32>} : memref<128x256xf32, #tpu.memory_space<vmem>>, vector<16xf32>,
        tpu.vector_store %arg7[%swap3A_262, %swap3A_263], %gather3A_258 {strides = array<i32>} : memref<128x256xf32, #tpu.memory_space<vmem>>, vector<16xf32>,
        %add3A_265 = arith.constant 10752 : i32
        %add3A_266 = vector.broadcast %add3A_265 : i32 to vector<16xi32>
        %add3A_267 = arith.addi %get3A_56, %add3A_266 : vector<16xi32>
        %gather3A_268 = tpu.vector_load_idx %arg5[%add3A_267] : memref<65536xf32, #tpu.memory_space<vmem>>[vector<16xi32>], vector<16xf32>,
        %mul3A_269 = arith.constant 16 : i32
        %mul3A_270 = arith.muli %scan3A_52, %mul3A_269 : i32
        %swap3A_271 = arith.constant 21 : i32
        %swap3A_272 = arith.index_cast %swap3A_271 : i32 to index
        %swap3A_273 = arith.index_cast %mul3A_270 : i32 to index
        %swap3A_274 = tpu.vector_load %arg7[%swap3A_272, %swap3A_273] {strides = array<i32>} : memref<128x256xf32, #tpu.memory_space<vmem>>, vector<16xf32>,
        tpu.vector_store %arg7[%swap3A_272, %swap3A_273], %gather3A_268 {strides = array<i32>} : memref<128x256xf32, #tpu.memory_space<vmem>>, vector<16xf32>,
        %add3A_275 = arith.constant 11264 : i32
        %add3A_276 = vector.broadcast %add3A_275 : i32 to vector<16xi32>
        %add3A_277 = arith.addi %get3A_56, %add3A_276 : vector<16xi32>
        %gather3A_278 = tpu.vector_load_idx %arg5[%add3A_277] : memref<65536xf32, #tpu.memory_space<vmem>>[vector<16xi32>], vector<16xf32>,
        %mul3A_279 = arith.constant 16 : i32
        %mul3A_280 = arith.muli %scan3A_52, %mul3A_279 : i32
        %swap3A_281 = arith.constant 22 : i32
        %swap3A_282 = arith.index_cast %swap3A_281 : i32 to index
        %swap3A_283 = arith.index_cast %mul3A_280 : i32 to index
        %swap3A_284 = tpu.vector_load %arg7[%swap3A_282, %swap3A_283] {strides = array<i32>} : memref<128x256xf32, #tpu.memory_space<vmem>>, vector<16xf32>,
        tpu.vector_store %arg7[%swap3A_282, %swap3A_283], %gather3A_278 {strides = array<i32>} : memref<128x256xf32, #tpu.memory_space<vmem>>, vector<16xf32>,
        %add3A_285 = arith.constant 11776 : i32
        %add3A_286 = vector.broadcast %add3A_285 : i32 to vector<16xi32>
        %add3A_287 = arith.addi %get3A_56, %add3A_286 : vector<16xi32>
        %gather3A_288 = tpu.vector_load_idx %arg5[%add3A_287] : memref<65536xf32, #tpu.memory_space<vmem>>[vector<16xi32>], vector<16xf32>,
        %mul3A_289 = arith.constant 16 : i32
        %mul3A_290 = arith.muli %scan3A_52, %mul3A_289 : i32
        %swap3A_291 = arith.constant 23 : i32
        %swap3A_292 = arith.index_cast %swap3A_291 : i32 to index
        %swap3A_293 = arith.index_cast %mul3A_290 : i32 to index
        %swap3A_294 = tpu.vector_load %arg7[%swap3A_292, %swap3A_293] {strides = array<i32>} : memref<128x256xf32, #tpu.memory_space<vmem>>, vector<16xf32>,
        tpu.vector_store %arg7[%swap3A_292, %swap3A_293], %gather3A_288 {strides = array<i32>} : memref<128x256xf32, #tpu.memory_space<vmem>>, vector<16xf32>,
        %add3A_295 = arith.constant 12288 : i32
        %add3A_296 = vector.broadcast %add3A_295 : i32 to vector<16xi32>
        %add3A_297 = arith.addi %get3A_56, %add3A_296 : vector<16xi32>
        %gather3A_298 = tpu.vector_load_idx %arg5[%add3A_297] : memref<65536xf32, #tpu.memory_space<vmem>>[vector<16xi32>], vector<16xf32>,
        %mul3A_299 = arith.constant 16 : i32
        %mul3A_300 = arith.muli %scan3A_52, %mul3A_299 : i32
        %swap3A_301 = arith.constant 24 : i32
        %swap3A_302 = arith.index_cast %swap3A_301 : i32 to index
        %swap3A_303 = arith.index_cast %mul3A_300 : i32 to index
        %swap3A_304 = tpu.vector_load %arg7[%swap3A_302, %swap3A_303] {strides = array<i32>} : memref<128x256xf32, #tpu.memory_space<vmem>>, vector<16xf32>,
        tpu.vector_store %arg7[%swap3A_302, %swap3A_303], %gather3A_298 {strides = array<i32>} : memref<128x256xf32, #tpu.memory_space<vmem>>, vector<16xf32>,
        %add3A_305 = arith.constant 12800 : i32
        %add3A_306 = vector.broadcast %add3A_305 : i32 to vector<16xi32>
        %add3A_307 = arith.addi %get3A_56, %add3A_306 : vector<16xi32>
        %gather3A_308 = tpu.vector_load_idx %arg5[%add3A_307] : memref<65536xf32, #tpu.memory_space<vmem>>[vector<16xi32>], vector<16xf32>,
        %mul3A_309 = arith.constant 16 : i32
        %mul3A_310 = arith.muli %scan3A_52, %mul3A_309 : i32
        %swap3A_311 = arith.constant 25 : i32
        %swap3A_312 = arith.index_cast %swap3A_311 : i32 to index
        %swap3A_313 = arith.index_cast %mul3A_310 : i32 to index
        %swap3A_314 = tpu.vector_load %arg7[%swap3A_312, %swap3A_313] {strides = array<i32>} : memref<128x256xf32, #tpu.memory_space<vmem>>, vector<16xf32>,
        tpu.vector_store %arg7[%swap3A_312, %swap3A_313], %gather3A_308 {strides = array<i32>} : memref<128x256xf32, #tpu.memory_space<vmem>>, vector<16xf32>,
        %add3A_315 = arith.constant 13312 : i32
        %add3A_316 = vector.broadcast %add3A_315 : i32 to vector<16xi32>
        %add3A_317 = arith.addi %get3A_56, %add3A_316 : vector<16xi32>
        %gather3A_318 = tpu.vector_load_idx %arg5[%add3A_317] : memref<65536xf32, #tpu.memory_space<vmem>>[vector<16xi32>], vector<16xf32>,
        %mul3A_319 = arith.constant 16 : i32
        %mul3A_320 = arith.muli %scan3A_52, %mul3A_319 : i32
        %swap3A_321 = arith.constant 26 : i32
        %swap3A_322 = arith.index_cast %swap3A_321 : i32 to index
        %swap3A_323 = arith.index_cast %mul3A_320 : i32 to index
        %swap3A_324 = tpu.vector_load %arg7[%swap3A_322, %swap3A_323] {strides = array<i32>} : memref<128x256xf32, #tpu.memory_space<vmem>>, vector<16xf32>,
        tpu.vector_store %arg7[%swap3A_322, %swap3A_323], %gather3A_318 {strides = array<i32>} : memref<128x256xf32, #tpu.memory_space<vmem>>, vector<16xf32>,
        %add3A_325 = arith.constant 13824 : i32
        %add3A_326 = vector.broadcast %add3A_325 : i32 to vector<16xi32>
        %add3A_327 = arith.addi %get3A_56, %add3A_326 : vector<16xi32>
        %gather3A_328 = tpu.vector_load_idx %arg5[%add3A_327] : memref<65536xf32, #tpu.memory_space<vmem>>[vector<16xi32>], vector<16xf32>,
        %mul3A_329 = arith.constant 16 : i32
        %mul3A_330 = arith.muli %scan3A_52, %mul3A_329 : i32
        %swap3A_331 = arith.constant 27 : i32
        %swap3A_332 = arith.index_cast %swap3A_331 : i32 to index
        %swap3A_333 = arith.index_cast %mul3A_330 : i32 to index
        %swap3A_334 = tpu.vector_load %arg7[%swap3A_332, %swap3A_333] {strides = array<i32>} : memref<128x256xf32, #tpu.memory_space<vmem>>, vector<16xf32>,
        tpu.vector_store %arg7[%swap3A_332, %swap3A_333], %gather3A_328 {strides = array<i32>} : memref<128x256xf32, #tpu.memory_space<vmem>>, vector<16xf32>,
        %add3A_335 = arith.constant 14336 : i32
        %add3A_336 = vector.broadcast %add3A_335 : i32 to vector<16xi32>
        %add3A_337 = arith.addi %get3A_56, %add3A_336 : vector<16xi32>
        %gather3A_338 = tpu.vector_load_idx %arg5[%add3A_337] : memref<65536xf32, #tpu.memory_space<vmem>>[vector<16xi32>], vector<16xf32>,
        %mul3A_339 = arith.constant 16 : i32
        %mul3A_340 = arith.muli %scan3A_52, %mul3A_339 : i32
        %swap3A_341 = arith.constant 28 : i32
        %swap3A_342 = arith.index_cast %swap3A_341 : i32 to index
        %swap3A_343 = arith.index_cast %mul3A_340 : i32 to index
        %swap3A_344 = tpu.vector_load %arg7[%swap3A_342, %swap3A_343] {strides = array<i32>} : memref<128x256xf32, #tpu.memory_space<vmem>>, vector<16xf32>,
        tpu.vector_store %arg7[%swap3A_342, %swap3A_343], %gather3A_338 {strides = array<i32>} : memref<128x256xf32, #tpu.memory_space<vmem>>, vector<16xf32>,
        %add3A_345 = arith.constant 14848 : i32
        %add3A_346 = vector.broadcast %add3A_345 : i32 to vector<16xi32>
        %add3A_347 = arith.addi %get3A_56, %add3A_346 : vector<16xi32>
        %gather3A_348 = tpu.vector_load_idx %arg5[%add3A_347] : memref<65536xf32, #tpu.memory_space<vmem>>[vector<16xi32>], vector<16xf32>,
        %mul3A_349 = arith.constant 16 : i32
        %mul3A_350 = arith.muli %scan3A_52, %mul3A_349 : i32
        %swap3A_351 = arith.constant 29 : i32
        %swap3A_352 = arith.index_cast %swap3A_351 : i32 to index
        %swap3A_353 = arith.index_cast %mul3A_350 : i32 to index
        %swap3A_354 = tpu.vector_load %arg7[%swap3A_352, %swap3A_353] {strides = array<i32>} : memref<128x256xf32, #tpu.memory_space<vmem>>, vector<16xf32>,
        tpu.vector_store %arg7[%swap3A_352, %swap3A_353], %gather3A_348 {strides = array<i32>} : memref<128x256xf32, #tpu.memory_space<vmem>>, vector<16xf32>,
        %add3A_355 = arith.constant 15360 : i32
        %add3A_356 = vector.broadcast %add3A_355 : i32 to vector<16xi32>
        %add3A_357 = arith.addi %get3A_56, %add3A_356 : vector<16xi32>
        %gather3A_358 = tpu.vector_load_idx %arg5[%add3A_357] : memref<65536xf32, #tpu.memory_space<vmem>>[vector<16xi32>], vector<16xf32>,
        %mul3A_359 = arith.constant 16 : i32
        %mul3A_360 = arith.muli %scan3A_52, %mul3A_359 : i32
        %swap3A_361 = arith.constant 30 : i32
        %swap3A_362 = arith.index_cast %swap3A_361 : i32 to index
        %swap3A_363 = arith.index_cast %mul3A_360 : i32 to index
        %swap3A_364 = tpu.vector_load %arg7[%swap3A_362, %swap3A_363] {strides = array<i32>} : memref<128x256xf32, #tpu.memory_space<vmem>>, vector<16xf32>,
        tpu.vector_store %arg7[%swap3A_362, %swap3A_363], %gather3A_358 {strides = array<i32>} : memref<128x256xf32, #tpu.memory_space<vmem>>, vector<16xf32>,
        %add3A_365 = arith.constant 15872 : i32
        %add3A_366 = vector.broadcast %add3A_365 : i32 to vector<16xi32>
        %add3A_367 = arith.addi %get3A_56, %add3A_366 : vector<16xi32>
        %gather3A_368 = tpu.vector_load_idx %arg5[%add3A_367] : memref<65536xf32, #tpu.memory_space<vmem>>[vector<16xi32>], vector<16xf32>,
        %mul3A_369 = arith.constant 16 : i32
        %mul3A_370 = arith.muli %scan3A_52, %mul3A_369 : i32
        %swap3A_371 = arith.constant 31 : i32
        %swap3A_372 = arith.index_cast %swap3A_371 : i32 to index
        %swap3A_373 = arith.index_cast %mul3A_370 : i32 to index
        %swap3A_374 = tpu.vector_load %arg7[%swap3A_372, %swap3A_373] {strides = array<i32>} : memref<128x256xf32, #tpu.memory_space<vmem>>, vector<16xf32>,
        tpu.vector_store %arg7[%swap3A_372, %swap3A_373], %gather3A_368 {strides = array<i32>} : memref<128x256xf32, #tpu.memory_space<vmem>>, vector<16xf32>,
        %add3A_375 = arith.constant 16384 : i32
        %add3A_376 = vector.broadcast %add3A_375 : i32 to vector<16xi32>
        %add3A_377 = arith.addi %get3A_56, %add3A_376 : vector<16xi32>
        %gather3A_378 = tpu.vector_load_idx %arg5[%add3A_377] : memref<65536xf32, #tpu.memory_space<vmem>>[vector<16xi32>], vector<16xf32>,
        %mul3A_379 = arith.constant 16 : i32
        %mul3A_380 = arith.muli %scan3A_52, %mul3A_379 : i32
        %swap3A_381 = arith.constant 32 : i32
        %swap3A_382 = arith.index_cast %swap3A_381 : i32 to index
        %swap3A_383 = arith.index_cast %mul3A_380 : i32 to index
        %swap3A_384 = tpu.vector_load %arg7[%swap3A_382, %swap3A_383] {strides = array<i32>} : memref<128x256xf32, #tpu.memory_space<vmem>>, vector<16xf32>,
        tpu.vector_store %arg7[%swap3A_382, %swap3A_383], %gather3A_378 {strides = array<i32>} : memref<128x256xf32, #tpu.memory_space<vmem>>, vector<16xf32>,
        %add3A_385 = arith.constant 16896 : i32
        %add3A_386 = vector.broadcast %add3A_385 : i32 to vector<16xi32>
        %add3A_387 = arith.addi %get3A_56, %add3A_386 : vector<16xi32>
        %gather3A_388 = tpu.vector_load_idx %arg5[%add3A_387] : memref<65536xf32, #tpu.memory_space<vmem>>[vector<16xi32>], vector<16xf32>,
        %mul3A_389 = arith.constant 16 : i32
        %mul3A_390 = arith.muli %scan3A_52, %mul3A_389 : i32
        %swap3A_391 = arith.constant 33 : i32
        %swap3A_392 = arith.index_cast %swap3A_391 : i32 to index
        %swap3A_393 = arith.index_cast %mul3A_390 : i32 to index
        %swap3A_394 = tpu.vector_load %arg7[%swap3A_392, %swap3A_393] {strides = array<i32>} : memref<128x256xf32, #tpu.memory_space<vmem>>, vector<16xf32>,
        tpu.vector_store %arg7[%swap3A_392, %swap3A_393], %gather3A_388 {strides = array<i32>} : memref<128x256xf32, #tpu.memory_space<vmem>>, vector<16xf32>,
        %add3A_395 = arith.constant 17408 : i32
        %add3A_396 = vector.broadcast %add3A_395 : i32 to vector<16xi32>
        %add3A_397 = arith.addi %get3A_56, %add3A_396 : vector<16xi32>
        %gather3A_398 = tpu.vector_load_idx %arg5[%add3A_397] : memref<65536xf32, #tpu.memory_space<vmem>>[vector<16xi32>], vector<16xf32>,
        %mul3A_399 = arith.constant 16 : i32
        %mul3A_400 = arith.muli %scan3A_52, %mul3A_399 : i32
        %swap3A_401 = arith.constant 34 : i32
        %swap3A_402 = arith.index_cast %swap3A_401 : i32 to index
        %swap3A_403 = arith.index_cast %mul3A_400 : i32 to index
        %swap3A_404 = tpu.vector_load %arg7[%swap3A_402, %swap3A_403] {strides = array<i32>} : memref<128x256xf32, #tpu.memory_space<vmem>>, vector<16xf32>,
        tpu.vector_store %arg7[%swap3A_402, %swap3A_403], %gather3A_398 {strides = array<i32>} : memref<128x256xf32, #tpu.memory_space<vmem>>, vector<16xf32>,
        %add3A_405 = arith.constant 17920 : i32
        %add3A_406 = vector.broadcast %add3A_405 : i32 to vector<16xi32>
        %add3A_407 = arith.addi %get3A_56, %add3A_406 : vector<16xi32>
        %gather3A_408 = tpu.vector_load_idx %arg5[%add3A_407] : memref<65536xf32, #tpu.memory_space<vmem>>[vector<16xi32>], vector<16xf32>,
        %mul3A_409 = arith.constant 16 : i32
        %mul3A_410 = arith.muli %scan3A_52, %mul3A_409 : i32
        %swap3A_411 = arith.constant 35 : i32
        %swap3A_412 = arith.index_cast %swap3A_411 : i32 to index
        %swap3A_413 = arith.index_cast %mul3A_410 : i32 to index
        %swap3A_414 = tpu.vector_load %arg7[%swap3A_412, %swap3A_413] {strides = array<i32>} : memref<128x256xf32, #tpu.memory_space<vmem>>, vector<16xf32>,
        tpu.vector_store %arg7[%swap3A_412, %swap3A_413], %gather3A_408 {strides = array<i32>} : memref<128x256xf32, #tpu.memory_space<vmem>>, vector<16xf32>,
        %add3A_415 = arith.constant 18432 : i32
        %add3A_416 = vector.broadcast %add3A_415 : i32 to vector<16xi32>
        %add3A_417 = arith.addi %get3A_56, %add3A_416 : vector<16xi32>
        %gather3A_418 = tpu.vector_load_idx %arg5[%add3A_417] : memref<65536xf32, #tpu.memory_space<vmem>>[vector<16xi32>], vector<16xf32>,
        %mul3A_419 = arith.constant 16 : i32
        %mul3A_420 = arith.muli %scan3A_52, %mul3A_419 : i32
        %swap3A_421 = arith.constant 36 : i32
        %swap3A_422 = arith.index_cast %swap3A_421 : i32 to index
        %swap3A_423 = arith.index_cast %mul3A_420 : i32 to index
        %swap3A_424 = tpu.vector_load %arg7[%swap3A_422, %swap3A_423] {strides = array<i32>} : memref<128x256xf32, #tpu.memory_space<vmem>>, vector<16xf32>,
        tpu.vector_store %arg7[%swap3A_422, %swap3A_423], %gather3A_418 {strides = array<i32>} : memref<128x256xf32, #tpu.memory_space<vmem>>, vector<16xf32>,
        %add3A_425 = arith.constant 18944 : i32
        %add3A_426 = vector.broadcast %add3A_425 : i32 to vector<16xi32>
        %add3A_427 = arith.addi %get3A_56, %add3A_426 : vector<16xi32>
        %gather3A_428 = tpu.vector_load_idx %arg5[%add3A_427] : memref<65536xf32, #tpu.memory_space<vmem>>[vector<16xi32>], vector<16xf32>,
        %mul3A_429 = arith.constant 16 : i32
        %mul3A_430 = arith.muli %scan3A_52, %mul3A_429 : i32
        %swap3A_431 = arith.constant 37 : i32
        %swap3A_432 = arith.index_cast %swap3A_431 : i32 to index
        %swap3A_433 = arith.index_cast %mul3A_430 : i32 to index
        %swap3A_434 = tpu.vector_load %arg7[%swap3A_432, %swap3A_433] {strides = array<i32>} : memref<128x256xf32, #tpu.memory_space<vmem>>, vector<16xf32>,
        tpu.vector_store %arg7[%swap3A_432, %swap3A_433], %gather3A_428 {strides = array<i32>} : memref<128x256xf32, #tpu.memory_space<vmem>>, vector<16xf32>,
        %add3A_435 = arith.constant 19456 : i32
        %add3A_436 = vector.broadcast %add3A_435 : i32 to vector<16xi32>
        %add3A_437 = arith.addi %get3A_56, %add3A_436 : vector<16xi32>
        %gather3A_438 = tpu.vector_load_idx %arg5[%add3A_437] : memref<65536xf32, #tpu.memory_space<vmem>>[vector<16xi32>], vector<16xf32>,
        %mul3A_439 = arith.constant 16 : i32
        %mul3A_440 = arith.muli %scan3A_52, %mul3A_439 : i32
        %swap3A_441 = arith.constant 38 : i32
        %swap3A_442 = arith.index_cast %swap3A_441 : i32 to index
        %swap3A_443 = arith.index_cast %mul3A_440 : i32 to index
        %swap3A_444 = tpu.vector_load %arg7[%swap3A_442, %swap3A_443] {strides = array<i32>} : memref<128x256xf32, #tpu.memory_space<vmem>>, vector<16xf32>,
        tpu.vector_store %arg7[%swap3A_442, %swap3A_443], %gather3A_438 {strides = array<i32>} : memref<128x256xf32, #tpu.memory_space<vmem>>, vector<16xf32>,
        %add3A_445 = arith.constant 19968 : i32
        %add3A_446 = vector.broadcast %add3A_445 : i32 to vector<16xi32>
        %add3A_447 = arith.addi %get3A_56, %add3A_446 : vector<16xi32>
        %gather3A_448 = tpu.vector_load_idx %arg5[%add3A_447] : memref<65536xf32, #tpu.memory_space<vmem>>[vector<16xi32>], vector<16xf32>,
        %mul3A_449 = arith.constant 16 : i32
        %mul3A_450 = arith.muli %scan3A_52, %mul3A_449 : i32
        %swap3A_451 = arith.constant 39 : i32
        %swap3A_452 = arith.index_cast %swap3A_451 : i32 to index
        %swap3A_453 = arith.index_cast %mul3A_450 : i32 to index
        %swap3A_454 = tpu.vector_load %arg7[%swap3A_452, %swap3A_453] {strides = array<i32>} : memref<128x256xf32, #tpu.memory_space<vmem>>, vector<16xf32>,
        tpu.vector_store %arg7[%swap3A_452, %swap3A_453], %gather3A_448 {strides = array<i32>} : memref<128x256xf32, #tpu.memory_space<vmem>>, vector<16xf32>,
        %add3A_455 = arith.constant 20480 : i32
        %add3A_456 = vector.broadcast %add3A_455 : i32 to vector<16xi32>
        %add3A_457 = arith.addi %get3A_56, %add3A_456 : vector<16xi32>
        %gather3A_458 = tpu.vector_load_idx %arg5[%add3A_457] : memref<65536xf32, #tpu.memory_space<vmem>>[vector<16xi32>], vector<16xf32>,
        %mul3A_459 = arith.constant 16 : i32
        %mul3A_460 = arith.muli %scan3A_52, %mul3A_459 : i32
        %swap3A_461 = arith.constant 40 : i32
        %swap3A_462 = arith.index_cast %swap3A_461 : i32 to index
        %swap3A_463 = arith.index_cast %mul3A_460 : i32 to index
        %swap3A_464 = tpu.vector_load %arg7[%swap3A_462, %swap3A_463] {strides = array<i32>} : memref<128x256xf32, #tpu.memory_space<vmem>>, vector<16xf32>,
        tpu.vector_store %arg7[%swap3A_462, %swap3A_463], %gather3A_458 {strides = array<i32>} : memref<128x256xf32, #tpu.memory_space<vmem>>, vector<16xf32>,
        %add3A_465 = arith.constant 20992 : i32
        %add3A_466 = vector.broadcast %add3A_465 : i32 to vector<16xi32>
        %add3A_467 = arith.addi %get3A_56, %add3A_466 : vector<16xi32>
        %gather3A_468 = tpu.vector_load_idx %arg5[%add3A_467] : memref<65536xf32, #tpu.memory_space<vmem>>[vector<16xi32>], vector<16xf32>,
        %mul3A_469 = arith.constant 16 : i32
        %mul3A_470 = arith.muli %scan3A_52, %mul3A_469 : i32
        %swap3A_471 = arith.constant 41 : i32
        %swap3A_472 = arith.index_cast %swap3A_471 : i32 to index
        %swap3A_473 = arith.index_cast %mul3A_470 : i32 to index
        %swap3A_474 = tpu.vector_load %arg7[%swap3A_472, %swap3A_473] {strides = array<i32>} : memref<128x256xf32, #tpu.memory_space<vmem>>, vector<16xf32>,
        tpu.vector_store %arg7[%swap3A_472, %swap3A_473], %gather3A_468 {strides = array<i32>} : memref<128x256xf32, #tpu.memory_space<vmem>>, vector<16xf32>,
        %add3A_475 = arith.constant 21504 : i32
        %add3A_476 = vector.broadcast %add3A_475 : i32 to vector<16xi32>
        %add3A_477 = arith.addi %get3A_56, %add3A_476 : vector<16xi32>
        %gather3A_478 = tpu.vector_load_idx %arg5[%add3A_477] : memref<65536xf32, #tpu.memory_space<vmem>>[vector<16xi32>], vector<16xf32>,
        %mul3A_479 = arith.constant 16 : i32
        %mul3A_480 = arith.muli %scan3A_52, %mul3A_479 : i32
        %swap3A_481 = arith.constant 42 : i32
        %swap3A_482 = arith.index_cast %swap3A_481 : i32 to index
        %swap3A_483 = arith.index_cast %mul3A_480 : i32 to index
        %swap3A_484 = tpu.vector_load %arg7[%swap3A_482, %swap3A_483] {strides = array<i32>} : memref<128x256xf32, #tpu.memory_space<vmem>>, vector<16xf32>,
        tpu.vector_store %arg7[%swap3A_482, %swap3A_483], %gather3A_478 {strides = array<i32>} : memref<128x256xf32, #tpu.memory_space<vmem>>, vector<16xf32>,
        %add3A_485 = arith.constant 22016 : i32
        %add3A_486 = vector.broadcast %add3A_485 : i32 to vector<16xi32>
        %add3A_487 = arith.addi %get3A_56, %add3A_486 : vector<16xi32>
        %gather3A_488 = tpu.vector_load_idx %arg5[%add3A_487] : memref<65536xf32, #tpu.memory_space<vmem>>[vector<16xi32>], vector<16xf32>,
        %mul3A_489 = arith.constant 16 : i32
        %mul3A_490 = arith.muli %scan3A_52, %mul3A_489 : i32
        %swap3A_491 = arith.constant 43 : i32
        %swap3A_492 = arith.index_cast %swap3A_491 : i32 to index
        %swap3A_493 = arith.index_cast %mul3A_490 : i32 to index
        %swap3A_494 = tpu.vector_load %arg7[%swap3A_492, %swap3A_493] {strides = array<i32>} : memref<128x256xf32, #tpu.memory_space<vmem>>, vector<16xf32>,
        tpu.vector_store %arg7[%swap3A_492, %swap3A_493], %gather3A_488 {strides = array<i32>} : memref<128x256xf32, #tpu.memory_space<vmem>>, vector<16xf32>,
        %add3A_495 = arith.constant 22528 : i32
        %add3A_496 = vector.broadcast %add3A_495 : i32 to vector<16xi32>
        %add3A_497 = arith.addi %get3A_56, %add3A_496 : vector<16xi32>
        %gather3A_498 = tpu.vector_load_idx %arg5[%add3A_497] : memref<65536xf32, #tpu.memory_space<vmem>>[vector<16xi32>], vector<16xf32>,
        %mul3A_499 = arith.constant 16 : i32
        %mul3A_500 = arith.muli %scan3A_52, %mul3A_499 : i32
        %swap3A_501 = arith.constant 44 : i32
        %swap3A_502 = arith.index_cast %swap3A_501 : i32 to index
        %swap3A_503 = arith.index_cast %mul3A_500 : i32 to index
        %swap3A_504 = tpu.vector_load %arg7[%swap3A_502, %swap3A_503] {strides = array<i32>} : memref<128x256xf32, #tpu.memory_space<vmem>>, vector<16xf32>,
        tpu.vector_store %arg7[%swap3A_502, %swap3A_503], %gather3A_498 {strides = array<i32>} : memref<128x256xf32, #tpu.memory_space<vmem>>, vector<16xf32>,
        %add3A_505 = arith.constant 23040 : i32
        %add3A_506 = vector.broadcast %add3A_505 : i32 to vector<16xi32>
        %add3A_507 = arith.addi %get3A_56, %add3A_506 : vector<16xi32>
        %gather3A_508 = tpu.vector_load_idx %arg5[%add3A_507] : memref<65536xf32, #tpu.memory_space<vmem>>[vector<16xi32>], vector<16xf32>,
        %mul3A_509 = arith.constant 16 : i32
        %mul3A_510 = arith.muli %scan3A_52, %mul3A_509 : i32
        %swap3A_511 = arith.constant 45 : i32
        %swap3A_512 = arith.index_cast %swap3A_511 : i32 to index
        %swap3A_513 = arith.index_cast %mul3A_510 : i32 to index
        %swap3A_514 = tpu.vector_load %arg7[%swap3A_512, %swap3A_513] {strides = array<i32>} : memref<128x256xf32, #tpu.memory_space<vmem>>, vector<16xf32>,
        tpu.vector_store %arg7[%swap3A_512, %swap3A_513], %gather3A_508 {strides = array<i32>} : memref<128x256xf32, #tpu.memory_space<vmem>>, vector<16xf32>,
        %add3A_515 = arith.constant 23552 : i32
        %add3A_516 = vector.broadcast %add3A_515 : i32 to vector<16xi32>
        %add3A_517 = arith.addi %get3A_56, %add3A_516 : vector<16xi32>
        %gather3A_518 = tpu.vector_load_idx %arg5[%add3A_517] : memref<65536xf32, #tpu.memory_space<vmem>>[vector<16xi32>], vector<16xf32>,
        %mul3A_519 = arith.constant 16 : i32
        %mul3A_520 = arith.muli %scan3A_52, %mul3A_519 : i32
        %swap3A_521 = arith.constant 46 : i32
        %swap3A_522 = arith.index_cast %swap3A_521 : i32 to index
        %swap3A_523 = arith.index_cast %mul3A_520 : i32 to index
        %swap3A_524 = tpu.vector_load %arg7[%swap3A_522, %swap3A_523] {strides = array<i32>} : memref<128x256xf32, #tpu.memory_space<vmem>>, vector<16xf32>,
        tpu.vector_store %arg7[%swap3A_522, %swap3A_523], %gather3A_518 {strides = array<i32>} : memref<128x256xf32, #tpu.memory_space<vmem>>, vector<16xf32>,
        %add3A_525 = arith.constant 24064 : i32
        %add3A_526 = vector.broadcast %add3A_525 : i32 to vector<16xi32>
        %add3A_527 = arith.addi %get3A_56, %add3A_526 : vector<16xi32>
        %gather3A_528 = tpu.vector_load_idx %arg5[%add3A_527] : memref<65536xf32, #tpu.memory_space<vmem>>[vector<16xi32>], vector<16xf32>,
        %mul3A_529 = arith.constant 16 : i32
        %mul3A_530 = arith.muli %scan3A_52, %mul3A_529 : i32
        %swap3A_531 = arith.constant 47 : i32
        %swap3A_532 = arith.index_cast %swap3A_531 : i32 to index
        %swap3A_533 = arith.index_cast %mul3A_530 : i32 to index
        %swap3A_534 = tpu.vector_load %arg7[%swap3A_532, %swap3A_533] {strides = array<i32>} : memref<128x256xf32, #tpu.memory_space<vmem>>, vector<16xf32>,
        tpu.vector_store %arg7[%swap3A_532, %swap3A_533], %gather3A_528 {strides = array<i32>} : memref<128x256xf32, #tpu.memory_space<vmem>>, vector<16xf32>,
        %add3A_535 = arith.constant 24576 : i32
        %add3A_536 = vector.broadcast %add3A_535 : i32 to vector<16xi32>
        %add3A_537 = arith.addi %get3A_56, %add3A_536 : vector<16xi32>
        %gather3A_538 = tpu.vector_load_idx %arg5[%add3A_537] : memref<65536xf32, #tpu.memory_space<vmem>>[vector<16xi32>], vector<16xf32>,
        %mul3A_539 = arith.constant 16 : i32
        %mul3A_540 = arith.muli %scan3A_52, %mul3A_539 : i32
        %swap3A_541 = arith.constant 48 : i32
        %swap3A_542 = arith.index_cast %swap3A_541 : i32 to index
        %swap3A_543 = arith.index_cast %mul3A_540 : i32 to index
        %swap3A_544 = tpu.vector_load %arg7[%swap3A_542, %swap3A_543] {strides = array<i32>} : memref<128x256xf32, #tpu.memory_space<vmem>>, vector<16xf32>,
        tpu.vector_store %arg7[%swap3A_542, %swap3A_543], %gather3A_538 {strides = array<i32>} : memref<128x256xf32, #tpu.memory_space<vmem>>, vector<16xf32>,
        %add3A_545 = arith.constant 25088 : i32
        %add3A_546 = vector.broadcast %add3A_545 : i32 to vector<16xi32>
        %add3A_547 = arith.addi %get3A_56, %add3A_546 : vector<16xi32>
        %gather3A_548 = tpu.vector_load_idx %arg5[%add3A_547] : memref<65536xf32, #tpu.memory_space<vmem>>[vector<16xi32>], vector<16xf32>,
        %mul3A_549 = arith.constant 16 : i32
        %mul3A_550 = arith.muli %scan3A_52, %mul3A_549 : i32
        %swap3A_551 = arith.constant 49 : i32
        %swap3A_552 = arith.index_cast %swap3A_551 : i32 to index
        %swap3A_553 = arith.index_cast %mul3A_550 : i32 to index
        %swap3A_554 = tpu.vector_load %arg7[%swap3A_552, %swap3A_553] {strides = array<i32>} : memref<128x256xf32, #tpu.memory_space<vmem>>, vector<16xf32>,
        tpu.vector_store %arg7[%swap3A_552, %swap3A_553], %gather3A_548 {strides = array<i32>} : memref<128x256xf32, #tpu.memory_space<vmem>>, vector<16xf32>,
        %add3A_555 = arith.constant 25600 : i32
        %add3A_556 = vector.broadcast %add3A_555 : i32 to vector<16xi32>
        %add3A_557 = arith.addi %get3A_56, %add3A_556 : vector<16xi32>
        %gather3A_558 = tpu.vector_load_idx %arg5[%add3A_557] : memref<65536xf32, #tpu.memory_space<vmem>>[vector<16xi32>], vector<16xf32>,
        %mul3A_559 = arith.constant 16 : i32
        %mul3A_560 = arith.muli %scan3A_52, %mul3A_559 : i32
        %swap3A_561 = arith.constant 50 : i32
        %swap3A_562 = arith.index_cast %swap3A_561 : i32 to index
        %swap3A_563 = arith.index_cast %mul3A_560 : i32 to index
        %swap3A_564 = tpu.vector_load %arg7[%swap3A_562, %swap3A_563] {strides = array<i32>} : memref<128x256xf32, #tpu.memory_space<vmem>>, vector<16xf32>,
        tpu.vector_store %arg7[%swap3A_562, %swap3A_563], %gather3A_558 {strides = array<i32>} : memref<128x256xf32, #tpu.memory_space<vmem>>, vector<16xf32>,
        %add3A_565 = arith.constant 26112 : i32
        %add3A_566 = vector.broadcast %add3A_565 : i32 to vector<16xi32>
        %add3A_567 = arith.addi %get3A_56, %add3A_566 : vector<16xi32>
        %gather3A_568 = tpu.vector_load_idx %arg5[%add3A_567] : memref<65536xf32, #tpu.memory_space<vmem>>[vector<16xi32>], vector<16xf32>,
        %mul3A_569 = arith.constant 16 : i32
        %mul3A_570 = arith.muli %scan3A_52, %mul3A_569 : i32
        %swap3A_571 = arith.constant 51 : i32
        %swap3A_572 = arith.index_cast %swap3A_571 : i32 to index
        %swap3A_573 = arith.index_cast %mul3A_570 : i32 to index
        %swap3A_574 = tpu.vector_load %arg7[%swap3A_572, %swap3A_573] {strides = array<i32>} : memref<128x256xf32, #tpu.memory_space<vmem>>, vector<16xf32>,
        tpu.vector_store %arg7[%swap3A_572, %swap3A_573], %gather3A_568 {strides = array<i32>} : memref<128x256xf32, #tpu.memory_space<vmem>>, vector<16xf32>,
        %add3A_575 = arith.constant 26624 : i32
        %add3A_576 = vector.broadcast %add3A_575 : i32 to vector<16xi32>
        %add3A_577 = arith.addi %get3A_56, %add3A_576 : vector<16xi32>
        %gather3A_578 = tpu.vector_load_idx %arg5[%add3A_577] : memref<65536xf32, #tpu.memory_space<vmem>>[vector<16xi32>], vector<16xf32>,
        %mul3A_579 = arith.constant 16 : i32
        %mul3A_580 = arith.muli %scan3A_52, %mul3A_579 : i32
        %swap3A_581 = arith.constant 52 : i32
        %swap3A_582 = arith.index_cast %swap3A_581 : i32 to index
        %swap3A_583 = arith.index_cast %mul3A_580 : i32 to index
        %swap3A_584 = tpu.vector_load %arg7[%swap3A_582, %swap3A_583] {strides = array<i32>} : memref<128x256xf32, #tpu.memory_space<vmem>>, vector<16xf32>,
        tpu.vector_store %arg7[%swap3A_582, %swap3A_583], %gather3A_578 {strides = array<i32>} : memref<128x256xf32, #tpu.memory_space<vmem>>, vector<16xf32>,
        %add3A_585 = arith.constant 27136 : i32
        %add3A_586 = vector.broadcast %add3A_585 : i32 to vector<16xi32>
        %add3A_587 = arith.addi %get3A_56, %add3A_586 : vector<16xi32>
        %gather3A_588 = tpu.vector_load_idx %arg5[%add3A_587] : memref<65536xf32, #tpu.memory_space<vmem>>[vector<16xi32>], vector<16xf32>,
        %mul3A_589 = arith.constant 16 : i32
        %mul3A_590 = arith.muli %scan3A_52, %mul3A_589 : i32
        %swap3A_591 = arith.constant 53 : i32
        %swap3A_592 = arith.index_cast %swap3A_591 : i32 to index
        %swap3A_593 = arith.index_cast %mul3A_590 : i32 to index
        %swap3A_594 = tpu.vector_load %arg7[%swap3A_592, %swap3A_593] {strides = array<i32>} : memref<128x256xf32, #tpu.memory_space<vmem>>, vector<16xf32>,
        tpu.vector_store %arg7[%swap3A_592, %swap3A_593], %gather3A_588 {strides = array<i32>} : memref<128x256xf32, #tpu.memory_space<vmem>>, vector<16xf32>,
        %add3A_595 = arith.constant 27648 : i32
        %add3A_596 = vector.broadcast %add3A_595 : i32 to vector<16xi32>
        %add3A_597 = arith.addi %get3A_56, %add3A_596 : vector<16xi32>
        %gather3A_598 = tpu.vector_load_idx %arg5[%add3A_597] : memref<65536xf32, #tpu.memory_space<vmem>>[vector<16xi32>], vector<16xf32>,
        %mul3A_599 = arith.constant 16 : i32
        %mul3A_600 = arith.muli %scan3A_52, %mul3A_599 : i32
        %swap3A_601 = arith.constant 54 : i32
        %swap3A_602 = arith.index_cast %swap3A_601 : i32 to index
        %swap3A_603 = arith.index_cast %mul3A_600 : i32 to index
        %swap3A_604 = tpu.vector_load %arg7[%swap3A_602, %swap3A_603] {strides = array<i32>} : memref<128x256xf32, #tpu.memory_space<vmem>>, vector<16xf32>,
        tpu.vector_store %arg7[%swap3A_602, %swap3A_603], %gather3A_598 {strides = array<i32>} : memref<128x256xf32, #tpu.memory_space<vmem>>, vector<16xf32>,
        %add3A_605 = arith.constant 28160 : i32
        %add3A_606 = vector.broadcast %add3A_605 : i32 to vector<16xi32>
        %add3A_607 = arith.addi %get3A_56, %add3A_606 : vector<16xi32>
        %gather3A_608 = tpu.vector_load_idx %arg5[%add3A_607] : memref<65536xf32, #tpu.memory_space<vmem>>[vector<16xi32>], vector<16xf32>,
        %mul3A_609 = arith.constant 16 : i32
        %mul3A_610 = arith.muli %scan3A_52, %mul3A_609 : i32
        %swap3A_611 = arith.constant 55 : i32
        %swap3A_612 = arith.index_cast %swap3A_611 : i32 to index
        %swap3A_613 = arith.index_cast %mul3A_610 : i32 to index
        %swap3A_614 = tpu.vector_load %arg7[%swap3A_612, %swap3A_613] {strides = array<i32>} : memref<128x256xf32, #tpu.memory_space<vmem>>, vector<16xf32>,
        tpu.vector_store %arg7[%swap3A_612, %swap3A_613], %gather3A_608 {strides = array<i32>} : memref<128x256xf32, #tpu.memory_space<vmem>>, vector<16xf32>,
        %add3A_615 = arith.constant 28672 : i32
        %add3A_616 = vector.broadcast %add3A_615 : i32 to vector<16xi32>
        %add3A_617 = arith.addi %get3A_56, %add3A_616 : vector<16xi32>
        %gather3A_618 = tpu.vector_load_idx %arg5[%add3A_617] : memref<65536xf32, #tpu.memory_space<vmem>>[vector<16xi32>], vector<16xf32>,
        %mul3A_619 = arith.constant 16 : i32
        %mul3A_620 = arith.muli %scan3A_52, %mul3A_619 : i32
        %swap3A_621 = arith.constant 56 : i32
        %swap3A_622 = arith.index_cast %swap3A_621 : i32 to index
        %swap3A_623 = arith.index_cast %mul3A_620 : i32 to index
        %swap3A_624 = tpu.vector_load %arg7[%swap3A_622, %swap3A_623] {strides = array<i32>} : memref<128x256xf32, #tpu.memory_space<vmem>>, vector<16xf32>,
        tpu.vector_store %arg7[%swap3A_622, %swap3A_623], %gather3A_618 {strides = array<i32>} : memref<128x256xf32, #tpu.memory_space<vmem>>, vector<16xf32>,
        %add3A_625 = arith.constant 29184 : i32
        %add3A_626 = vector.broadcast %add3A_625 : i32 to vector<16xi32>
        %add3A_627 = arith.addi %get3A_56, %add3A_626 : vector<16xi32>
        %gather3A_628 = tpu.vector_load_idx %arg5[%add3A_627] : memref<65536xf32, #tpu.memory_space<vmem>>[vector<16xi32>], vector<16xf32>,
        %mul3A_629 = arith.constant 16 : i32
        %mul3A_630 = arith.muli %scan3A_52, %mul3A_629 : i32
        %swap3A_631 = arith.constant 57 : i32
        %swap3A_632 = arith.index_cast %swap3A_631 : i32 to index
        %swap3A_633 = arith.index_cast %mul3A_630 : i32 to index
        %swap3A_634 = tpu.vector_load %arg7[%swap3A_632, %swap3A_633] {strides = array<i32>} : memref<128x256xf32, #tpu.memory_space<vmem>>, vector<16xf32>,
        tpu.vector_store %arg7[%swap3A_632, %swap3A_633], %gather3A_628 {strides = array<i32>} : memref<128x256xf32, #tpu.memory_space<vmem>>, vector<16xf32>,
        %add3A_635 = arith.constant 29696 : i32
        %add3A_636 = vector.broadcast %add3A_635 : i32 to vector<16xi32>
        %add3A_637 = arith.addi %get3A_56, %add3A_636 : vector<16xi32>
        %gather3A_638 = tpu.vector_load_idx %arg5[%add3A_637] : memref<65536xf32, #tpu.memory_space<vmem>>[vector<16xi32>], vector<16xf32>,
        %mul3A_639 = arith.constant 16 : i32
        %mul3A_640 = arith.muli %scan3A_52, %mul3A_639 : i32
        %swap3A_641 = arith.constant 58 : i32
        %swap3A_642 = arith.index_cast %swap3A_641 : i32 to index
        %swap3A_643 = arith.index_cast %mul3A_640 : i32 to index
        %swap3A_644 = tpu.vector_load %arg7[%swap3A_642, %swap3A_643] {strides = array<i32>} : memref<128x256xf32, #tpu.memory_space<vmem>>, vector<16xf32>,
        tpu.vector_store %arg7[%swap3A_642, %swap3A_643], %gather3A_638 {strides = array<i32>} : memref<128x256xf32, #tpu.memory_space<vmem>>, vector<16xf32>,
        %add3A_645 = arith.constant 30208 : i32
        %add3A_646 = vector.broadcast %add3A_645 : i32 to vector<16xi32>
        %add3A_647 = arith.addi %get3A_56, %add3A_646 : vector<16xi32>
        %gather3A_648 = tpu.vector_load_idx %arg5[%add3A_647] : memref<65536xf32, #tpu.memory_space<vmem>>[vector<16xi32>], vector<16xf32>,
        %mul3A_649 = arith.constant 16 : i32
        %mul3A_650 = arith.muli %scan3A_52, %mul3A_649 : i32
        %swap3A_651 = arith.constant 59 : i32
        %swap3A_652 = arith.index_cast %swap3A_651 : i32 to index
        %swap3A_653 = arith.index_cast %mul3A_650 : i32 to index
        %swap3A_654 = tpu.vector_load %arg7[%swap3A_652, %swap3A_653] {strides = array<i32>} : memref<128x256xf32, #tpu.memory_space<vmem>>, vector<16xf32>,
        tpu.vector_store %arg7[%swap3A_652, %swap3A_653], %gather3A_648 {strides = array<i32>} : memref<128x256xf32, #tpu.memory_space<vmem>>, vector<16xf32>,
        %add3A_655 = arith.constant 30720 : i32
        %add3A_656 = vector.broadcast %add3A_655 : i32 to vector<16xi32>
        %add3A_657 = arith.addi %get3A_56, %add3A_656 : vector<16xi32>
        %gather3A_658 = tpu.vector_load_idx %arg5[%add3A_657] : memref<65536xf32, #tpu.memory_space<vmem>>[vector<16xi32>], vector<16xf32>,
        %mul3A_659 = arith.constant 16 : i32
        %mul3A_660 = arith.muli %scan3A_52, %mul3A_659 : i32
        %swap3A_661 = arith.constant 60 : i32
        %swap3A_662 = arith.index_cast %swap3A_661 : i32 to index
        %swap3A_663 = arith.index_cast %mul3A_660 : i32 to index
        %swap3A_664 = tpu.vector_load %arg7[%swap3A_662, %swap3A_663] {strides = array<i32>} : memref<128x256xf32, #tpu.memory_space<vmem>>, vector<16xf32>,
        tpu.vector_store %arg7[%swap3A_662, %swap3A_663], %gather3A_658 {strides = array<i32>} : memref<128x256xf32, #tpu.memory_space<vmem>>, vector<16xf32>,
        %add3A_665 = arith.constant 31232 : i32
        %add3A_666 = vector.broadcast %add3A_665 : i32 to vector<16xi32>
        %add3A_667 = arith.addi %get3A_56, %add3A_666 : vector<16xi32>
        %gather3A_668 = tpu.vector_load_idx %arg5[%add3A_667] : memref<65536xf32, #tpu.memory_space<vmem>>[vector<16xi32>], vector<16xf32>,
        %mul3A_669 = arith.constant 16 : i32
        %mul3A_670 = arith.muli %scan3A_52, %mul3A_669 : i32
        %swap3A_671 = arith.constant 61 : i32
        %swap3A_672 = arith.index_cast %swap3A_671 : i32 to index
        %swap3A_673 = arith.index_cast %mul3A_670 : i32 to index
        %swap3A_674 = tpu.vector_load %arg7[%swap3A_672, %swap3A_673] {strides = array<i32>} : memref<128x256xf32, #tpu.memory_space<vmem>>, vector<16xf32>,
        tpu.vector_store %arg7[%swap3A_672, %swap3A_673], %gather3A_668 {strides = array<i32>} : memref<128x256xf32, #tpu.memory_space<vmem>>, vector<16xf32>,
        %add3A_675 = arith.constant 31744 : i32
        %add3A_676 = vector.broadcast %add3A_675 : i32 to vector<16xi32>
        %add3A_677 = arith.addi %get3A_56, %add3A_676 : vector<16xi32>
        %gather3A_678 = tpu.vector_load_idx %arg5[%add3A_677] : memref<65536xf32, #tpu.memory_space<vmem>>[vector<16xi32>], vector<16xf32>,
        %mul3A_679 = arith.constant 16 : i32
        %mul3A_680 = arith.muli %scan3A_52, %mul3A_679 : i32
        %swap3A_681 = arith.constant 62 : i32
        %swap3A_682 = arith.index_cast %swap3A_681 : i32 to index
        %swap3A_683 = arith.index_cast %mul3A_680 : i32 to index
        %swap3A_684 = tpu.vector_load %arg7[%swap3A_682, %swap3A_683] {strides = array<i32>} : memref<128x256xf32, #tpu.memory_space<vmem>>, vector<16xf32>,
        tpu.vector_store %arg7[%swap3A_682, %swap3A_683], %gather3A_678 {strides = array<i32>} : memref<128x256xf32, #tpu.memory_space<vmem>>, vector<16xf32>,
        %add3A_685 = arith.constant 32256 : i32
        %add3A_686 = vector.broadcast %add3A_685 : i32 to vector<16xi32>
        %add3A_687 = arith.addi %get3A_56, %add3A_686 : vector<16xi32>
        %gather3A_688 = tpu.vector_load_idx %arg5[%add3A_687] : memref<65536xf32, #tpu.memory_space<vmem>>[vector<16xi32>], vector<16xf32>,
        %mul3A_689 = arith.constant 16 : i32
        %mul3A_690 = arith.muli %scan3A_52, %mul3A_689 : i32
        %swap3A_691 = arith.constant 63 : i32
        %swap3A_692 = arith.index_cast %swap3A_691 : i32 to index
        %swap3A_693 = arith.index_cast %mul3A_690 : i32 to index
        %swap3A_694 = tpu.vector_load %arg7[%swap3A_692, %swap3A_693] {strides = array<i32>} : memref<128x256xf32, #tpu.memory_space<vmem>>, vector<16xf32>,
        tpu.vector_store %arg7[%swap3A_692, %swap3A_693], %gather3A_688 {strides = array<i32>} : memref<128x256xf32, #tpu.memory_space<vmem>>, vector<16xf32>,
        %add3A_695 = arith.constant 32768 : i32
        %add3A_696 = vector.broadcast %add3A_695 : i32 to vector<16xi32>
        %add3A_697 = arith.addi %get3A_56, %add3A_696 : vector<16xi32>
        %gather3A_698 = tpu.vector_load_idx %arg5[%add3A_697] : memref<65536xf32, #tpu.memory_space<vmem>>[vector<16xi32>], vector<16xf32>,
        %mul3A_699 = arith.constant 16 : i32
        %mul3A_700 = arith.muli %scan3A_52, %mul3A_699 : i32
        %swap3A_701 = arith.constant 64 : i32
        %swap3A_702 = arith.index_cast %swap3A_701 : i32 to index
        %swap3A_703 = arith.index_cast %mul3A_700 : i32 to index
        %swap3A_704 = tpu.vector_load %arg7[%swap3A_702, %swap3A_703] {strides = array<i32>} : memref<128x256xf32, #tpu.memory_space<vmem>>, vector<16xf32>,
        tpu.vector_store %arg7[%swap3A_702, %swap3A_703], %gather3A_698 {strides = array<i32>} : memref<128x256xf32, #tpu.memory_space<vmem>>, vector<16xf32>,
        %add3A_705 = arith.constant 33280 : i32
        %add3A_706 = vector.broadcast %add3A_705 : i32 to vector<16xi32>
        %add3A_707 = arith.addi %get3A_56, %add3A_706 : vector<16xi32>
        %gather3A_708 = tpu.vector_load_idx %arg5[%add3A_707] : memref<65536xf32, #tpu.memory_space<vmem>>[vector<16xi32>], vector<16xf32>,
        %mul3A_709 = arith.constant 16 : i32
        %mul3A_710 = arith.muli %scan3A_52, %mul3A_709 : i32
        %swap3A_711 = arith.constant 65 : i32
        %swap3A_712 = arith.index_cast %swap3A_711 : i32 to index
        %swap3A_713 = arith.index_cast %mul3A_710 : i32 to index
        %swap3A_714 = tpu.vector_load %arg7[%swap3A_712, %swap3A_713] {strides = array<i32>} : memref<128x256xf32, #tpu.memory_space<vmem>>, vector<16xf32>,
        tpu.vector_store %arg7[%swap3A_712, %swap3A_713], %gather3A_708 {strides = array<i32>} : memref<128x256xf32, #tpu.memory_space<vmem>>, vector<16xf32>,
        %add3A_715 = arith.constant 33792 : i32
        %add3A_716 = vector.broadcast %add3A_715 : i32 to vector<16xi32>
        %add3A_717 = arith.addi %get3A_56, %add3A_716 : vector<16xi32>
        %gather3A_718 = tpu.vector_load_idx %arg5[%add3A_717] : memref<65536xf32, #tpu.memory_space<vmem>>[vector<16xi32>], vector<16xf32>,
        %mul3A_719 = arith.constant 16 : i32
        %mul3A_720 = arith.muli %scan3A_52, %mul3A_719 : i32
        %swap3A_721 = arith.constant 66 : i32
        %swap3A_722 = arith.index_cast %swap3A_721 : i32 to index
        %swap3A_723 = arith.index_cast %mul3A_720 : i32 to index
        %swap3A_724 = tpu.vector_load %arg7[%swap3A_722, %swap3A_723] {strides = array<i32>} : memref<128x256xf32, #tpu.memory_space<vmem>>, vector<16xf32>,
        tpu.vector_store %arg7[%swap3A_722, %swap3A_723], %gather3A_718 {strides = array<i32>} : memref<128x256xf32, #tpu.memory_space<vmem>>, vector<16xf32>,
        %add3A_725 = arith.constant 34304 : i32
        %add3A_726 = vector.broadcast %add3A_725 : i32 to vector<16xi32>
        %add3A_727 = arith.addi %get3A_56, %add3A_726 : vector<16xi32>
        %gather3A_728 = tpu.vector_load_idx %arg5[%add3A_727] : memref<65536xf32, #tpu.memory_space<vmem>>[vector<16xi32>], vector<16xf32>,
        %mul3A_729 = arith.constant 16 : i32
        %mul3A_730 = arith.muli %scan3A_52, %mul3A_729 : i32
        %swap3A_731 = arith.constant 67 : i32
        %swap3A_732 = arith.index_cast %swap3A_731 : i32 to index
        %swap3A_733 = arith.index_cast %mul3A_730 : i32 to index
        %swap3A_734 = tpu.vector_load %arg7[%swap3A_732, %swap3A_733] {strides = array<i32>} : memref<128x256xf32, #tpu.memory_space<vmem>>, vector<16xf32>,
        tpu.vector_store %arg7[%swap3A_732, %swap3A_733], %gather3A_728 {strides = array<i32>} : memref<128x256xf32, #tpu.memory_space<vmem>>, vector<16xf32>,
        %add3A_735 = arith.constant 34816 : i32
        %add3A_736 = vector.broadcast %add3A_735 : i32 to vector<16xi32>
        %add3A_737 = arith.addi %get3A_56, %add3A_736 : vector<16xi32>
        %gather3A_738 = tpu.vector_load_idx %arg5[%add3A_737] : memref<65536xf32, #tpu.memory_space<vmem>>[vector<16xi32>], vector<16xf32>,
        %mul3A_739 = arith.constant 16 : i32
        %mul3A_740 = arith.muli %scan3A_52, %mul3A_739 : i32
        %swap3A_741 = arith.constant 68 : i32
        %swap3A_742 = arith.index_cast %swap3A_741 : i32 to index
        %swap3A_743 = arith.index_cast %mul3A_740 : i32 to index
        %swap3A_744 = tpu.vector_load %arg7[%swap3A_742, %swap3A_743] {strides = array<i32>} : memref<128x256xf32, #tpu.memory_space<vmem>>, vector<16xf32>,
        tpu.vector_store %arg7[%swap3A_742, %swap3A_743], %gather3A_738 {strides = array<i32>} : memref<128x256xf32, #tpu.memory_space<vmem>>, vector<16xf32>,
        %add3A_745 = arith.constant 35328 : i32
        %add3A_746 = vector.broadcast %add3A_745 : i32 to vector<16xi32>
        %add3A_747 = arith.addi %get3A_56, %add3A_746 : vector<16xi32>
        %gather3A_748 = tpu.vector_load_idx %arg5[%add3A_747] : memref<65536xf32, #tpu.memory_space<vmem>>[vector<16xi32>], vector<16xf32>,
        %mul3A_749 = arith.constant 16 : i32
        %mul3A_750 = arith.muli %scan3A_52, %mul3A_749 : i32
        %swap3A_751 = arith.constant 69 : i32
        %swap3A_752 = arith.index_cast %swap3A_751 : i32 to index
        %swap3A_753 = arith.index_cast %mul3A_750 : i32 to index
        %swap3A_754 = tpu.vector_load %arg7[%swap3A_752, %swap3A_753] {strides = array<i32>} : memref<128x256xf32, #tpu.memory_space<vmem>>, vector<16xf32>,
        tpu.vector_store %arg7[%swap3A_752, %swap3A_753], %gather3A_748 {strides = array<i32>} : memref<128x256xf32, #tpu.memory_space<vmem>>, vector<16xf32>,
        %add3A_755 = arith.constant 35840 : i32
        %add3A_756 = vector.broadcast %add3A_755 : i32 to vector<16xi32>
        %add3A_757 = arith.addi %get3A_56, %add3A_756 : vector<16xi32>
        %gather3A_758 = tpu.vector_load_idx %arg5[%add3A_757] : memref<65536xf32, #tpu.memory_space<vmem>>[vector<16xi32>], vector<16xf32>,
        %mul3A_759 = arith.constant 16 : i32
        %mul3A_760 = arith.muli %scan3A_52, %mul3A_759 : i32
        %swap3A_761 = arith.constant 70 : i32
        %swap3A_762 = arith.index_cast %swap3A_761 : i32 to index
        %swap3A_763 = arith.index_cast %mul3A_760 : i32 to index
        %swap3A_764 = tpu.vector_load %arg7[%swap3A_762, %swap3A_763] {strides = array<i32>} : memref<128x256xf32, #tpu.memory_space<vmem>>, vector<16xf32>,
        tpu.vector_store %arg7[%swap3A_762, %swap3A_763], %gather3A_758 {strides = array<i32>} : memref<128x256xf32, #tpu.memory_space<vmem>>, vector<16xf32>,
        %add3A_765 = arith.constant 36352 : i32
        %add3A_766 = vector.broadcast %add3A_765 : i32 to vector<16xi32>
        %add3A_767 = arith.addi %get3A_56, %add3A_766 : vector<16xi32>
        %gather3A_768 = tpu.vector_load_idx %arg5[%add3A_767] : memref<65536xf32, #tpu.memory_space<vmem>>[vector<16xi32>], vector<16xf32>,
        %mul3A_769 = arith.constant 16 : i32
        %mul3A_770 = arith.muli %scan3A_52, %mul3A_769 : i32
        %swap3A_771 = arith.constant 71 : i32
        %swap3A_772 = arith.index_cast %swap3A_771 : i32 to index
        %swap3A_773 = arith.index_cast %mul3A_770 : i32 to index
        %swap3A_774 = tpu.vector_load %arg7[%swap3A_772, %swap3A_773] {strides = array<i32>} : memref<128x256xf32, #tpu.memory_space<vmem>>, vector<16xf32>,
        tpu.vector_store %arg7[%swap3A_772, %swap3A_773], %gather3A_768 {strides = array<i32>} : memref<128x256xf32, #tpu.memory_space<vmem>>, vector<16xf32>,
        %add3A_775 = arith.constant 36864 : i32
        %add3A_776 = vector.broadcast %add3A_775 : i32 to vector<16xi32>
        %add3A_777 = arith.addi %get3A_56, %add3A_776 : vector<16xi32>
        %gather3A_778 = tpu.vector_load_idx %arg5[%add3A_777] : memref<65536xf32, #tpu.memory_space<vmem>>[vector<16xi32>], vector<16xf32>,
        %mul3A_779 = arith.constant 16 : i32
        %mul3A_780 = arith.muli %scan3A_52, %mul3A_779 : i32
        %swap3A_781 = arith.constant 72 : i32
        %swap3A_782 = arith.index_cast %swap3A_781 : i32 to index
        %swap3A_783 = arith.index_cast %mul3A_780 : i32 to index
        %swap3A_784 = tpu.vector_load %arg7[%swap3A_782, %swap3A_783] {strides = array<i32>} : memref<128x256xf32, #tpu.memory_space<vmem>>, vector<16xf32>,
        tpu.vector_store %arg7[%swap3A_782, %swap3A_783], %gather3A_778 {strides = array<i32>} : memref<128x256xf32, #tpu.memory_space<vmem>>, vector<16xf32>,
        %add3A_785 = arith.constant 37376 : i32
        %add3A_786 = vector.broadcast %add3A_785 : i32 to vector<16xi32>
        %add3A_787 = arith.addi %get3A_56, %add3A_786 : vector<16xi32>
        %gather3A_788 = tpu.vector_load_idx %arg5[%add3A_787] : memref<65536xf32, #tpu.memory_space<vmem>>[vector<16xi32>], vector<16xf32>,
        %mul3A_789 = arith.constant 16 : i32
        %mul3A_790 = arith.muli %scan3A_52, %mul3A_789 : i32
        %swap3A_791 = arith.constant 73 : i32
        %swap3A_792 = arith.index_cast %swap3A_791 : i32 to index
        %swap3A_793 = arith.index_cast %mul3A_790 : i32 to index
        %swap3A_794 = tpu.vector_load %arg7[%swap3A_792, %swap3A_793] {strides = array<i32>} : memref<128x256xf32, #tpu.memory_space<vmem>>, vector<16xf32>,
        tpu.vector_store %arg7[%swap3A_792, %swap3A_793], %gather3A_788 {strides = array<i32>} : memref<128x256xf32, #tpu.memory_space<vmem>>, vector<16xf32>,
        %add3A_795 = arith.constant 37888 : i32
        %add3A_796 = vector.broadcast %add3A_795 : i32 to vector<16xi32>
        %add3A_797 = arith.addi %get3A_56, %add3A_796 : vector<16xi32>
        %gather3A_798 = tpu.vector_load_idx %arg5[%add3A_797] : memref<65536xf32, #tpu.memory_space<vmem>>[vector<16xi32>], vector<16xf32>,
        %mul3A_799 = arith.constant 16 : i32
        %mul3A_800 = arith.muli %scan3A_52, %mul3A_799 : i32
        %swap3A_801 = arith.constant 74 : i32
        %swap3A_802 = arith.index_cast %swap3A_801 : i32 to index
        %swap3A_803 = arith.index_cast %mul3A_800 : i32 to index
        %swap3A_804 = tpu.vector_load %arg7[%swap3A_802, %swap3A_803] {strides = array<i32>} : memref<128x256xf32, #tpu.memory_space<vmem>>, vector<16xf32>,
        tpu.vector_store %arg7[%swap3A_802, %swap3A_803], %gather3A_798 {strides = array<i32>} : memref<128x256xf32, #tpu.memory_space<vmem>>, vector<16xf32>,
        %add3A_805 = arith.constant 38400 : i32
        %add3A_806 = vector.broadcast %add3A_805 : i32 to vector<16xi32>
        %add3A_807 = arith.addi %get3A_56, %add3A_806 : vector<16xi32>
        %gather3A_808 = tpu.vector_load_idx %arg5[%add3A_807] : memref<65536xf32, #tpu.memory_space<vmem>>[vector<16xi32>], vector<16xf32>,
        %mul3A_809 = arith.constant 16 : i32
        %mul3A_810 = arith.muli %scan3A_52, %mul3A_809 : i32
        %swap3A_811 = arith.constant 75 : i32
        %swap3A_812 = arith.index_cast %swap3A_811 : i32 to index
        %swap3A_813 = arith.index_cast %mul3A_810 : i32 to index
        %swap3A_814 = tpu.vector_load %arg7[%swap3A_812, %swap3A_813] {strides = array<i32>} : memref<128x256xf32, #tpu.memory_space<vmem>>, vector<16xf32>,
        tpu.vector_store %arg7[%swap3A_812, %swap3A_813], %gather3A_808 {strides = array<i32>} : memref<128x256xf32, #tpu.memory_space<vmem>>, vector<16xf32>,
        %add3A_815 = arith.constant 38912 : i32
        %add3A_816 = vector.broadcast %add3A_815 : i32 to vector<16xi32>
        %add3A_817 = arith.addi %get3A_56, %add3A_816 : vector<16xi32>
        %gather3A_818 = tpu.vector_load_idx %arg5[%add3A_817] : memref<65536xf32, #tpu.memory_space<vmem>>[vector<16xi32>], vector<16xf32>,
        %mul3A_819 = arith.constant 16 : i32
        %mul3A_820 = arith.muli %scan3A_52, %mul3A_819 : i32
        %swap3A_821 = arith.constant 76 : i32
        %swap3A_822 = arith.index_cast %swap3A_821 : i32 to index
        %swap3A_823 = arith.index_cast %mul3A_820 : i32 to index
        %swap3A_824 = tpu.vector_load %arg7[%swap3A_822, %swap3A_823] {strides = array<i32>} : memref<128x256xf32, #tpu.memory_space<vmem>>, vector<16xf32>,
        tpu.vector_store %arg7[%swap3A_822, %swap3A_823], %gather3A_818 {strides = array<i32>} : memref<128x256xf32, #tpu.memory_space<vmem>>, vector<16xf32>,
        %add3A_825 = arith.constant 39424 : i32
        %add3A_826 = vector.broadcast %add3A_825 : i32 to vector<16xi32>
        %add3A_827 = arith.addi %get3A_56, %add3A_826 : vector<16xi32>
        %gather3A_828 = tpu.vector_load_idx %arg5[%add3A_827] : memref<65536xf32, #tpu.memory_space<vmem>>[vector<16xi32>], vector<16xf32>,
        %mul3A_829 = arith.constant 16 : i32
        %mul3A_830 = arith.muli %scan3A_52, %mul3A_829 : i32
        %swap3A_831 = arith.constant 77 : i32
        %swap3A_832 = arith.index_cast %swap3A_831 : i32 to index
        %swap3A_833 = arith.index_cast %mul3A_830 : i32 to index
        %swap3A_834 = tpu.vector_load %arg7[%swap3A_832, %swap3A_833] {strides = array<i32>} : memref<128x256xf32, #tpu.memory_space<vmem>>, vector<16xf32>,
        tpu.vector_store %arg7[%swap3A_832, %swap3A_833], %gather3A_828 {strides = array<i32>} : memref<128x256xf32, #tpu.memory_space<vmem>>, vector<16xf32>,
        %add3A_835 = arith.constant 39936 : i32
        %add3A_836 = vector.broadcast %add3A_835 : i32 to vector<16xi32>
        %add3A_837 = arith.addi %get3A_56, %add3A_836 : vector<16xi32>
        %gather3A_838 = tpu.vector_load_idx %arg5[%add3A_837] : memref<65536xf32, #tpu.memory_space<vmem>>[vector<16xi32>], vector<16xf32>,
        %mul3A_839 = arith.constant 16 : i32
        %mul3A_840 = arith.muli %scan3A_52, %mul3A_839 : i32
        %swap3A_841 = arith.constant 78 : i32
        %swap3A_842 = arith.index_cast %swap3A_841 : i32 to index
        %swap3A_843 = arith.index_cast %mul3A_840 : i32 to index
        %swap3A_844 = tpu.vector_load %arg7[%swap3A_842, %swap3A_843] {strides = array<i32>} : memref<128x256xf32, #tpu.memory_space<vmem>>, vector<16xf32>,
        tpu.vector_store %arg7[%swap3A_842, %swap3A_843], %gather3A_838 {strides = array<i32>} : memref<128x256xf32, #tpu.memory_space<vmem>>, vector<16xf32>,
        %add3A_845 = arith.constant 40448 : i32
        %add3A_846 = vector.broadcast %add3A_845 : i32 to vector<16xi32>
        %add3A_847 = arith.addi %get3A_56, %add3A_846 : vector<16xi32>
        %gather3A_848 = tpu.vector_load_idx %arg5[%add3A_847] : memref<65536xf32, #tpu.memory_space<vmem>>[vector<16xi32>], vector<16xf32>,
        %mul3A_849 = arith.constant 16 : i32
        %mul3A_850 = arith.muli %scan3A_52, %mul3A_849 : i32
        %swap3A_851 = arith.constant 79 : i32
        %swap3A_852 = arith.index_cast %swap3A_851 : i32 to index
        %swap3A_853 = arith.index_cast %mul3A_850 : i32 to index
        %swap3A_854 = tpu.vector_load %arg7[%swap3A_852, %swap3A_853] {strides = array<i32>} : memref<128x256xf32, #tpu.memory_space<vmem>>, vector<16xf32>,
        tpu.vector_store %arg7[%swap3A_852, %swap3A_853], %gather3A_848 {strides = array<i32>} : memref<128x256xf32, #tpu.memory_space<vmem>>, vector<16xf32>,
        %add3A_855 = arith.constant 40960 : i32
        %add3A_856 = vector.broadcast %add3A_855 : i32 to vector<16xi32>
        %add3A_857 = arith.addi %get3A_56, %add3A_856 : vector<16xi32>
        %gather3A_858 = tpu.vector_load_idx %arg5[%add3A_857] : memref<65536xf32, #tpu.memory_space<vmem>>[vector<16xi32>], vector<16xf32>,
        %mul3A_859 = arith.constant 16 : i32
        %mul3A_860 = arith.muli %scan3A_52, %mul3A_859 : i32
        %swap3A_861 = arith.constant 80 : i32
        %swap3A_862 = arith.index_cast %swap3A_861 : i32 to index
        %swap3A_863 = arith.index_cast %mul3A_860 : i32 to index
        %swap3A_864 = tpu.vector_load %arg7[%swap3A_862, %swap3A_863] {strides = array<i32>} : memref<128x256xf32, #tpu.memory_space<vmem>>, vector<16xf32>,
        tpu.vector_store %arg7[%swap3A_862, %swap3A_863], %gather3A_858 {strides = array<i32>} : memref<128x256xf32, #tpu.memory_space<vmem>>, vector<16xf32>,
        %add3A_865 = arith.constant 41472 : i32
        %add3A_866 = vector.broadcast %add3A_865 : i32 to vector<16xi32>
        %add3A_867 = arith.addi %get3A_56, %add3A_866 : vector<16xi32>
        %gather3A_868 = tpu.vector_load_idx %arg5[%add3A_867] : memref<65536xf32, #tpu.memory_space<vmem>>[vector<16xi32>], vector<16xf32>,
        %mul3A_869 = arith.constant 16 : i32
        %mul3A_870 = arith.muli %scan3A_52, %mul3A_869 : i32
        %swap3A_871 = arith.constant 81 : i32
        %swap3A_872 = arith.index_cast %swap3A_871 : i32 to index
        %swap3A_873 = arith.index_cast %mul3A_870 : i32 to index
        %swap3A_874 = tpu.vector_load %arg7[%swap3A_872, %swap3A_873] {strides = array<i32>} : memref<128x256xf32, #tpu.memory_space<vmem>>, vector<16xf32>,
        tpu.vector_store %arg7[%swap3A_872, %swap3A_873], %gather3A_868 {strides = array<i32>} : memref<128x256xf32, #tpu.memory_space<vmem>>, vector<16xf32>,
        %add3A_875 = arith.constant 41984 : i32
        %add3A_876 = vector.broadcast %add3A_875 : i32 to vector<16xi32>
        %add3A_877 = arith.addi %get3A_56, %add3A_876 : vector<16xi32>
        %gather3A_878 = tpu.vector_load_idx %arg5[%add3A_877] : memref<65536xf32, #tpu.memory_space<vmem>>[vector<16xi32>], vector<16xf32>,
        %mul3A_879 = arith.constant 16 : i32
        %mul3A_880 = arith.muli %scan3A_52, %mul3A_879 : i32
        %swap3A_881 = arith.constant 82 : i32
        %swap3A_882 = arith.index_cast %swap3A_881 : i32 to index
        %swap3A_883 = arith.index_cast %mul3A_880 : i32 to index
        %swap3A_884 = tpu.vector_load %arg7[%swap3A_882, %swap3A_883] {strides = array<i32>} : memref<128x256xf32, #tpu.memory_space<vmem>>, vector<16xf32>,
        tpu.vector_store %arg7[%swap3A_882, %swap3A_883], %gather3A_878 {strides = array<i32>} : memref<128x256xf32, #tpu.memory_space<vmem>>, vector<16xf32>,
        %add3A_885 = arith.constant 42496 : i32
        %add3A_886 = vector.broadcast %add3A_885 : i32 to vector<16xi32>
        %add3A_887 = arith.addi %get3A_56, %add3A_886 : vector<16xi32>
        %gather3A_888 = tpu.vector_load_idx %arg5[%add3A_887] : memref<65536xf32, #tpu.memory_space<vmem>>[vector<16xi32>], vector<16xf32>,
        %mul3A_889 = arith.constant 16 : i32
        %mul3A_890 = arith.muli %scan3A_52, %mul3A_889 : i32
        %swap3A_891 = arith.constant 83 : i32
        %swap3A_892 = arith.index_cast %swap3A_891 : i32 to index
        %swap3A_893 = arith.index_cast %mul3A_890 : i32 to index
        %swap3A_894 = tpu.vector_load %arg7[%swap3A_892, %swap3A_893] {strides = array<i32>} : memref<128x256xf32, #tpu.memory_space<vmem>>, vector<16xf32>,
        tpu.vector_store %arg7[%swap3A_892, %swap3A_893], %gather3A_888 {strides = array<i32>} : memref<128x256xf32, #tpu.memory_space<vmem>>, vector<16xf32>,
        %add3A_895 = arith.constant 43008 : i32
        %add3A_896 = vector.broadcast %add3A_895 : i32 to vector<16xi32>
        %add3A_897 = arith.addi %get3A_56, %add3A_896 : vector<16xi32>
        %gather3A_898 = tpu.vector_load_idx %arg5[%add3A_897] : memref<65536xf32, #tpu.memory_space<vmem>>[vector<16xi32>], vector<16xf32>,
        %mul3A_899 = arith.constant 16 : i32
        %mul3A_900 = arith.muli %scan3A_52, %mul3A_899 : i32
        %swap3A_901 = arith.constant 84 : i32
        %swap3A_902 = arith.index_cast %swap3A_901 : i32 to index
        %swap3A_903 = arith.index_cast %mul3A_900 : i32 to index
        %swap3A_904 = tpu.vector_load %arg7[%swap3A_902, %swap3A_903] {strides = array<i32>} : memref<128x256xf32, #tpu.memory_space<vmem>>, vector<16xf32>,
        tpu.vector_store %arg7[%swap3A_902, %swap3A_903], %gather3A_898 {strides = array<i32>} : memref<128x256xf32, #tpu.memory_space<vmem>>, vector<16xf32>,
        %add3A_905 = arith.constant 43520 : i32
        %add3A_906 = vector.broadcast %add3A_905 : i32 to vector<16xi32>
        %add3A_907 = arith.addi %get3A_56, %add3A_906 : vector<16xi32>
        %gather3A_908 = tpu.vector_load_idx %arg5[%add3A_907] : memref<65536xf32, #tpu.memory_space<vmem>>[vector<16xi32>], vector<16xf32>,
        %mul3A_909 = arith.constant 16 : i32
        %mul3A_910 = arith.muli %scan3A_52, %mul3A_909 : i32
        %swap3A_911 = arith.constant 85 : i32
        %swap3A_912 = arith.index_cast %swap3A_911 : i32 to index
        %swap3A_913 = arith.index_cast %mul3A_910 : i32 to index
        %swap3A_914 = tpu.vector_load %arg7[%swap3A_912, %swap3A_913] {strides = array<i32>} : memref<128x256xf32, #tpu.memory_space<vmem>>, vector<16xf32>,
        tpu.vector_store %arg7[%swap3A_912, %swap3A_913], %gather3A_908 {strides = array<i32>} : memref<128x256xf32, #tpu.memory_space<vmem>>, vector<16xf32>,
        %add3A_915 = arith.constant 44032 : i32
        %add3A_916 = vector.broadcast %add3A_915 : i32 to vector<16xi32>
        %add3A_917 = arith.addi %get3A_56, %add3A_916 : vector<16xi32>
        %gather3A_918 = tpu.vector_load_idx %arg5[%add3A_917] : memref<65536xf32, #tpu.memory_space<vmem>>[vector<16xi32>], vector<16xf32>,
        %mul3A_919 = arith.constant 16 : i32
        %mul3A_920 = arith.muli %scan3A_52, %mul3A_919 : i32
        %swap3A_921 = arith.constant 86 : i32
        %swap3A_922 = arith.index_cast %swap3A_921 : i32 to index
        %swap3A_923 = arith.index_cast %mul3A_920 : i32 to index
        %swap3A_924 = tpu.vector_load %arg7[%swap3A_922, %swap3A_923] {strides = array<i32>} : memref<128x256xf32, #tpu.memory_space<vmem>>, vector<16xf32>,
        tpu.vector_store %arg7[%swap3A_922, %swap3A_923], %gather3A_918 {strides = array<i32>} : memref<128x256xf32, #tpu.memory_space<vmem>>, vector<16xf32>,
        %add3A_925 = arith.constant 44544 : i32
        %add3A_926 = vector.broadcast %add3A_925 : i32 to vector<16xi32>
        %add3A_927 = arith.addi %get3A_56, %add3A_926 : vector<16xi32>
        %gather3A_928 = tpu.vector_load_idx %arg5[%add3A_927] : memref<65536xf32, #tpu.memory_space<vmem>>[vector<16xi32>], vector<16xf32>,
        %mul3A_929 = arith.constant 16 : i32
        %mul3A_930 = arith.muli %scan3A_52, %mul3A_929 : i32
        %swap3A_931 = arith.constant 87 : i32
        %swap3A_932 = arith.index_cast %swap3A_931 : i32 to index
        %swap3A_933 = arith.index_cast %mul3A_930 : i32 to index
        %swap3A_934 = tpu.vector_load %arg7[%swap3A_932, %swap3A_933] {strides = array<i32>} : memref<128x256xf32, #tpu.memory_space<vmem>>, vector<16xf32>,
        tpu.vector_store %arg7[%swap3A_932, %swap3A_933], %gather3A_928 {strides = array<i32>} : memref<128x256xf32, #tpu.memory_space<vmem>>, vector<16xf32>,
        %add3A_935 = arith.constant 45056 : i32
        %add3A_936 = vector.broadcast %add3A_935 : i32 to vector<16xi32>
        %add3A_937 = arith.addi %get3A_56, %add3A_936 : vector<16xi32>
        %gather3A_938 = tpu.vector_load_idx %arg5[%add3A_937] : memref<65536xf32, #tpu.memory_space<vmem>>[vector<16xi32>], vector<16xf32>,
        %mul3A_939 = arith.constant 16 : i32
        %mul3A_940 = arith.muli %scan3A_52, %mul3A_939 : i32
        %swap3A_941 = arith.constant 88 : i32
        %swap3A_942 = arith.index_cast %swap3A_941 : i32 to index
        %swap3A_943 = arith.index_cast %mul3A_940 : i32 to index
        %swap3A_944 = tpu.vector_load %arg7[%swap3A_942, %swap3A_943] {strides = array<i32>} : memref<128x256xf32, #tpu.memory_space<vmem>>, vector<16xf32>,
        tpu.vector_store %arg7[%swap3A_942, %swap3A_943], %gather3A_938 {strides = array<i32>} : memref<128x256xf32, #tpu.memory_space<vmem>>, vector<16xf32>,
        %add3A_945 = arith.constant 45568 : i32
        %add3A_946 = vector.broadcast %add3A_945 : i32 to vector<16xi32>
        %add3A_947 = arith.addi %get3A_56, %add3A_946 : vector<16xi32>
        %gather3A_948 = tpu.vector_load_idx %arg5[%add3A_947] : memref<65536xf32, #tpu.memory_space<vmem>>[vector<16xi32>], vector<16xf32>,
        %mul3A_949 = arith.constant 16 : i32
        %mul3A_950 = arith.muli %scan3A_52, %mul3A_949 : i32
        %swap3A_951 = arith.constant 89 : i32
        %swap3A_952 = arith.index_cast %swap3A_951 : i32 to index
        %swap3A_953 = arith.index_cast %mul3A_950 : i32 to index
        %swap3A_954 = tpu.vector_load %arg7[%swap3A_952, %swap3A_953] {strides = array<i32>} : memref<128x256xf32, #tpu.memory_space<vmem>>, vector<16xf32>,
        tpu.vector_store %arg7[%swap3A_952, %swap3A_953], %gather3A_948 {strides = array<i32>} : memref<128x256xf32, #tpu.memory_space<vmem>>, vector<16xf32>,
        %add3A_955 = arith.constant 46080 : i32
        %add3A_956 = vector.broadcast %add3A_955 : i32 to vector<16xi32>
        %add3A_957 = arith.addi %get3A_56, %add3A_956 : vector<16xi32>
        %gather3A_958 = tpu.vector_load_idx %arg5[%add3A_957] : memref<65536xf32, #tpu.memory_space<vmem>>[vector<16xi32>], vector<16xf32>,
        %mul3A_959 = arith.constant 16 : i32
        %mul3A_960 = arith.muli %scan3A_52, %mul3A_959 : i32
        %swap3A_961 = arith.constant 90 : i32
        %swap3A_962 = arith.index_cast %swap3A_961 : i32 to index
        %swap3A_963 = arith.index_cast %mul3A_960 : i32 to index
        %swap3A_964 = tpu.vector_load %arg7[%swap3A_962, %swap3A_963] {strides = array<i32>} : memref<128x256xf32, #tpu.memory_space<vmem>>, vector<16xf32>,
        tpu.vector_store %arg7[%swap3A_962, %swap3A_963], %gather3A_958 {strides = array<i32>} : memref<128x256xf32, #tpu.memory_space<vmem>>, vector<16xf32>,
        %add3A_965 = arith.constant 46592 : i32
        %add3A_966 = vector.broadcast %add3A_965 : i32 to vector<16xi32>
        %add3A_967 = arith.addi %get3A_56, %add3A_966 : vector<16xi32>
        %gather3A_968 = tpu.vector_load_idx %arg5[%add3A_967] : memref<65536xf32, #tpu.memory_space<vmem>>[vector<16xi32>], vector<16xf32>,
        %mul3A_969 = arith.constant 16 : i32
        %mul3A_970 = arith.muli %scan3A_52, %mul3A_969 : i32
        %swap3A_971 = arith.constant 91 : i32
        %swap3A_972 = arith.index_cast %swap3A_971 : i32 to index
        %swap3A_973 = arith.index_cast %mul3A_970 : i32 to index
        %swap3A_974 = tpu.vector_load %arg7[%swap3A_972, %swap3A_973] {strides = array<i32>} : memref<128x256xf32, #tpu.memory_space<vmem>>, vector<16xf32>,
        tpu.vector_store %arg7[%swap3A_972, %swap3A_973], %gather3A_968 {strides = array<i32>} : memref<128x256xf32, #tpu.memory_space<vmem>>, vector<16xf32>,
        %add3A_975 = arith.constant 47104 : i32
        %add3A_976 = vector.broadcast %add3A_975 : i32 to vector<16xi32>
        %add3A_977 = arith.addi %get3A_56, %add3A_976 : vector<16xi32>
        %gather3A_978 = tpu.vector_load_idx %arg5[%add3A_977] : memref<65536xf32, #tpu.memory_space<vmem>>[vector<16xi32>], vector<16xf32>,
        %mul3A_979 = arith.constant 16 : i32
        %mul3A_980 = arith.muli %scan3A_52, %mul3A_979 : i32
        %swap3A_981 = arith.constant 92 : i32
        %swap3A_982 = arith.index_cast %swap3A_981 : i32 to index
        %swap3A_983 = arith.index_cast %mul3A_980 : i32 to index
        %swap3A_984 = tpu.vector_load %arg7[%swap3A_982, %swap3A_983] {strides = array<i32>} : memref<128x256xf32, #tpu.memory_space<vmem>>, vector<16xf32>,
        tpu.vector_store %arg7[%swap3A_982, %swap3A_983], %gather3A_978 {strides = array<i32>} : memref<128x256xf32, #tpu.memory_space<vmem>>, vector<16xf32>,
        %add3A_985 = arith.constant 47616 : i32
        %add3A_986 = vector.broadcast %add3A_985 : i32 to vector<16xi32>
        %add3A_987 = arith.addi %get3A_56, %add3A_986 : vector<16xi32>
        %gather3A_988 = tpu.vector_load_idx %arg5[%add3A_987] : memref<65536xf32, #tpu.memory_space<vmem>>[vector<16xi32>], vector<16xf32>,
        %mul3A_989 = arith.constant 16 : i32
        %mul3A_990 = arith.muli %scan3A_52, %mul3A_989 : i32
        %swap3A_991 = arith.constant 93 : i32
        %swap3A_992 = arith.index_cast %swap3A_991 : i32 to index
        %swap3A_993 = arith.index_cast %mul3A_990 : i32 to index
        %swap3A_994 = tpu.vector_load %arg7[%swap3A_992, %swap3A_993] {strides = array<i32>} : memref<128x256xf32, #tpu.memory_space<vmem>>, vector<16xf32>,
        tpu.vector_store %arg7[%swap3A_992, %swap3A_993], %gather3A_988 {strides = array<i32>} : memref<128x256xf32, #tpu.memory_space<vmem>>, vector<16xf32>,
        %add3A_995 = arith.constant 48128 : i32
        %add3A_996 = vector.broadcast %add3A_995 : i32 to vector<16xi32>
        %add3A_997 = arith.addi %get3A_56, %add3A_996 : vector<16xi32>
        %gather3A_998 = tpu.vector_load_idx %arg5[%add3A_997] : memref<65536xf32, #tpu.memory_space<vmem>>[vector<16xi32>], vector<16xf32>,
        %mul3A_999 = arith.constant 16 : i32
        %mul3A_1000 = arith.muli %scan3A_52, %mul3A_999 : i32
        %swap3A_1001 = arith.constant 94 : i32
        %swap3A_1002 = arith.index_cast %swap3A_1001 : i32 to index
        %swap3A_1003 = arith.index_cast %mul3A_1000 : i32 to index
        %swap3A_1004 = tpu.vector_load %arg7[%swap3A_1002, %swap3A_1003] {strides = array<i32>} : memref<128x256xf32, #tpu.memory_space<vmem>>, vector<16xf32>,
        tpu.vector_store %arg7[%swap3A_1002, %swap3A_1003], %gather3A_998 {strides = array<i32>} : memref<128x256xf32, #tpu.memory_space<vmem>>, vector<16xf32>,
        %add3A_1005 = arith.constant 48640 : i32
        %add3A_1006 = vector.broadcast %add3A_1005 : i32 to vector<16xi32>
        %add3A_1007 = arith.addi %get3A_56, %add3A_1006 : vector<16xi32>
        %gather3A_1008 = tpu.vector_load_idx %arg5[%add3A_1007] : memref<65536xf32, #tpu.memory_space<vmem>>[vector<16xi32>], vector<16xf32>,
        %mul3A_1009 = arith.constant 16 : i32
        %mul3A_1010 = arith.muli %scan3A_52, %mul3A_1009 : i32
        %swap3A_1011 = arith.constant 95 : i32
        %swap3A_1012 = arith.index_cast %swap3A_1011 : i32 to index
        %swap3A_1013 = arith.index_cast %mul3A_1010 : i32 to index
        %swap3A_1014 = tpu.vector_load %arg7[%swap3A_1012, %swap3A_1013] {strides = array<i32>} : memref<128x256xf32, #tpu.memory_space<vmem>>, vector<16xf32>,
        tpu.vector_store %arg7[%swap3A_1012, %swap3A_1013], %gather3A_1008 {strides = array<i32>} : memref<128x256xf32, #tpu.memory_space<vmem>>, vector<16xf32>,
        %add3A_1015 = arith.constant 49152 : i32
        %add3A_1016 = vector.broadcast %add3A_1015 : i32 to vector<16xi32>
        %add3A_1017 = arith.addi %get3A_56, %add3A_1016 : vector<16xi32>
        %gather3A_1018 = tpu.vector_load_idx %arg5[%add3A_1017] : memref<65536xf32, #tpu.memory_space<vmem>>[vector<16xi32>], vector<16xf32>,
        %mul3A_1019 = arith.constant 16 : i32
        %mul3A_1020 = arith.muli %scan3A_52, %mul3A_1019 : i32
        %swap3A_1021 = arith.constant 96 : i32
        %swap3A_1022 = arith.index_cast %swap3A_1021 : i32 to index
        %swap3A_1023 = arith.index_cast %mul3A_1020 : i32 to index
        %swap3A_1024 = tpu.vector_load %arg7[%swap3A_1022, %swap3A_1023] {strides = array<i32>} : memref<128x256xf32, #tpu.memory_space<vmem>>, vector<16xf32>,
        tpu.vector_store %arg7[%swap3A_1022, %swap3A_1023], %gather3A_1018 {strides = array<i32>} : memref<128x256xf32, #tpu.memory_space<vmem>>, vector<16xf32>,
        %add3A_1025 = arith.constant 49664 : i32
        %add3A_1026 = vector.broadcast %add3A_1025 : i32 to vector<16xi32>
        %add3A_1027 = arith.addi %get3A_56, %add3A_1026 : vector<16xi32>
        %gather3A_1028 = tpu.vector_load_idx %arg5[%add3A_1027] : memref<65536xf32, #tpu.memory_space<vmem>>[vector<16xi32>], vector<16xf32>,
        %mul3A_1029 = arith.constant 16 : i32
        %mul3A_1030 = arith.muli %scan3A_52, %mul3A_1029 : i32
        %swap3A_1031 = arith.constant 97 : i32
        %swap3A_1032 = arith.index_cast %swap3A_1031 : i32 to index
        %swap3A_1033 = arith.index_cast %mul3A_1030 : i32 to index
        %swap3A_1034 = tpu.vector_load %arg7[%swap3A_1032, %swap3A_1033] {strides = array<i32>} : memref<128x256xf32, #tpu.memory_space<vmem>>, vector<16xf32>,
        tpu.vector_store %arg7[%swap3A_1032, %swap3A_1033], %gather3A_1028 {strides = array<i32>} : memref<128x256xf32, #tpu.memory_space<vmem>>, vector<16xf32>,
        %add3A_1035 = arith.constant 50176 : i32
        %add3A_1036 = vector.broadcast %add3A_1035 : i32 to vector<16xi32>
        %add3A_1037 = arith.addi %get3A_56, %add3A_1036 : vector<16xi32>
        %gather3A_1038 = tpu.vector_load_idx %arg5[%add3A_1037] : memref<65536xf32, #tpu.memory_space<vmem>>[vector<16xi32>], vector<16xf32>,
        %mul3A_1039 = arith.constant 16 : i32
        %mul3A_1040 = arith.muli %scan3A_52, %mul3A_1039 : i32
        %swap3A_1041 = arith.constant 98 : i32
        %swap3A_1042 = arith.index_cast %swap3A_1041 : i32 to index
        %swap3A_1043 = arith.index_cast %mul3A_1040 : i32 to index
        %swap3A_1044 = tpu.vector_load %arg7[%swap3A_1042, %swap3A_1043] {strides = array<i32>} : memref<128x256xf32, #tpu.memory_space<vmem>>, vector<16xf32>,
        tpu.vector_store %arg7[%swap3A_1042, %swap3A_1043], %gather3A_1038 {strides = array<i32>} : memref<128x256xf32, #tpu.memory_space<vmem>>, vector<16xf32>,
        %add3A_1045 = arith.constant 50688 : i32
        %add3A_1046 = vector.broadcast %add3A_1045 : i32 to vector<16xi32>
        %add3A_1047 = arith.addi %get3A_56, %add3A_1046 : vector<16xi32>
        %gather3A_1048 = tpu.vector_load_idx %arg5[%add3A_1047] : memref<65536xf32, #tpu.memory_space<vmem>>[vector<16xi32>], vector<16xf32>,
        %mul3A_1049 = arith.constant 16 : i32
        %mul3A_1050 = arith.muli %scan3A_52, %mul3A_1049 : i32
        %swap3A_1051 = arith.constant 99 : i32
        %swap3A_1052 = arith.index_cast %swap3A_1051 : i32 to index
        %swap3A_1053 = arith.index_cast %mul3A_1050 : i32 to index
        %swap3A_1054 = tpu.vector_load %arg7[%swap3A_1052, %swap3A_1053] {strides = array<i32>} : memref<128x256xf32, #tpu.memory_space<vmem>>, vector<16xf32>,
        tpu.vector_store %arg7[%swap3A_1052, %swap3A_1053], %gather3A_1048 {strides = array<i32>} : memref<128x256xf32, #tpu.memory_space<vmem>>, vector<16xf32>,
        %add3A_1055 = arith.constant 51200 : i32
        %add3A_1056 = vector.broadcast %add3A_1055 : i32 to vector<16xi32>
        %add3A_1057 = arith.addi %get3A_56, %add3A_1056 : vector<16xi32>
        %gather3A_1058 = tpu.vector_load_idx %arg5[%add3A_1057] : memref<65536xf32, #tpu.memory_space<vmem>>[vector<16xi32>], vector<16xf32>,
        %mul3A_1059 = arith.constant 16 : i32
        %mul3A_1060 = arith.muli %scan3A_52, %mul3A_1059 : i32
        %swap3A_1061 = arith.constant 100 : i32
        %swap3A_1062 = arith.index_cast %swap3A_1061 : i32 to index
        %swap3A_1063 = arith.index_cast %mul3A_1060 : i32 to index
        %swap3A_1064 = tpu.vector_load %arg7[%swap3A_1062, %swap3A_1063] {strides = array<i32>} : memref<128x256xf32, #tpu.memory_space<vmem>>, vector<16xf32>,
        tpu.vector_store %arg7[%swap3A_1062, %swap3A_1063], %gather3A_1058 {strides = array<i32>} : memref<128x256xf32, #tpu.memory_space<vmem>>, vector<16xf32>,
        %add3A_1065 = arith.constant 51712 : i32
        %add3A_1066 = vector.broadcast %add3A_1065 : i32 to vector<16xi32>
        %add3A_1067 = arith.addi %get3A_56, %add3A_1066 : vector<16xi32>
        %gather3A_1068 = tpu.vector_load_idx %arg5[%add3A_1067] : memref<65536xf32, #tpu.memory_space<vmem>>[vector<16xi32>], vector<16xf32>,
        %mul3A_1069 = arith.constant 16 : i32
        %mul3A_1070 = arith.muli %scan3A_52, %mul3A_1069 : i32
        %swap3A_1071 = arith.constant 101 : i32
        %swap3A_1072 = arith.index_cast %swap3A_1071 : i32 to index
        %swap3A_1073 = arith.index_cast %mul3A_1070 : i32 to index
        %swap3A_1074 = tpu.vector_load %arg7[%swap3A_1072, %swap3A_1073] {strides = array<i32>} : memref<128x256xf32, #tpu.memory_space<vmem>>, vector<16xf32>,
        tpu.vector_store %arg7[%swap3A_1072, %swap3A_1073], %gather3A_1068 {strides = array<i32>} : memref<128x256xf32, #tpu.memory_space<vmem>>, vector<16xf32>,
        %add3A_1075 = arith.constant 52224 : i32
        %add3A_1076 = vector.broadcast %add3A_1075 : i32 to vector<16xi32>
        %add3A_1077 = arith.addi %get3A_56, %add3A_1076 : vector<16xi32>
        %gather3A_1078 = tpu.vector_load_idx %arg5[%add3A_1077] : memref<65536xf32, #tpu.memory_space<vmem>>[vector<16xi32>], vector<16xf32>,
        %mul3A_1079 = arith.constant 16 : i32
        %mul3A_1080 = arith.muli %scan3A_52, %mul3A_1079 : i32
        %swap3A_1081 = arith.constant 102 : i32
        %swap3A_1082 = arith.index_cast %swap3A_1081 : i32 to index
        %swap3A_1083 = arith.index_cast %mul3A_1080 : i32 to index
        %swap3A_1084 = tpu.vector_load %arg7[%swap3A_1082, %swap3A_1083] {strides = array<i32>} : memref<128x256xf32, #tpu.memory_space<vmem>>, vector<16xf32>,
        tpu.vector_store %arg7[%swap3A_1082, %swap3A_1083], %gather3A_1078 {strides = array<i32>} : memref<128x256xf32, #tpu.memory_space<vmem>>, vector<16xf32>,
        %add3A_1085 = arith.constant 52736 : i32
        %add3A_1086 = vector.broadcast %add3A_1085 : i32 to vector<16xi32>
        %add3A_1087 = arith.addi %get3A_56, %add3A_1086 : vector<16xi32>
        %gather3A_1088 = tpu.vector_load_idx %arg5[%add3A_1087] : memref<65536xf32, #tpu.memory_space<vmem>>[vector<16xi32>], vector<16xf32>,
        %mul3A_1089 = arith.constant 16 : i32
        %mul3A_1090 = arith.muli %scan3A_52, %mul3A_1089 : i32
        %swap3A_1091 = arith.constant 103 : i32
        %swap3A_1092 = arith.index_cast %swap3A_1091 : i32 to index
        %swap3A_1093 = arith.index_cast %mul3A_1090 : i32 to index
        %swap3A_1094 = tpu.vector_load %arg7[%swap3A_1092, %swap3A_1093] {strides = array<i32>} : memref<128x256xf32, #tpu.memory_space<vmem>>, vector<16xf32>,
        tpu.vector_store %arg7[%swap3A_1092, %swap3A_1093], %gather3A_1088 {strides = array<i32>} : memref<128x256xf32, #tpu.memory_space<vmem>>, vector<16xf32>,
        %add3A_1095 = arith.constant 53248 : i32
        %add3A_1096 = vector.broadcast %add3A_1095 : i32 to vector<16xi32>
        %add3A_1097 = arith.addi %get3A_56, %add3A_1096 : vector<16xi32>
        %gather3A_1098 = tpu.vector_load_idx %arg5[%add3A_1097] : memref<65536xf32, #tpu.memory_space<vmem>>[vector<16xi32>], vector<16xf32>,
        %mul3A_1099 = arith.constant 16 : i32
        %mul3A_1100 = arith.muli %scan3A_52, %mul3A_1099 : i32
        %swap3A_1101 = arith.constant 104 : i32
        %swap3A_1102 = arith.index_cast %swap3A_1101 : i32 to index
        %swap3A_1103 = arith.index_cast %mul3A_1100 : i32 to index
        %swap3A_1104 = tpu.vector_load %arg7[%swap3A_1102, %swap3A_1103] {strides = array<i32>} : memref<128x256xf32, #tpu.memory_space<vmem>>, vector<16xf32>,
        tpu.vector_store %arg7[%swap3A_1102, %swap3A_1103], %gather3A_1098 {strides = array<i32>} : memref<128x256xf32, #tpu.memory_space<vmem>>, vector<16xf32>,
        %add3A_1105 = arith.constant 53760 : i32
        %add3A_1106 = vector.broadcast %add3A_1105 : i32 to vector<16xi32>
        %add3A_1107 = arith.addi %get3A_56, %add3A_1106 : vector<16xi32>
        %gather3A_1108 = tpu.vector_load_idx %arg5[%add3A_1107] : memref<65536xf32, #tpu.memory_space<vmem>>[vector<16xi32>], vector<16xf32>,
        %mul3A_1109 = arith.constant 16 : i32
        %mul3A_1110 = arith.muli %scan3A_52, %mul3A_1109 : i32
        %swap3A_1111 = arith.constant 105 : i32
        %swap3A_1112 = arith.index_cast %swap3A_1111 : i32 to index
        %swap3A_1113 = arith.index_cast %mul3A_1110 : i32 to index
        %swap3A_1114 = tpu.vector_load %arg7[%swap3A_1112, %swap3A_1113] {strides = array<i32>} : memref<128x256xf32, #tpu.memory_space<vmem>>, vector<16xf32>,
        tpu.vector_store %arg7[%swap3A_1112, %swap3A_1113], %gather3A_1108 {strides = array<i32>} : memref<128x256xf32, #tpu.memory_space<vmem>>, vector<16xf32>,
        %add3A_1115 = arith.constant 54272 : i32
        %add3A_1116 = vector.broadcast %add3A_1115 : i32 to vector<16xi32>
        %add3A_1117 = arith.addi %get3A_56, %add3A_1116 : vector<16xi32>
        %gather3A_1118 = tpu.vector_load_idx %arg5[%add3A_1117] : memref<65536xf32, #tpu.memory_space<vmem>>[vector<16xi32>], vector<16xf32>,
        %mul3A_1119 = arith.constant 16 : i32
        %mul3A_1120 = arith.muli %scan3A_52, %mul3A_1119 : i32
        %swap3A_1121 = arith.constant 106 : i32
        %swap3A_1122 = arith.index_cast %swap3A_1121 : i32 to index
        %swap3A_1123 = arith.index_cast %mul3A_1120 : i32 to index
        %swap3A_1124 = tpu.vector_load %arg7[%swap3A_1122, %swap3A_1123] {strides = array<i32>} : memref<128x256xf32, #tpu.memory_space<vmem>>, vector<16xf32>,
        tpu.vector_store %arg7[%swap3A_1122, %swap3A_1123], %gather3A_1118 {strides = array<i32>} : memref<128x256xf32, #tpu.memory_space<vmem>>, vector<16xf32>,
        %add3A_1125 = arith.constant 54784 : i32
        %add3A_1126 = vector.broadcast %add3A_1125 : i32 to vector<16xi32>
        %add3A_1127 = arith.addi %get3A_56, %add3A_1126 : vector<16xi32>
        %gather3A_1128 = tpu.vector_load_idx %arg5[%add3A_1127] : memref<65536xf32, #tpu.memory_space<vmem>>[vector<16xi32>], vector<16xf32>,
        %mul3A_1129 = arith.constant 16 : i32
        %mul3A_1130 = arith.muli %scan3A_52, %mul3A_1129 : i32
        %swap3A_1131 = arith.constant 107 : i32
        %swap3A_1132 = arith.index_cast %swap3A_1131 : i32 to index
        %swap3A_1133 = arith.index_cast %mul3A_1130 : i32 to index
        %swap3A_1134 = tpu.vector_load %arg7[%swap3A_1132, %swap3A_1133] {strides = array<i32>} : memref<128x256xf32, #tpu.memory_space<vmem>>, vector<16xf32>,
        tpu.vector_store %arg7[%swap3A_1132, %swap3A_1133], %gather3A_1128 {strides = array<i32>} : memref<128x256xf32, #tpu.memory_space<vmem>>, vector<16xf32>,
        %add3A_1135 = arith.constant 55296 : i32
        %add3A_1136 = vector.broadcast %add3A_1135 : i32 to vector<16xi32>
        %add3A_1137 = arith.addi %get3A_56, %add3A_1136 : vector<16xi32>
        %gather3A_1138 = tpu.vector_load_idx %arg5[%add3A_1137] : memref<65536xf32, #tpu.memory_space<vmem>>[vector<16xi32>], vector<16xf32>,
        %mul3A_1139 = arith.constant 16 : i32
        %mul3A_1140 = arith.muli %scan3A_52, %mul3A_1139 : i32
        %swap3A_1141 = arith.constant 108 : i32
        %swap3A_1142 = arith.index_cast %swap3A_1141 : i32 to index
        %swap3A_1143 = arith.index_cast %mul3A_1140 : i32 to index
        %swap3A_1144 = tpu.vector_load %arg7[%swap3A_1142, %swap3A_1143] {strides = array<i32>} : memref<128x256xf32, #tpu.memory_space<vmem>>, vector<16xf32>,
        tpu.vector_store %arg7[%swap3A_1142, %swap3A_1143], %gather3A_1138 {strides = array<i32>} : memref<128x256xf32, #tpu.memory_space<vmem>>, vector<16xf32>,
        %add3A_1145 = arith.constant 55808 : i32
        %add3A_1146 = vector.broadcast %add3A_1145 : i32 to vector<16xi32>
        %add3A_1147 = arith.addi %get3A_56, %add3A_1146 : vector<16xi32>
        %gather3A_1148 = tpu.vector_load_idx %arg5[%add3A_1147] : memref<65536xf32, #tpu.memory_space<vmem>>[vector<16xi32>], vector<16xf32>,
        %mul3A_1149 = arith.constant 16 : i32
        %mul3A_1150 = arith.muli %scan3A_52, %mul3A_1149 : i32
        %swap3A_1151 = arith.constant 109 : i32
        %swap3A_1152 = arith.index_cast %swap3A_1151 : i32 to index
        %swap3A_1153 = arith.index_cast %mul3A_1150 : i32 to index
        %swap3A_1154 = tpu.vector_load %arg7[%swap3A_1152, %swap3A_1153] {strides = array<i32>} : memref<128x256xf32, #tpu.memory_space<vmem>>, vector<16xf32>,
        tpu.vector_store %arg7[%swap3A_1152, %swap3A_1153], %gather3A_1148 {strides = array<i32>} : memref<128x256xf32, #tpu.memory_space<vmem>>, vector<16xf32>,
        %add3A_1155 = arith.constant 56320 : i32
        %add3A_1156 = vector.broadcast %add3A_1155 : i32 to vector<16xi32>
        %add3A_1157 = arith.addi %get3A_56, %add3A_1156 : vector<16xi32>
        %gather3A_1158 = tpu.vector_load_idx %arg5[%add3A_1157] : memref<65536xf32, #tpu.memory_space<vmem>>[vector<16xi32>], vector<16xf32>,
        %mul3A_1159 = arith.constant 16 : i32
        %mul3A_1160 = arith.muli %scan3A_52, %mul3A_1159 : i32
        %swap3A_1161 = arith.constant 110 : i32
        %swap3A_1162 = arith.index_cast %swap3A_1161 : i32 to index
        %swap3A_1163 = arith.index_cast %mul3A_1160 : i32 to index
        %swap3A_1164 = tpu.vector_load %arg7[%swap3A_1162, %swap3A_1163] {strides = array<i32>} : memref<128x256xf32, #tpu.memory_space<vmem>>, vector<16xf32>,
        tpu.vector_store %arg7[%swap3A_1162, %swap3A_1163], %gather3A_1158 {strides = array<i32>} : memref<128x256xf32, #tpu.memory_space<vmem>>, vector<16xf32>,
        %add3A_1165 = arith.constant 56832 : i32
        %add3A_1166 = vector.broadcast %add3A_1165 : i32 to vector<16xi32>
        %add3A_1167 = arith.addi %get3A_56, %add3A_1166 : vector<16xi32>
        %gather3A_1168 = tpu.vector_load_idx %arg5[%add3A_1167] : memref<65536xf32, #tpu.memory_space<vmem>>[vector<16xi32>], vector<16xf32>,
        %mul3A_1169 = arith.constant 16 : i32
        %mul3A_1170 = arith.muli %scan3A_52, %mul3A_1169 : i32
        %swap3A_1171 = arith.constant 111 : i32
        %swap3A_1172 = arith.index_cast %swap3A_1171 : i32 to index
        %swap3A_1173 = arith.index_cast %mul3A_1170 : i32 to index
        %swap3A_1174 = tpu.vector_load %arg7[%swap3A_1172, %swap3A_1173] {strides = array<i32>} : memref<128x256xf32, #tpu.memory_space<vmem>>, vector<16xf32>,
        tpu.vector_store %arg7[%swap3A_1172, %swap3A_1173], %gather3A_1168 {strides = array<i32>} : memref<128x256xf32, #tpu.memory_space<vmem>>, vector<16xf32>,
        %add3A_1175 = arith.constant 57344 : i32
        %add3A_1176 = vector.broadcast %add3A_1175 : i32 to vector<16xi32>
        %add3A_1177 = arith.addi %get3A_56, %add3A_1176 : vector<16xi32>
        %gather3A_1178 = tpu.vector_load_idx %arg5[%add3A_1177] : memref<65536xf32, #tpu.memory_space<vmem>>[vector<16xi32>], vector<16xf32>,
        %mul3A_1179 = arith.constant 16 : i32
        %mul3A_1180 = arith.muli %scan3A_52, %mul3A_1179 : i32
        %swap3A_1181 = arith.constant 112 : i32
        %swap3A_1182 = arith.index_cast %swap3A_1181 : i32 to index
        %swap3A_1183 = arith.index_cast %mul3A_1180 : i32 to index
        %swap3A_1184 = tpu.vector_load %arg7[%swap3A_1182, %swap3A_1183] {strides = array<i32>} : memref<128x256xf32, #tpu.memory_space<vmem>>, vector<16xf32>,
        tpu.vector_store %arg7[%swap3A_1182, %swap3A_1183], %gather3A_1178 {strides = array<i32>} : memref<128x256xf32, #tpu.memory_space<vmem>>, vector<16xf32>,
        %add3A_1185 = arith.constant 57856 : i32
        %add3A_1186 = vector.broadcast %add3A_1185 : i32 to vector<16xi32>
        %add3A_1187 = arith.addi %get3A_56, %add3A_1186 : vector<16xi32>
        %gather3A_1188 = tpu.vector_load_idx %arg5[%add3A_1187] : memref<65536xf32, #tpu.memory_space<vmem>>[vector<16xi32>], vector<16xf32>,
        %mul3A_1189 = arith.constant 16 : i32
        %mul3A_1190 = arith.muli %scan3A_52, %mul3A_1189 : i32
        %swap3A_1191 = arith.constant 113 : i32
        %swap3A_1192 = arith.index_cast %swap3A_1191 : i32 to index
        %swap3A_1193 = arith.index_cast %mul3A_1190 : i32 to index
        %swap3A_1194 = tpu.vector_load %arg7[%swap3A_1192, %swap3A_1193] {strides = array<i32>} : memref<128x256xf32, #tpu.memory_space<vmem>>, vector<16xf32>,
        tpu.vector_store %arg7[%swap3A_1192, %swap3A_1193], %gather3A_1188 {strides = array<i32>} : memref<128x256xf32, #tpu.memory_space<vmem>>, vector<16xf32>,
        %add3A_1195 = arith.constant 58368 : i32
        %add3A_1196 = vector.broadcast %add3A_1195 : i32 to vector<16xi32>
        %add3A_1197 = arith.addi %get3A_56, %add3A_1196 : vector<16xi32>
        %gather3A_1198 = tpu.vector_load_idx %arg5[%add3A_1197] : memref<65536xf32, #tpu.memory_space<vmem>>[vector<16xi32>], vector<16xf32>,
        %mul3A_1199 = arith.constant 16 : i32
        %mul3A_1200 = arith.muli %scan3A_52, %mul3A_1199 : i32
        %swap3A_1201 = arith.constant 114 : i32
        %swap3A_1202 = arith.index_cast %swap3A_1201 : i32 to index
        %swap3A_1203 = arith.index_cast %mul3A_1200 : i32 to index
        %swap3A_1204 = tpu.vector_load %arg7[%swap3A_1202, %swap3A_1203] {strides = array<i32>} : memref<128x256xf32, #tpu.memory_space<vmem>>, vector<16xf32>,
        tpu.vector_store %arg7[%swap3A_1202, %swap3A_1203], %gather3A_1198 {strides = array<i32>} : memref<128x256xf32, #tpu.memory_space<vmem>>, vector<16xf32>,
        %add3A_1205 = arith.constant 58880 : i32
        %add3A_1206 = vector.broadcast %add3A_1205 : i32 to vector<16xi32>
        %add3A_1207 = arith.addi %get3A_56, %add3A_1206 : vector<16xi32>
        %gather3A_1208 = tpu.vector_load_idx %arg5[%add3A_1207] : memref<65536xf32, #tpu.memory_space<vmem>>[vector<16xi32>], vector<16xf32>,
        %mul3A_1209 = arith.constant 16 : i32
        %mul3A_1210 = arith.muli %scan3A_52, %mul3A_1209 : i32
        %swap3A_1211 = arith.constant 115 : i32
        %swap3A_1212 = arith.index_cast %swap3A_1211 : i32 to index
        %swap3A_1213 = arith.index_cast %mul3A_1210 : i32 to index
        %swap3A_1214 = tpu.vector_load %arg7[%swap3A_1212, %swap3A_1213] {strides = array<i32>} : memref<128x256xf32, #tpu.memory_space<vmem>>, vector<16xf32>,
        tpu.vector_store %arg7[%swap3A_1212, %swap3A_1213], %gather3A_1208 {strides = array<i32>} : memref<128x256xf32, #tpu.memory_space<vmem>>, vector<16xf32>,
        %add3A_1215 = arith.constant 59392 : i32
        %add3A_1216 = vector.broadcast %add3A_1215 : i32 to vector<16xi32>
        %add3A_1217 = arith.addi %get3A_56, %add3A_1216 : vector<16xi32>
        %gather3A_1218 = tpu.vector_load_idx %arg5[%add3A_1217] : memref<65536xf32, #tpu.memory_space<vmem>>[vector<16xi32>], vector<16xf32>,
        %mul3A_1219 = arith.constant 16 : i32
        %mul3A_1220 = arith.muli %scan3A_52, %mul3A_1219 : i32
        %swap3A_1221 = arith.constant 116 : i32
        %swap3A_1222 = arith.index_cast %swap3A_1221 : i32 to index
        %swap3A_1223 = arith.index_cast %mul3A_1220 : i32 to index
        %swap3A_1224 = tpu.vector_load %arg7[%swap3A_1222, %swap3A_1223] {strides = array<i32>} : memref<128x256xf32, #tpu.memory_space<vmem>>, vector<16xf32>,
        tpu.vector_store %arg7[%swap3A_1222, %swap3A_1223], %gather3A_1218 {strides = array<i32>} : memref<128x256xf32, #tpu.memory_space<vmem>>, vector<16xf32>,
        %add3A_1225 = arith.constant 59904 : i32
        %add3A_1226 = vector.broadcast %add3A_1225 : i32 to vector<16xi32>
        %add3A_1227 = arith.addi %get3A_56, %add3A_1226 : vector<16xi32>
        %gather3A_1228 = tpu.vector_load_idx %arg5[%add3A_1227] : memref<65536xf32, #tpu.memory_space<vmem>>[vector<16xi32>], vector<16xf32>,
        %mul3A_1229 = arith.constant 16 : i32
        %mul3A_1230 = arith.muli %scan3A_52, %mul3A_1229 : i32
        %swap3A_1231 = arith.constant 117 : i32
        %swap3A_1232 = arith.index_cast %swap3A_1231 : i32 to index
        %swap3A_1233 = arith.index_cast %mul3A_1230 : i32 to index
        %swap3A_1234 = tpu.vector_load %arg7[%swap3A_1232, %swap3A_1233] {strides = array<i32>} : memref<128x256xf32, #tpu.memory_space<vmem>>, vector<16xf32>,
        tpu.vector_store %arg7[%swap3A_1232, %swap3A_1233], %gather3A_1228 {strides = array<i32>} : memref<128x256xf32, #tpu.memory_space<vmem>>, vector<16xf32>,
        %add3A_1235 = arith.constant 60416 : i32
        %add3A_1236 = vector.broadcast %add3A_1235 : i32 to vector<16xi32>
        %add3A_1237 = arith.addi %get3A_56, %add3A_1236 : vector<16xi32>
        %gather3A_1238 = tpu.vector_load_idx %arg5[%add3A_1237] : memref<65536xf32, #tpu.memory_space<vmem>>[vector<16xi32>], vector<16xf32>,
        %mul3A_1239 = arith.constant 16 : i32
        %mul3A_1240 = arith.muli %scan3A_52, %mul3A_1239 : i32
        %swap3A_1241 = arith.constant 118 : i32
        %swap3A_1242 = arith.index_cast %swap3A_1241 : i32 to index
        %swap3A_1243 = arith.index_cast %mul3A_1240 : i32 to index
        %swap3A_1244 = tpu.vector_load %arg7[%swap3A_1242, %swap3A_1243] {strides = array<i32>} : memref<128x256xf32, #tpu.memory_space<vmem>>, vector<16xf32>,
        tpu.vector_store %arg7[%swap3A_1242, %swap3A_1243], %gather3A_1238 {strides = array<i32>} : memref<128x256xf32, #tpu.memory_space<vmem>>, vector<16xf32>,
        %add3A_1245 = arith.constant 60928 : i32
        %add3A_1246 = vector.broadcast %add3A_1245 : i32 to vector<16xi32>
        %add3A_1247 = arith.addi %get3A_56, %add3A_1246 : vector<16xi32>
        %gather3A_1248 = tpu.vector_load_idx %arg5[%add3A_1247] : memref<65536xf32, #tpu.memory_space<vmem>>[vector<16xi32>], vector<16xf32>,
        %mul3A_1249 = arith.constant 16 : i32
        %mul3A_1250 = arith.muli %scan3A_52, %mul3A_1249 : i32
        %swap3A_1251 = arith.constant 119 : i32
        %swap3A_1252 = arith.index_cast %swap3A_1251 : i32 to index
        %swap3A_1253 = arith.index_cast %mul3A_1250 : i32 to index
        %swap3A_1254 = tpu.vector_load %arg7[%swap3A_1252, %swap3A_1253] {strides = array<i32>} : memref<128x256xf32, #tpu.memory_space<vmem>>, vector<16xf32>,
        tpu.vector_store %arg7[%swap3A_1252, %swap3A_1253], %gather3A_1248 {strides = array<i32>} : memref<128x256xf32, #tpu.memory_space<vmem>>, vector<16xf32>,
        %add3A_1255 = arith.constant 61440 : i32
        %add3A_1256 = vector.broadcast %add3A_1255 : i32 to vector<16xi32>
        %add3A_1257 = arith.addi %get3A_56, %add3A_1256 : vector<16xi32>
        %gather3A_1258 = tpu.vector_load_idx %arg5[%add3A_1257] : memref<65536xf32, #tpu.memory_space<vmem>>[vector<16xi32>], vector<16xf32>,
        %mul3A_1259 = arith.constant 16 : i32
        %mul3A_1260 = arith.muli %scan3A_52, %mul3A_1259 : i32
        %swap3A_1261 = arith.constant 120 : i32
        %swap3A_1262 = arith.index_cast %swap3A_1261 : i32 to index
        %swap3A_1263 = arith.index_cast %mul3A_1260 : i32 to index
        %swap3A_1264 = tpu.vector_load %arg7[%swap3A_1262, %swap3A_1263] {strides = array<i32>} : memref<128x256xf32, #tpu.memory_space<vmem>>, vector<16xf32>,
        tpu.vector_store %arg7[%swap3A_1262, %swap3A_1263], %gather3A_1258 {strides = array<i32>} : memref<128x256xf32, #tpu.memory_space<vmem>>, vector<16xf32>,
        %add3A_1265 = arith.constant 61952 : i32
        %add3A_1266 = vector.broadcast %add3A_1265 : i32 to vector<16xi32>
        %add3A_1267 = arith.addi %get3A_56, %add3A_1266 : vector<16xi32>
        %gather3A_1268 = tpu.vector_load_idx %arg5[%add3A_1267] : memref<65536xf32, #tpu.memory_space<vmem>>[vector<16xi32>], vector<16xf32>,
        %mul3A_1269 = arith.constant 16 : i32
        %mul3A_1270 = arith.muli %scan3A_52, %mul3A_1269 : i32
        %swap3A_1271 = arith.constant 121 : i32
        %swap3A_1272 = arith.index_cast %swap3A_1271 : i32 to index
        %swap3A_1273 = arith.index_cast %mul3A_1270 : i32 to index
        %swap3A_1274 = tpu.vector_load %arg7[%swap3A_1272, %swap3A_1273] {strides = array<i32>} : memref<128x256xf32, #tpu.memory_space<vmem>>, vector<16xf32>,
        tpu.vector_store %arg7[%swap3A_1272, %swap3A_1273], %gather3A_1268 {strides = array<i32>} : memref<128x256xf32, #tpu.memory_space<vmem>>, vector<16xf32>,
        %add3A_1275 = arith.constant 62464 : i32
        %add3A_1276 = vector.broadcast %add3A_1275 : i32 to vector<16xi32>
        %add3A_1277 = arith.addi %get3A_56, %add3A_1276 : vector<16xi32>
        %gather3A_1278 = tpu.vector_load_idx %arg5[%add3A_1277] : memref<65536xf32, #tpu.memory_space<vmem>>[vector<16xi32>], vector<16xf32>,
        %mul3A_1279 = arith.constant 16 : i32
        %mul3A_1280 = arith.muli %scan3A_52, %mul3A_1279 : i32
        %swap3A_1281 = arith.constant 122 : i32
        %swap3A_1282 = arith.index_cast %swap3A_1281 : i32 to index
        %swap3A_1283 = arith.index_cast %mul3A_1280 : i32 to index
        %swap3A_1284 = tpu.vector_load %arg7[%swap3A_1282, %swap3A_1283] {strides = array<i32>} : memref<128x256xf32, #tpu.memory_space<vmem>>, vector<16xf32>,
        tpu.vector_store %arg7[%swap3A_1282, %swap3A_1283], %gather3A_1278 {strides = array<i32>} : memref<128x256xf32, #tpu.memory_space<vmem>>, vector<16xf32>,
        %add3A_1285 = arith.constant 62976 : i32
        %add3A_1286 = vector.broadcast %add3A_1285 : i32 to vector<16xi32>
        %add3A_1287 = arith.addi %get3A_56, %add3A_1286 : vector<16xi32>
        %gather3A_1288 = tpu.vector_load_idx %arg5[%add3A_1287] : memref<65536xf32, #tpu.memory_space<vmem>>[vector<16xi32>], vector<16xf32>,
        %mul3A_1289 = arith.constant 16 : i32
        %mul3A_1290 = arith.muli %scan3A_52, %mul3A_1289 : i32
        %swap3A_1291 = arith.constant 123 : i32
        %swap3A_1292 = arith.index_cast %swap3A_1291 : i32 to index
        %swap3A_1293 = arith.index_cast %mul3A_1290 : i32 to index
        %swap3A_1294 = tpu.vector_load %arg7[%swap3A_1292, %swap3A_1293] {strides = array<i32>} : memref<128x256xf32, #tpu.memory_space<vmem>>, vector<16xf32>,
        tpu.vector_store %arg7[%swap3A_1292, %swap3A_1293], %gather3A_1288 {strides = array<i32>} : memref<128x256xf32, #tpu.memory_space<vmem>>, vector<16xf32>,
        %add3A_1295 = arith.constant 63488 : i32
        %add3A_1296 = vector.broadcast %add3A_1295 : i32 to vector<16xi32>
        %add3A_1297 = arith.addi %get3A_56, %add3A_1296 : vector<16xi32>
        %gather3A_1298 = tpu.vector_load_idx %arg5[%add3A_1297] : memref<65536xf32, #tpu.memory_space<vmem>>[vector<16xi32>], vector<16xf32>,
        %mul3A_1299 = arith.constant 16 : i32
        %mul3A_1300 = arith.muli %scan3A_52, %mul3A_1299 : i32
        %swap3A_1301 = arith.constant 124 : i32
        %swap3A_1302 = arith.index_cast %swap3A_1301 : i32 to index
        %swap3A_1303 = arith.index_cast %mul3A_1300 : i32 to index
        %swap3A_1304 = tpu.vector_load %arg7[%swap3A_1302, %swap3A_1303] {strides = array<i32>} : memref<128x256xf32, #tpu.memory_space<vmem>>, vector<16xf32>,
        tpu.vector_store %arg7[%swap3A_1302, %swap3A_1303], %gather3A_1298 {strides = array<i32>} : memref<128x256xf32, #tpu.memory_space<vmem>>, vector<16xf32>,
        %add3A_1305 = arith.constant 64000 : i32
        %add3A_1306 = vector.broadcast %add3A_1305 : i32 to vector<16xi32>
        %add3A_1307 = arith.addi %get3A_56, %add3A_1306 : vector<16xi32>
        %gather3A_1308 = tpu.vector_load_idx %arg5[%add3A_1307] : memref<65536xf32, #tpu.memory_space<vmem>>[vector<16xi32>], vector<16xf32>,
        %mul3A_1309 = arith.constant 16 : i32
        %mul3A_1310 = arith.muli %scan3A_52, %mul3A_1309 : i32
        %swap3A_1311 = arith.constant 125 : i32
        %swap3A_1312 = arith.index_cast %swap3A_1311 : i32 to index
        %swap3A_1313 = arith.index_cast %mul3A_1310 : i32 to index
        %swap3A_1314 = tpu.vector_load %arg7[%swap3A_1312, %swap3A_1313] {strides = array<i32>} : memref<128x256xf32, #tpu.memory_space<vmem>>, vector<16xf32>,
        tpu.vector_store %arg7[%swap3A_1312, %swap3A_1313], %gather3A_1308 {strides = array<i32>} : memref<128x256xf32, #tpu.memory_space<vmem>>, vector<16xf32>,
        %add3A_1315 = arith.constant 64512 : i32
        %add3A_1316 = vector.broadcast %add3A_1315 : i32 to vector<16xi32>
        %add3A_1317 = arith.addi %get3A_56, %add3A_1316 : vector<16xi32>
        %gather3A_1318 = tpu.vector_load_idx %arg5[%add3A_1317] : memref<65536xf32, #tpu.memory_space<vmem>>[vector<16xi32>], vector<16xf32>,
        %mul3A_1319 = arith.constant 16 : i32
        %mul3A_1320 = arith.muli %scan3A_52, %mul3A_1319 : i32
        %swap3A_1321 = arith.constant 126 : i32
        %swap3A_1322 = arith.index_cast %swap3A_1321 : i32 to index
        %swap3A_1323 = arith.index_cast %mul3A_1320 : i32 to index
        %swap3A_1324 = tpu.vector_load %arg7[%swap3A_1322, %swap3A_1323] {strides = array<i32>} : memref<128x256xf32, #tpu.memory_space<vmem>>, vector<16xf32>,
        tpu.vector_store %arg7[%swap3A_1322, %swap3A_1323], %gather3A_1318 {strides = array<i32>} : memref<128x256xf32, #tpu.memory_space<vmem>>, vector<16xf32>,
        %add3A_1325 = arith.constant 65024 : i32
        %add3A_1326 = vector.broadcast %add3A_1325 : i32 to vector<16xi32>
        %add3A_1327 = arith.addi %get3A_56, %add3A_1326 : vector<16xi32>
        %gather3A_1328 = tpu.vector_load_idx %arg5[%add3A_1327] : memref<65536xf32, #tpu.memory_space<vmem>>[vector<16xi32>], vector<16xf32>,
        %mul3A_1329 = arith.constant 16 : i32
        %mul3A_1330 = arith.muli %scan3A_52, %mul3A_1329 : i32
        %swap3A_1331 = arith.constant 127 : i32
        %swap3A_1332 = arith.index_cast %swap3A_1331 : i32 to index
        %swap3A_1333 = arith.index_cast %mul3A_1330 : i32 to index
        %swap3A_1334 = tpu.vector_load %arg7[%swap3A_1332, %swap3A_1333] {strides = array<i32>} : memref<128x256xf32, #tpu.memory_space<vmem>>, vector<16xf32>,
        tpu.vector_store %arg7[%swap3A_1332, %swap3A_1333], %gather3A_1328 {strides = array<i32>} : memref<128x256xf32, #tpu.memory_space<vmem>>, vector<16xf32>,
        %scan3A_1335 = arith.constant 0 : i32
        scf.yield %scan3A_1335 : i32
      }
      %scan3A_50 = arith.constant 16 : i32
      "tpu.region"() ({
        %run_scoped3A_52 = tpu.sem_alloc : memref<!tpu.dma_semaphore, #tpu.memory_space<semaphore_mem>>
        %dma_start3A = arith.constant 0 : i32
        %dma_start3A_53 = tpu.memref_slice %arg4[%select_n3A, %dma_start3A, %add3A_43] : memref<16x128x4096xf32, #tpu.memory_space<hbm>> -> memref<1x128x256xf32, #tpu.memory_space<hbm>>
        %dma_start3A_54 = tpu.memref_squeeze %dma_start3A_53 : memref<1x128x256xf32, #tpu.memory_space<hbm>> -> memref<128x256xf32, #tpu.memory_space<hbm>>
        %dma_start3A_55 = arith.constant 0 : i32
        %dma_start3A_56 = tpu.memref_slice %arg4[%select_n3A, %dma_start3A_55, %add3A_43] : memref<16x128x4096xf32, #tpu.memory_space<hbm>> -> memref<1x128x256xf32, #tpu.memory_space<hbm>>
        %dma_start3A_57 = tpu.memref_squeeze %dma_start3A_56 : memref<1x128x256xf32, #tpu.memory_space<hbm>> -> memref<128x256xf32, #tpu.memory_space<hbm>>
        tpu.enqueue_dma source(%arg7 : memref<128x256xf32, #tpu.memory_space<vmem>>) target(%dma_start3A_57 : memref<128x256xf32, #tpu.memory_space<hbm>>) target_semaphore(%run_scoped3A_52 : memref<!tpu.dma_semaphore, #tpu.memory_space<semaphore_mem>>)
        %dma_wait3A = arith.constant 0 : i32
        %dma_wait3A_58 = tpu.memref_slice %arg4[%select_n3A, %dma_wait3A, %add3A_43] : memref<16x128x4096xf32, #tpu.memory_space<hbm>> -> memref<1x128x256xf32, #tpu.memory_space<hbm>>
        %dma_wait3A_59 = tpu.memref_squeeze %dma_wait3A_58 : memref<1x128x256xf32, #tpu.memory_space<hbm>> -> memref<128x256xf32, #tpu.memory_space<hbm>>
        %dma_wait3A_60 = arith.constant 0 : i32
        %dma_wait3A_61 = tpu.memref_slice %arg4[%select_n3A, %dma_wait3A_60, %add3A_43] : memref<16x128x4096xf32, #tpu.memory_space<hbm>> -> memref<1x128x256xf32, #tpu.memory_space<hbm>>
        %dma_wait3A_62 = tpu.memref_squeeze %dma_wait3A_61 : memref<1x128x256xf32, #tpu.memory_space<hbm>> -> memref<128x256xf32, #tpu.memory_space<hbm>>
        tpu.wait_dma2 semaphore(%run_scoped3A_52 : memref<!tpu.dma_semaphore, #tpu.memory_space<semaphore_mem>>) src(%arg7 : memref<128x256xf32, #tpu.memory_space<vmem>>) dst(%dma_wait3A_62 : memref<128x256xf32, #tpu.memory_space<hbm>>)
        tpu.yield
      }) : () -> ()
      %scan3A_51 = arith.constant 0 : i32
      scf.yield %scan3A_51 : i32
    }
    %scan3A_38 = arith.constant 8 : i32
    return
  }
}

module attributes {stable_mosaic.version = 14 : i64} {
  func.func @_idx_body(%arg0: i32, %arg1: i32, %arg2: memref<1x128x2048xf32, #tpu.memory_space<vmem>>, %arg3: memref<512x128xf32, #tpu.memory_space<vmem>>, %arg4: memref<1x1x2048xi32, #tpu.memory_space<vmem>>, %arg5: memref<1x1xf32, #tpu.memory_space<vmem>>) attributes {dimension_semantics = [#tpu.dimension_semantics<arbitrary>, #tpu.dimension_semantics<arbitrary>], iteration_bounds = array<i64: 16, 2>, scalar_prefetch = 0 : i64, scratch_operands = 0 : i64, tpu.core_type = #tpu.core_type<tc>, window_params = [{transform_indices = @transform_0, window_bounds = array<i64: 1, 128, 2048>}, {pipeline_mode = #tpu.pipeline_mode<synchronous>, transform_indices = @transform_1, window_bounds = array<i64: 512, 128>}, {transform_indices = @transform_2, window_bounds = array<i64: 1, 1, 2048>}, {pipeline_mode = #tpu.pipeline_mode<synchronous>, transform_indices = @transform_3, window_bounds = array<i64: 1, 1>}]} {
    %get3A = arith.constant 0 : index
    %get3A_0 = arith.constant 0 : index
    %get3A_1 = arith.constant 0 : index
    %get3A_2 = vector.load %arg2[%get3A, %get3A_0, %get3A_1] : memref<1x128x2048xf32, #tpu.memory_space<vmem>>, vector<1x128x2048xf32>
    %get3A_3 = vector.shape_cast %get3A_2 : vector<1x128x2048xf32> to vector<128x2048xf32>
    %get3A_4 = arith.constant 0 : index
    %get3A_5 = arith.constant 0 : index
    %get3A_6 = vector.load %arg3[%get3A_4, %get3A_5] : memref<512x128xf32, #tpu.memory_space<vmem>>, vector<512x128xf32>
    %mul3A = arith.mulf %get3A_3, %get3A_3 : vector<128x2048xf32>
    %reduce_sum3A = arith.constant dense<0.000000e+00> : vector<2048xf32>
    %reduce_sum3A_7 = vector.multi_reduction <add>, %mul3A, %reduce_sum3A [0] : vector<128x2048xf32> to vector<2048xf32>
    %broadcast_in_dim3A = vector.shape_cast %reduce_sum3A_7 : vector<2048xf32> to vector<1x2048xf32>
    %mul3A_8 = arith.mulf %get3A_6, %get3A_6 : vector<512x128xf32>
    %reduce_sum3A_9 = arith.constant dense<0.000000e+00> : vector<512xf32>
    %reduce_sum3A_10 = vector.multi_reduction <add>, %mul3A_8, %reduce_sum3A_9 [1] : vector<512x128xf32> to vector<512xf32>
    %broadcast_in_dim3A_11 = vector.shape_cast %reduce_sum3A_10 : vector<512xf32> to vector<512x1xf32>
    %mul3A_12 = arith.constant 2.000000e+00 : f32
    %mul3A_13 = vector.broadcast %mul3A_12 : f32 to vector<512x128xf32>
    %mul3A_14 = arith.mulf %get3A_6, %mul3A_13 : vector<512x128xf32>
    %dot_general3A = arith.constant dense<0.000000e+00> : vector<512x2048xf32>
    %dot_general3A_15 = tpu.matmul %mul3A_14, %get3A_3, %dot_general3A {dimension_numbers = #tpu.dot_dimension_numbers<[1], [0], [0], [1], [0, 0, 1, 1], [], []>, transpose_lhs_hint = false} : vector<512x128xf32>, vector<128x2048xf32>, vector<512x2048xf32> -> vector<512x2048xf32>
    %slice3A = vector.extract_strided_slice %broadcast_in_dim3A_11 {offsets = [0, 0], sizes = [8, 1], strides = [1, 1]} : vector<512x1xf32> to vector<8x1xf32>
    %add3A = vector.broadcast %broadcast_in_dim3A : vector<1x2048xf32> to vector<8x2048xf32>
    %add3A_16 = vector.broadcast %slice3A : vector<8x1xf32> to vector<8x2048xf32>
    %add3A_17 = arith.addf %add3A, %add3A_16 : vector<8x2048xf32>
    %slice3A_18 = vector.extract_strided_slice %dot_general3A_15 {offsets = [0, 0], sizes = [8, 2048], strides = [1, 1]} : vector<512x2048xf32> to vector<8x2048xf32>
    %sub3A = arith.subf %add3A_17, %slice3A_18 : vector<8x2048xf32>
    %broadcast_in_dim3A_19 = arith.constant 0 : i32
    %broadcast_in_dim3A_20 = vector.broadcast %broadcast_in_dim3A_19 : i32 to vector<8x2048xi32>
    %slice3A_21 = vector.extract_strided_slice %broadcast_in_dim3A_11 {offsets = [8, 0], sizes = [8, 1], strides = [1, 1]} : vector<512x1xf32> to vector<8x1xf32>
    %add3A_22 = vector.broadcast %broadcast_in_dim3A : vector<1x2048xf32> to vector<8x2048xf32>
    %add3A_23 = vector.broadcast %slice3A_21 : vector<8x1xf32> to vector<8x2048xf32>
    %add3A_24 = arith.addf %add3A_22, %add3A_23 : vector<8x2048xf32>
    %slice3A_25 = vector.extract_strided_slice %dot_general3A_15 {offsets = [8, 0], sizes = [8, 2048], strides = [1, 1]} : vector<512x2048xf32> to vector<8x2048xf32>
    %sub3A_26 = arith.subf %add3A_24, %slice3A_25 : vector<8x2048xf32>
    %lt3A = arith.cmpf olt, %sub3A_26, %sub3A : vector<8x2048xf32>
    %select_n3A = arith.select %lt3A, %sub3A_26, %sub3A : vector<8x2048xi1>, vector<8x2048xf32>
    %jit3A = arith.constant 1 : i32
    %broadcast_in_dim3A_27 = vector.broadcast %jit3A : i32 to vector<8x2048xi32>
    %select_n3A_28 = arith.select %lt3A, %broadcast_in_dim3A_27, %broadcast_in_dim3A_20 : vector<8x2048xi1>, vector<8x2048xi32>
    %slice3A_29 = vector.extract_strided_slice %broadcast_in_dim3A_11 {offsets = [16, 0], sizes = [8, 1], strides = [1, 1]} : vector<512x1xf32> to vector<8x1xf32>
    %add3A_30 = vector.broadcast %broadcast_in_dim3A : vector<1x2048xf32> to vector<8x2048xf32>
    %add3A_31 = vector.broadcast %slice3A_29 : vector<8x1xf32> to vector<8x2048xf32>
    %add3A_32 = arith.addf %add3A_30, %add3A_31 : vector<8x2048xf32>
    %slice3A_33 = vector.extract_strided_slice %dot_general3A_15 {offsets = [16, 0], sizes = [8, 2048], strides = [1, 1]} : vector<512x2048xf32> to vector<8x2048xf32>
    %sub3A_34 = arith.subf %add3A_32, %slice3A_33 : vector<8x2048xf32>
    %lt3A_35 = arith.cmpf olt, %sub3A_34, %select_n3A : vector<8x2048xf32>
    %select_n3A_36 = arith.select %lt3A_35, %sub3A_34, %select_n3A : vector<8x2048xi1>, vector<8x2048xf32>
    %jit3A_37 = arith.constant 2 : i32
    %broadcast_in_dim3A_38 = vector.broadcast %jit3A_37 : i32 to vector<8x2048xi32>
    %select_n3A_39 = arith.select %lt3A_35, %broadcast_in_dim3A_38, %select_n3A_28 : vector<8x2048xi1>, vector<8x2048xi32>
    %slice3A_40 = vector.extract_strided_slice %broadcast_in_dim3A_11 {offsets = [24, 0], sizes = [8, 1], strides = [1, 1]} : vector<512x1xf32> to vector<8x1xf32>
    %add3A_41 = vector.broadcast %broadcast_in_dim3A : vector<1x2048xf32> to vector<8x2048xf32>
    %add3A_42 = vector.broadcast %slice3A_40 : vector<8x1xf32> to vector<8x2048xf32>
    %add3A_43 = arith.addf %add3A_41, %add3A_42 : vector<8x2048xf32>
    %slice3A_44 = vector.extract_strided_slice %dot_general3A_15 {offsets = [24, 0], sizes = [8, 2048], strides = [1, 1]} : vector<512x2048xf32> to vector<8x2048xf32>
    %sub3A_45 = arith.subf %add3A_43, %slice3A_44 : vector<8x2048xf32>
    %lt3A_46 = arith.cmpf olt, %sub3A_45, %select_n3A_36 : vector<8x2048xf32>
    %select_n3A_47 = arith.select %lt3A_46, %sub3A_45, %select_n3A_36 : vector<8x2048xi1>, vector<8x2048xf32>
    %jit3A_48 = arith.constant 3 : i32
    %broadcast_in_dim3A_49 = vector.broadcast %jit3A_48 : i32 to vector<8x2048xi32>
    %select_n3A_50 = arith.select %lt3A_46, %broadcast_in_dim3A_49, %select_n3A_39 : vector<8x2048xi1>, vector<8x2048xi32>
    %slice3A_51 = vector.extract_strided_slice %broadcast_in_dim3A_11 {offsets = [32, 0], sizes = [8, 1], strides = [1, 1]} : vector<512x1xf32> to vector<8x1xf32>
    %add3A_52 = vector.broadcast %broadcast_in_dim3A : vector<1x2048xf32> to vector<8x2048xf32>
    %add3A_53 = vector.broadcast %slice3A_51 : vector<8x1xf32> to vector<8x2048xf32>
    %add3A_54 = arith.addf %add3A_52, %add3A_53 : vector<8x2048xf32>
    %slice3A_55 = vector.extract_strided_slice %dot_general3A_15 {offsets = [32, 0], sizes = [8, 2048], strides = [1, 1]} : vector<512x2048xf32> to vector<8x2048xf32>
    %sub3A_56 = arith.subf %add3A_54, %slice3A_55 : vector<8x2048xf32>
    %lt3A_57 = arith.cmpf olt, %sub3A_56, %select_n3A_47 : vector<8x2048xf32>
    %select_n3A_58 = arith.select %lt3A_57, %sub3A_56, %select_n3A_47 : vector<8x2048xi1>, vector<8x2048xf32>
    %jit3A_59 = arith.constant 4 : i32
    %broadcast_in_dim3A_60 = vector.broadcast %jit3A_59 : i32 to vector<8x2048xi32>
    %select_n3A_61 = arith.select %lt3A_57, %broadcast_in_dim3A_60, %select_n3A_50 : vector<8x2048xi1>, vector<8x2048xi32>
    %slice3A_62 = vector.extract_strided_slice %broadcast_in_dim3A_11 {offsets = [40, 0], sizes = [8, 1], strides = [1, 1]} : vector<512x1xf32> to vector<8x1xf32>
    %add3A_63 = vector.broadcast %broadcast_in_dim3A : vector<1x2048xf32> to vector<8x2048xf32>
    %add3A_64 = vector.broadcast %slice3A_62 : vector<8x1xf32> to vector<8x2048xf32>
    %add3A_65 = arith.addf %add3A_63, %add3A_64 : vector<8x2048xf32>
    %slice3A_66 = vector.extract_strided_slice %dot_general3A_15 {offsets = [40, 0], sizes = [8, 2048], strides = [1, 1]} : vector<512x2048xf32> to vector<8x2048xf32>
    %sub3A_67 = arith.subf %add3A_65, %slice3A_66 : vector<8x2048xf32>
    %lt3A_68 = arith.cmpf olt, %sub3A_67, %select_n3A_58 : vector<8x2048xf32>
    %select_n3A_69 = arith.select %lt3A_68, %sub3A_67, %select_n3A_58 : vector<8x2048xi1>, vector<8x2048xf32>
    %jit3A_70 = arith.constant 5 : i32
    %broadcast_in_dim3A_71 = vector.broadcast %jit3A_70 : i32 to vector<8x2048xi32>
    %select_n3A_72 = arith.select %lt3A_68, %broadcast_in_dim3A_71, %select_n3A_61 : vector<8x2048xi1>, vector<8x2048xi32>
    %slice3A_73 = vector.extract_strided_slice %broadcast_in_dim3A_11 {offsets = [48, 0], sizes = [8, 1], strides = [1, 1]} : vector<512x1xf32> to vector<8x1xf32>
    %add3A_74 = vector.broadcast %broadcast_in_dim3A : vector<1x2048xf32> to vector<8x2048xf32>
    %add3A_75 = vector.broadcast %slice3A_73 : vector<8x1xf32> to vector<8x2048xf32>
    %add3A_76 = arith.addf %add3A_74, %add3A_75 : vector<8x2048xf32>
    %slice3A_77 = vector.extract_strided_slice %dot_general3A_15 {offsets = [48, 0], sizes = [8, 2048], strides = [1, 1]} : vector<512x2048xf32> to vector<8x2048xf32>
    %sub3A_78 = arith.subf %add3A_76, %slice3A_77 : vector<8x2048xf32>
    %lt3A_79 = arith.cmpf olt, %sub3A_78, %select_n3A_69 : vector<8x2048xf32>
    %select_n3A_80 = arith.select %lt3A_79, %sub3A_78, %select_n3A_69 : vector<8x2048xi1>, vector<8x2048xf32>
    %jit3A_81 = arith.constant 6 : i32
    %broadcast_in_dim3A_82 = vector.broadcast %jit3A_81 : i32 to vector<8x2048xi32>
    %select_n3A_83 = arith.select %lt3A_79, %broadcast_in_dim3A_82, %select_n3A_72 : vector<8x2048xi1>, vector<8x2048xi32>
    %slice3A_84 = vector.extract_strided_slice %broadcast_in_dim3A_11 {offsets = [56, 0], sizes = [8, 1], strides = [1, 1]} : vector<512x1xf32> to vector<8x1xf32>
    %add3A_85 = vector.broadcast %broadcast_in_dim3A : vector<1x2048xf32> to vector<8x2048xf32>
    %add3A_86 = vector.broadcast %slice3A_84 : vector<8x1xf32> to vector<8x2048xf32>
    %add3A_87 = arith.addf %add3A_85, %add3A_86 : vector<8x2048xf32>
    %slice3A_88 = vector.extract_strided_slice %dot_general3A_15 {offsets = [56, 0], sizes = [8, 2048], strides = [1, 1]} : vector<512x2048xf32> to vector<8x2048xf32>
    %sub3A_89 = arith.subf %add3A_87, %slice3A_88 : vector<8x2048xf32>
    %lt3A_90 = arith.cmpf olt, %sub3A_89, %select_n3A_80 : vector<8x2048xf32>
    %select_n3A_91 = arith.select %lt3A_90, %sub3A_89, %select_n3A_80 : vector<8x2048xi1>, vector<8x2048xf32>
    %jit3A_92 = arith.constant 7 : i32
    %broadcast_in_dim3A_93 = vector.broadcast %jit3A_92 : i32 to vector<8x2048xi32>
    %select_n3A_94 = arith.select %lt3A_90, %broadcast_in_dim3A_93, %select_n3A_83 : vector<8x2048xi1>, vector<8x2048xi32>
    %slice3A_95 = vector.extract_strided_slice %broadcast_in_dim3A_11 {offsets = [64, 0], sizes = [8, 1], strides = [1, 1]} : vector<512x1xf32> to vector<8x1xf32>
    %add3A_96 = vector.broadcast %broadcast_in_dim3A : vector<1x2048xf32> to vector<8x2048xf32>
    %add3A_97 = vector.broadcast %slice3A_95 : vector<8x1xf32> to vector<8x2048xf32>
    %add3A_98 = arith.addf %add3A_96, %add3A_97 : vector<8x2048xf32>
    %slice3A_99 = vector.extract_strided_slice %dot_general3A_15 {offsets = [64, 0], sizes = [8, 2048], strides = [1, 1]} : vector<512x2048xf32> to vector<8x2048xf32>
    %sub3A_100 = arith.subf %add3A_98, %slice3A_99 : vector<8x2048xf32>
    %lt3A_101 = arith.cmpf olt, %sub3A_100, %select_n3A_91 : vector<8x2048xf32>
    %select_n3A_102 = arith.select %lt3A_101, %sub3A_100, %select_n3A_91 : vector<8x2048xi1>, vector<8x2048xf32>
    %jit3A_103 = arith.constant 8 : i32
    %broadcast_in_dim3A_104 = vector.broadcast %jit3A_103 : i32 to vector<8x2048xi32>
    %select_n3A_105 = arith.select %lt3A_101, %broadcast_in_dim3A_104, %select_n3A_94 : vector<8x2048xi1>, vector<8x2048xi32>
    %slice3A_106 = vector.extract_strided_slice %broadcast_in_dim3A_11 {offsets = [72, 0], sizes = [8, 1], strides = [1, 1]} : vector<512x1xf32> to vector<8x1xf32>
    %add3A_107 = vector.broadcast %broadcast_in_dim3A : vector<1x2048xf32> to vector<8x2048xf32>
    %add3A_108 = vector.broadcast %slice3A_106 : vector<8x1xf32> to vector<8x2048xf32>
    %add3A_109 = arith.addf %add3A_107, %add3A_108 : vector<8x2048xf32>
    %slice3A_110 = vector.extract_strided_slice %dot_general3A_15 {offsets = [72, 0], sizes = [8, 2048], strides = [1, 1]} : vector<512x2048xf32> to vector<8x2048xf32>
    %sub3A_111 = arith.subf %add3A_109, %slice3A_110 : vector<8x2048xf32>
    %lt3A_112 = arith.cmpf olt, %sub3A_111, %select_n3A_102 : vector<8x2048xf32>
    %select_n3A_113 = arith.select %lt3A_112, %sub3A_111, %select_n3A_102 : vector<8x2048xi1>, vector<8x2048xf32>
    %jit3A_114 = arith.constant 9 : i32
    %broadcast_in_dim3A_115 = vector.broadcast %jit3A_114 : i32 to vector<8x2048xi32>
    %select_n3A_116 = arith.select %lt3A_112, %broadcast_in_dim3A_115, %select_n3A_105 : vector<8x2048xi1>, vector<8x2048xi32>
    %slice3A_117 = vector.extract_strided_slice %broadcast_in_dim3A_11 {offsets = [80, 0], sizes = [8, 1], strides = [1, 1]} : vector<512x1xf32> to vector<8x1xf32>
    %add3A_118 = vector.broadcast %broadcast_in_dim3A : vector<1x2048xf32> to vector<8x2048xf32>
    %add3A_119 = vector.broadcast %slice3A_117 : vector<8x1xf32> to vector<8x2048xf32>
    %add3A_120 = arith.addf %add3A_118, %add3A_119 : vector<8x2048xf32>
    %slice3A_121 = vector.extract_strided_slice %dot_general3A_15 {offsets = [80, 0], sizes = [8, 2048], strides = [1, 1]} : vector<512x2048xf32> to vector<8x2048xf32>
    %sub3A_122 = arith.subf %add3A_120, %slice3A_121 : vector<8x2048xf32>
    %lt3A_123 = arith.cmpf olt, %sub3A_122, %select_n3A_113 : vector<8x2048xf32>
    %select_n3A_124 = arith.select %lt3A_123, %sub3A_122, %select_n3A_113 : vector<8x2048xi1>, vector<8x2048xf32>
    %jit3A_125 = arith.constant 10 : i32
    %broadcast_in_dim3A_126 = vector.broadcast %jit3A_125 : i32 to vector<8x2048xi32>
    %select_n3A_127 = arith.select %lt3A_123, %broadcast_in_dim3A_126, %select_n3A_116 : vector<8x2048xi1>, vector<8x2048xi32>
    %slice3A_128 = vector.extract_strided_slice %broadcast_in_dim3A_11 {offsets = [88, 0], sizes = [8, 1], strides = [1, 1]} : vector<512x1xf32> to vector<8x1xf32>
    %add3A_129 = vector.broadcast %broadcast_in_dim3A : vector<1x2048xf32> to vector<8x2048xf32>
    %add3A_130 = vector.broadcast %slice3A_128 : vector<8x1xf32> to vector<8x2048xf32>
    %add3A_131 = arith.addf %add3A_129, %add3A_130 : vector<8x2048xf32>
    %slice3A_132 = vector.extract_strided_slice %dot_general3A_15 {offsets = [88, 0], sizes = [8, 2048], strides = [1, 1]} : vector<512x2048xf32> to vector<8x2048xf32>
    %sub3A_133 = arith.subf %add3A_131, %slice3A_132 : vector<8x2048xf32>
    %lt3A_134 = arith.cmpf olt, %sub3A_133, %select_n3A_124 : vector<8x2048xf32>
    %select_n3A_135 = arith.select %lt3A_134, %sub3A_133, %select_n3A_124 : vector<8x2048xi1>, vector<8x2048xf32>
    %jit3A_136 = arith.constant 11 : i32
    %broadcast_in_dim3A_137 = vector.broadcast %jit3A_136 : i32 to vector<8x2048xi32>
    %select_n3A_138 = arith.select %lt3A_134, %broadcast_in_dim3A_137, %select_n3A_127 : vector<8x2048xi1>, vector<8x2048xi32>
    %slice3A_139 = vector.extract_strided_slice %broadcast_in_dim3A_11 {offsets = [96, 0], sizes = [8, 1], strides = [1, 1]} : vector<512x1xf32> to vector<8x1xf32>
    %add3A_140 = vector.broadcast %broadcast_in_dim3A : vector<1x2048xf32> to vector<8x2048xf32>
    %add3A_141 = vector.broadcast %slice3A_139 : vector<8x1xf32> to vector<8x2048xf32>
    %add3A_142 = arith.addf %add3A_140, %add3A_141 : vector<8x2048xf32>
    %slice3A_143 = vector.extract_strided_slice %dot_general3A_15 {offsets = [96, 0], sizes = [8, 2048], strides = [1, 1]} : vector<512x2048xf32> to vector<8x2048xf32>
    %sub3A_144 = arith.subf %add3A_142, %slice3A_143 : vector<8x2048xf32>
    %lt3A_145 = arith.cmpf olt, %sub3A_144, %select_n3A_135 : vector<8x2048xf32>
    %select_n3A_146 = arith.select %lt3A_145, %sub3A_144, %select_n3A_135 : vector<8x2048xi1>, vector<8x2048xf32>
    %jit3A_147 = arith.constant 12 : i32
    %broadcast_in_dim3A_148 = vector.broadcast %jit3A_147 : i32 to vector<8x2048xi32>
    %select_n3A_149 = arith.select %lt3A_145, %broadcast_in_dim3A_148, %select_n3A_138 : vector<8x2048xi1>, vector<8x2048xi32>
    %slice3A_150 = vector.extract_strided_slice %broadcast_in_dim3A_11 {offsets = [104, 0], sizes = [8, 1], strides = [1, 1]} : vector<512x1xf32> to vector<8x1xf32>
    %add3A_151 = vector.broadcast %broadcast_in_dim3A : vector<1x2048xf32> to vector<8x2048xf32>
    %add3A_152 = vector.broadcast %slice3A_150 : vector<8x1xf32> to vector<8x2048xf32>
    %add3A_153 = arith.addf %add3A_151, %add3A_152 : vector<8x2048xf32>
    %slice3A_154 = vector.extract_strided_slice %dot_general3A_15 {offsets = [104, 0], sizes = [8, 2048], strides = [1, 1]} : vector<512x2048xf32> to vector<8x2048xf32>
    %sub3A_155 = arith.subf %add3A_153, %slice3A_154 : vector<8x2048xf32>
    %lt3A_156 = arith.cmpf olt, %sub3A_155, %select_n3A_146 : vector<8x2048xf32>
    %select_n3A_157 = arith.select %lt3A_156, %sub3A_155, %select_n3A_146 : vector<8x2048xi1>, vector<8x2048xf32>
    %jit3A_158 = arith.constant 13 : i32
    %broadcast_in_dim3A_159 = vector.broadcast %jit3A_158 : i32 to vector<8x2048xi32>
    %select_n3A_160 = arith.select %lt3A_156, %broadcast_in_dim3A_159, %select_n3A_149 : vector<8x2048xi1>, vector<8x2048xi32>
    %slice3A_161 = vector.extract_strided_slice %broadcast_in_dim3A_11 {offsets = [112, 0], sizes = [8, 1], strides = [1, 1]} : vector<512x1xf32> to vector<8x1xf32>
    %add3A_162 = vector.broadcast %broadcast_in_dim3A : vector<1x2048xf32> to vector<8x2048xf32>
    %add3A_163 = vector.broadcast %slice3A_161 : vector<8x1xf32> to vector<8x2048xf32>
    %add3A_164 = arith.addf %add3A_162, %add3A_163 : vector<8x2048xf32>
    %slice3A_165 = vector.extract_strided_slice %dot_general3A_15 {offsets = [112, 0], sizes = [8, 2048], strides = [1, 1]} : vector<512x2048xf32> to vector<8x2048xf32>
    %sub3A_166 = arith.subf %add3A_164, %slice3A_165 : vector<8x2048xf32>
    %lt3A_167 = arith.cmpf olt, %sub3A_166, %select_n3A_157 : vector<8x2048xf32>
    %select_n3A_168 = arith.select %lt3A_167, %sub3A_166, %select_n3A_157 : vector<8x2048xi1>, vector<8x2048xf32>
    %jit3A_169 = arith.constant 14 : i32
    %broadcast_in_dim3A_170 = vector.broadcast %jit3A_169 : i32 to vector<8x2048xi32>
    %select_n3A_171 = arith.select %lt3A_167, %broadcast_in_dim3A_170, %select_n3A_160 : vector<8x2048xi1>, vector<8x2048xi32>
    %slice3A_172 = vector.extract_strided_slice %broadcast_in_dim3A_11 {offsets = [120, 0], sizes = [8, 1], strides = [1, 1]} : vector<512x1xf32> to vector<8x1xf32>
    %add3A_173 = vector.broadcast %broadcast_in_dim3A : vector<1x2048xf32> to vector<8x2048xf32>
    %add3A_174 = vector.broadcast %slice3A_172 : vector<8x1xf32> to vector<8x2048xf32>
    %add3A_175 = arith.addf %add3A_173, %add3A_174 : vector<8x2048xf32>
    %slice3A_176 = vector.extract_strided_slice %dot_general3A_15 {offsets = [120, 0], sizes = [8, 2048], strides = [1, 1]} : vector<512x2048xf32> to vector<8x2048xf32>
    %sub3A_177 = arith.subf %add3A_175, %slice3A_176 : vector<8x2048xf32>
    %lt3A_178 = arith.cmpf olt, %sub3A_177, %select_n3A_168 : vector<8x2048xf32>
    %select_n3A_179 = arith.select %lt3A_178, %sub3A_177, %select_n3A_168 : vector<8x2048xi1>, vector<8x2048xf32>
    %jit3A_180 = arith.constant 15 : i32
    %broadcast_in_dim3A_181 = vector.broadcast %jit3A_180 : i32 to vector<8x2048xi32>
    %select_n3A_182 = arith.select %lt3A_178, %broadcast_in_dim3A_181, %select_n3A_171 : vector<8x2048xi1>, vector<8x2048xi32>
    %slice3A_183 = vector.extract_strided_slice %broadcast_in_dim3A_11 {offsets = [128, 0], sizes = [8, 1], strides = [1, 1]} : vector<512x1xf32> to vector<8x1xf32>
    %add3A_184 = vector.broadcast %broadcast_in_dim3A : vector<1x2048xf32> to vector<8x2048xf32>
    %add3A_185 = vector.broadcast %slice3A_183 : vector<8x1xf32> to vector<8x2048xf32>
    %add3A_186 = arith.addf %add3A_184, %add3A_185 : vector<8x2048xf32>
    %slice3A_187 = vector.extract_strided_slice %dot_general3A_15 {offsets = [128, 0], sizes = [8, 2048], strides = [1, 1]} : vector<512x2048xf32> to vector<8x2048xf32>
    %sub3A_188 = arith.subf %add3A_186, %slice3A_187 : vector<8x2048xf32>
    %lt3A_189 = arith.cmpf olt, %sub3A_188, %select_n3A_179 : vector<8x2048xf32>
    %select_n3A_190 = arith.select %lt3A_189, %sub3A_188, %select_n3A_179 : vector<8x2048xi1>, vector<8x2048xf32>
    %jit3A_191 = arith.constant 16 : i32
    %broadcast_in_dim3A_192 = vector.broadcast %jit3A_191 : i32 to vector<8x2048xi32>
    %select_n3A_193 = arith.select %lt3A_189, %broadcast_in_dim3A_192, %select_n3A_182 : vector<8x2048xi1>, vector<8x2048xi32>
    %slice3A_194 = vector.extract_strided_slice %broadcast_in_dim3A_11 {offsets = [136, 0], sizes = [8, 1], strides = [1, 1]} : vector<512x1xf32> to vector<8x1xf32>
    %add3A_195 = vector.broadcast %broadcast_in_dim3A : vector<1x2048xf32> to vector<8x2048xf32>
    %add3A_196 = vector.broadcast %slice3A_194 : vector<8x1xf32> to vector<8x2048xf32>
    %add3A_197 = arith.addf %add3A_195, %add3A_196 : vector<8x2048xf32>
    %slice3A_198 = vector.extract_strided_slice %dot_general3A_15 {offsets = [136, 0], sizes = [8, 2048], strides = [1, 1]} : vector<512x2048xf32> to vector<8x2048xf32>
    %sub3A_199 = arith.subf %add3A_197, %slice3A_198 : vector<8x2048xf32>
    %lt3A_200 = arith.cmpf olt, %sub3A_199, %select_n3A_190 : vector<8x2048xf32>
    %select_n3A_201 = arith.select %lt3A_200, %sub3A_199, %select_n3A_190 : vector<8x2048xi1>, vector<8x2048xf32>
    %jit3A_202 = arith.constant 17 : i32
    %broadcast_in_dim3A_203 = vector.broadcast %jit3A_202 : i32 to vector<8x2048xi32>
    %select_n3A_204 = arith.select %lt3A_200, %broadcast_in_dim3A_203, %select_n3A_193 : vector<8x2048xi1>, vector<8x2048xi32>
    %slice3A_205 = vector.extract_strided_slice %broadcast_in_dim3A_11 {offsets = [144, 0], sizes = [8, 1], strides = [1, 1]} : vector<512x1xf32> to vector<8x1xf32>
    %add3A_206 = vector.broadcast %broadcast_in_dim3A : vector<1x2048xf32> to vector<8x2048xf32>
    %add3A_207 = vector.broadcast %slice3A_205 : vector<8x1xf32> to vector<8x2048xf32>
    %add3A_208 = arith.addf %add3A_206, %add3A_207 : vector<8x2048xf32>
    %slice3A_209 = vector.extract_strided_slice %dot_general3A_15 {offsets = [144, 0], sizes = [8, 2048], strides = [1, 1]} : vector<512x2048xf32> to vector<8x2048xf32>
    %sub3A_210 = arith.subf %add3A_208, %slice3A_209 : vector<8x2048xf32>
    %lt3A_211 = arith.cmpf olt, %sub3A_210, %select_n3A_201 : vector<8x2048xf32>
    %select_n3A_212 = arith.select %lt3A_211, %sub3A_210, %select_n3A_201 : vector<8x2048xi1>, vector<8x2048xf32>
    %jit3A_213 = arith.constant 18 : i32
    %broadcast_in_dim3A_214 = vector.broadcast %jit3A_213 : i32 to vector<8x2048xi32>
    %select_n3A_215 = arith.select %lt3A_211, %broadcast_in_dim3A_214, %select_n3A_204 : vector<8x2048xi1>, vector<8x2048xi32>
    %slice3A_216 = vector.extract_strided_slice %broadcast_in_dim3A_11 {offsets = [152, 0], sizes = [8, 1], strides = [1, 1]} : vector<512x1xf32> to vector<8x1xf32>
    %add3A_217 = vector.broadcast %broadcast_in_dim3A : vector<1x2048xf32> to vector<8x2048xf32>
    %add3A_218 = vector.broadcast %slice3A_216 : vector<8x1xf32> to vector<8x2048xf32>
    %add3A_219 = arith.addf %add3A_217, %add3A_218 : vector<8x2048xf32>
    %slice3A_220 = vector.extract_strided_slice %dot_general3A_15 {offsets = [152, 0], sizes = [8, 2048], strides = [1, 1]} : vector<512x2048xf32> to vector<8x2048xf32>
    %sub3A_221 = arith.subf %add3A_219, %slice3A_220 : vector<8x2048xf32>
    %lt3A_222 = arith.cmpf olt, %sub3A_221, %select_n3A_212 : vector<8x2048xf32>
    %select_n3A_223 = arith.select %lt3A_222, %sub3A_221, %select_n3A_212 : vector<8x2048xi1>, vector<8x2048xf32>
    %jit3A_224 = arith.constant 19 : i32
    %broadcast_in_dim3A_225 = vector.broadcast %jit3A_224 : i32 to vector<8x2048xi32>
    %select_n3A_226 = arith.select %lt3A_222, %broadcast_in_dim3A_225, %select_n3A_215 : vector<8x2048xi1>, vector<8x2048xi32>
    %slice3A_227 = vector.extract_strided_slice %broadcast_in_dim3A_11 {offsets = [160, 0], sizes = [8, 1], strides = [1, 1]} : vector<512x1xf32> to vector<8x1xf32>
    %add3A_228 = vector.broadcast %broadcast_in_dim3A : vector<1x2048xf32> to vector<8x2048xf32>
    %add3A_229 = vector.broadcast %slice3A_227 : vector<8x1xf32> to vector<8x2048xf32>
    %add3A_230 = arith.addf %add3A_228, %add3A_229 : vector<8x2048xf32>
    %slice3A_231 = vector.extract_strided_slice %dot_general3A_15 {offsets = [160, 0], sizes = [8, 2048], strides = [1, 1]} : vector<512x2048xf32> to vector<8x2048xf32>
    %sub3A_232 = arith.subf %add3A_230, %slice3A_231 : vector<8x2048xf32>
    %lt3A_233 = arith.cmpf olt, %sub3A_232, %select_n3A_223 : vector<8x2048xf32>
    %select_n3A_234 = arith.select %lt3A_233, %sub3A_232, %select_n3A_223 : vector<8x2048xi1>, vector<8x2048xf32>
    %jit3A_235 = arith.constant 20 : i32
    %broadcast_in_dim3A_236 = vector.broadcast %jit3A_235 : i32 to vector<8x2048xi32>
    %select_n3A_237 = arith.select %lt3A_233, %broadcast_in_dim3A_236, %select_n3A_226 : vector<8x2048xi1>, vector<8x2048xi32>
    %slice3A_238 = vector.extract_strided_slice %broadcast_in_dim3A_11 {offsets = [168, 0], sizes = [8, 1], strides = [1, 1]} : vector<512x1xf32> to vector<8x1xf32>
    %add3A_239 = vector.broadcast %broadcast_in_dim3A : vector<1x2048xf32> to vector<8x2048xf32>
    %add3A_240 = vector.broadcast %slice3A_238 : vector<8x1xf32> to vector<8x2048xf32>
    %add3A_241 = arith.addf %add3A_239, %add3A_240 : vector<8x2048xf32>
    %slice3A_242 = vector.extract_strided_slice %dot_general3A_15 {offsets = [168, 0], sizes = [8, 2048], strides = [1, 1]} : vector<512x2048xf32> to vector<8x2048xf32>
    %sub3A_243 = arith.subf %add3A_241, %slice3A_242 : vector<8x2048xf32>
    %lt3A_244 = arith.cmpf olt, %sub3A_243, %select_n3A_234 : vector<8x2048xf32>
    %select_n3A_245 = arith.select %lt3A_244, %sub3A_243, %select_n3A_234 : vector<8x2048xi1>, vector<8x2048xf32>
    %jit3A_246 = arith.constant 21 : i32
    %broadcast_in_dim3A_247 = vector.broadcast %jit3A_246 : i32 to vector<8x2048xi32>
    %select_n3A_248 = arith.select %lt3A_244, %broadcast_in_dim3A_247, %select_n3A_237 : vector<8x2048xi1>, vector<8x2048xi32>
    %slice3A_249 = vector.extract_strided_slice %broadcast_in_dim3A_11 {offsets = [176, 0], sizes = [8, 1], strides = [1, 1]} : vector<512x1xf32> to vector<8x1xf32>
    %add3A_250 = vector.broadcast %broadcast_in_dim3A : vector<1x2048xf32> to vector<8x2048xf32>
    %add3A_251 = vector.broadcast %slice3A_249 : vector<8x1xf32> to vector<8x2048xf32>
    %add3A_252 = arith.addf %add3A_250, %add3A_251 : vector<8x2048xf32>
    %slice3A_253 = vector.extract_strided_slice %dot_general3A_15 {offsets = [176, 0], sizes = [8, 2048], strides = [1, 1]} : vector<512x2048xf32> to vector<8x2048xf32>
    %sub3A_254 = arith.subf %add3A_252, %slice3A_253 : vector<8x2048xf32>
    %lt3A_255 = arith.cmpf olt, %sub3A_254, %select_n3A_245 : vector<8x2048xf32>
    %select_n3A_256 = arith.select %lt3A_255, %sub3A_254, %select_n3A_245 : vector<8x2048xi1>, vector<8x2048xf32>
    %jit3A_257 = arith.constant 22 : i32
    %broadcast_in_dim3A_258 = vector.broadcast %jit3A_257 : i32 to vector<8x2048xi32>
    %select_n3A_259 = arith.select %lt3A_255, %broadcast_in_dim3A_258, %select_n3A_248 : vector<8x2048xi1>, vector<8x2048xi32>
    %slice3A_260 = vector.extract_strided_slice %broadcast_in_dim3A_11 {offsets = [184, 0], sizes = [8, 1], strides = [1, 1]} : vector<512x1xf32> to vector<8x1xf32>
    %add3A_261 = vector.broadcast %broadcast_in_dim3A : vector<1x2048xf32> to vector<8x2048xf32>
    %add3A_262 = vector.broadcast %slice3A_260 : vector<8x1xf32> to vector<8x2048xf32>
    %add3A_263 = arith.addf %add3A_261, %add3A_262 : vector<8x2048xf32>
    %slice3A_264 = vector.extract_strided_slice %dot_general3A_15 {offsets = [184, 0], sizes = [8, 2048], strides = [1, 1]} : vector<512x2048xf32> to vector<8x2048xf32>
    %sub3A_265 = arith.subf %add3A_263, %slice3A_264 : vector<8x2048xf32>
    %lt3A_266 = arith.cmpf olt, %sub3A_265, %select_n3A_256 : vector<8x2048xf32>
    %select_n3A_267 = arith.select %lt3A_266, %sub3A_265, %select_n3A_256 : vector<8x2048xi1>, vector<8x2048xf32>
    %jit3A_268 = arith.constant 23 : i32
    %broadcast_in_dim3A_269 = vector.broadcast %jit3A_268 : i32 to vector<8x2048xi32>
    %select_n3A_270 = arith.select %lt3A_266, %broadcast_in_dim3A_269, %select_n3A_259 : vector<8x2048xi1>, vector<8x2048xi32>
    %slice3A_271 = vector.extract_strided_slice %broadcast_in_dim3A_11 {offsets = [192, 0], sizes = [8, 1], strides = [1, 1]} : vector<512x1xf32> to vector<8x1xf32>
    %add3A_272 = vector.broadcast %broadcast_in_dim3A : vector<1x2048xf32> to vector<8x2048xf32>
    %add3A_273 = vector.broadcast %slice3A_271 : vector<8x1xf32> to vector<8x2048xf32>
    %add3A_274 = arith.addf %add3A_272, %add3A_273 : vector<8x2048xf32>
    %slice3A_275 = vector.extract_strided_slice %dot_general3A_15 {offsets = [192, 0], sizes = [8, 2048], strides = [1, 1]} : vector<512x2048xf32> to vector<8x2048xf32>
    %sub3A_276 = arith.subf %add3A_274, %slice3A_275 : vector<8x2048xf32>
    %lt3A_277 = arith.cmpf olt, %sub3A_276, %select_n3A_267 : vector<8x2048xf32>
    %select_n3A_278 = arith.select %lt3A_277, %sub3A_276, %select_n3A_267 : vector<8x2048xi1>, vector<8x2048xf32>
    %jit3A_279 = arith.constant 24 : i32
    %broadcast_in_dim3A_280 = vector.broadcast %jit3A_279 : i32 to vector<8x2048xi32>
    %select_n3A_281 = arith.select %lt3A_277, %broadcast_in_dim3A_280, %select_n3A_270 : vector<8x2048xi1>, vector<8x2048xi32>
    %slice3A_282 = vector.extract_strided_slice %broadcast_in_dim3A_11 {offsets = [200, 0], sizes = [8, 1], strides = [1, 1]} : vector<512x1xf32> to vector<8x1xf32>
    %add3A_283 = vector.broadcast %broadcast_in_dim3A : vector<1x2048xf32> to vector<8x2048xf32>
    %add3A_284 = vector.broadcast %slice3A_282 : vector<8x1xf32> to vector<8x2048xf32>
    %add3A_285 = arith.addf %add3A_283, %add3A_284 : vector<8x2048xf32>
    %slice3A_286 = vector.extract_strided_slice %dot_general3A_15 {offsets = [200, 0], sizes = [8, 2048], strides = [1, 1]} : vector<512x2048xf32> to vector<8x2048xf32>
    %sub3A_287 = arith.subf %add3A_285, %slice3A_286 : vector<8x2048xf32>
    %lt3A_288 = arith.cmpf olt, %sub3A_287, %select_n3A_278 : vector<8x2048xf32>
    %select_n3A_289 = arith.select %lt3A_288, %sub3A_287, %select_n3A_278 : vector<8x2048xi1>, vector<8x2048xf32>
    %jit3A_290 = arith.constant 25 : i32
    %broadcast_in_dim3A_291 = vector.broadcast %jit3A_290 : i32 to vector<8x2048xi32>
    %select_n3A_292 = arith.select %lt3A_288, %broadcast_in_dim3A_291, %select_n3A_281 : vector<8x2048xi1>, vector<8x2048xi32>
    %slice3A_293 = vector.extract_strided_slice %broadcast_in_dim3A_11 {offsets = [208, 0], sizes = [8, 1], strides = [1, 1]} : vector<512x1xf32> to vector<8x1xf32>
    %add3A_294 = vector.broadcast %broadcast_in_dim3A : vector<1x2048xf32> to vector<8x2048xf32>
    %add3A_295 = vector.broadcast %slice3A_293 : vector<8x1xf32> to vector<8x2048xf32>
    %add3A_296 = arith.addf %add3A_294, %add3A_295 : vector<8x2048xf32>
    %slice3A_297 = vector.extract_strided_slice %dot_general3A_15 {offsets = [208, 0], sizes = [8, 2048], strides = [1, 1]} : vector<512x2048xf32> to vector<8x2048xf32>
    %sub3A_298 = arith.subf %add3A_296, %slice3A_297 : vector<8x2048xf32>
    %lt3A_299 = arith.cmpf olt, %sub3A_298, %select_n3A_289 : vector<8x2048xf32>
    %select_n3A_300 = arith.select %lt3A_299, %sub3A_298, %select_n3A_289 : vector<8x2048xi1>, vector<8x2048xf32>
    %jit3A_301 = arith.constant 26 : i32
    %broadcast_in_dim3A_302 = vector.broadcast %jit3A_301 : i32 to vector<8x2048xi32>
    %select_n3A_303 = arith.select %lt3A_299, %broadcast_in_dim3A_302, %select_n3A_292 : vector<8x2048xi1>, vector<8x2048xi32>
    %slice3A_304 = vector.extract_strided_slice %broadcast_in_dim3A_11 {offsets = [216, 0], sizes = [8, 1], strides = [1, 1]} : vector<512x1xf32> to vector<8x1xf32>
    %add3A_305 = vector.broadcast %broadcast_in_dim3A : vector<1x2048xf32> to vector<8x2048xf32>
    %add3A_306 = vector.broadcast %slice3A_304 : vector<8x1xf32> to vector<8x2048xf32>
    %add3A_307 = arith.addf %add3A_305, %add3A_306 : vector<8x2048xf32>
    %slice3A_308 = vector.extract_strided_slice %dot_general3A_15 {offsets = [216, 0], sizes = [8, 2048], strides = [1, 1]} : vector<512x2048xf32> to vector<8x2048xf32>
    %sub3A_309 = arith.subf %add3A_307, %slice3A_308 : vector<8x2048xf32>
    %lt3A_310 = arith.cmpf olt, %sub3A_309, %select_n3A_300 : vector<8x2048xf32>
    %select_n3A_311 = arith.select %lt3A_310, %sub3A_309, %select_n3A_300 : vector<8x2048xi1>, vector<8x2048xf32>
    %jit3A_312 = arith.constant 27 : i32
    %broadcast_in_dim3A_313 = vector.broadcast %jit3A_312 : i32 to vector<8x2048xi32>
    %select_n3A_314 = arith.select %lt3A_310, %broadcast_in_dim3A_313, %select_n3A_303 : vector<8x2048xi1>, vector<8x2048xi32>
    %slice3A_315 = vector.extract_strided_slice %broadcast_in_dim3A_11 {offsets = [224, 0], sizes = [8, 1], strides = [1, 1]} : vector<512x1xf32> to vector<8x1xf32>
    %add3A_316 = vector.broadcast %broadcast_in_dim3A : vector<1x2048xf32> to vector<8x2048xf32>
    %add3A_317 = vector.broadcast %slice3A_315 : vector<8x1xf32> to vector<8x2048xf32>
    %add3A_318 = arith.addf %add3A_316, %add3A_317 : vector<8x2048xf32>
    %slice3A_319 = vector.extract_strided_slice %dot_general3A_15 {offsets = [224, 0], sizes = [8, 2048], strides = [1, 1]} : vector<512x2048xf32> to vector<8x2048xf32>
    %sub3A_320 = arith.subf %add3A_318, %slice3A_319 : vector<8x2048xf32>
    %lt3A_321 = arith.cmpf olt, %sub3A_320, %select_n3A_311 : vector<8x2048xf32>
    %select_n3A_322 = arith.select %lt3A_321, %sub3A_320, %select_n3A_311 : vector<8x2048xi1>, vector<8x2048xf32>
    %jit3A_323 = arith.constant 28 : i32
    %broadcast_in_dim3A_324 = vector.broadcast %jit3A_323 : i32 to vector<8x2048xi32>
    %select_n3A_325 = arith.select %lt3A_321, %broadcast_in_dim3A_324, %select_n3A_314 : vector<8x2048xi1>, vector<8x2048xi32>
    %slice3A_326 = vector.extract_strided_slice %broadcast_in_dim3A_11 {offsets = [232, 0], sizes = [8, 1], strides = [1, 1]} : vector<512x1xf32> to vector<8x1xf32>
    %add3A_327 = vector.broadcast %broadcast_in_dim3A : vector<1x2048xf32> to vector<8x2048xf32>
    %add3A_328 = vector.broadcast %slice3A_326 : vector<8x1xf32> to vector<8x2048xf32>
    %add3A_329 = arith.addf %add3A_327, %add3A_328 : vector<8x2048xf32>
    %slice3A_330 = vector.extract_strided_slice %dot_general3A_15 {offsets = [232, 0], sizes = [8, 2048], strides = [1, 1]} : vector<512x2048xf32> to vector<8x2048xf32>
    %sub3A_331 = arith.subf %add3A_329, %slice3A_330 : vector<8x2048xf32>
    %lt3A_332 = arith.cmpf olt, %sub3A_331, %select_n3A_322 : vector<8x2048xf32>
    %select_n3A_333 = arith.select %lt3A_332, %sub3A_331, %select_n3A_322 : vector<8x2048xi1>, vector<8x2048xf32>
    %jit3A_334 = arith.constant 29 : i32
    %broadcast_in_dim3A_335 = vector.broadcast %jit3A_334 : i32 to vector<8x2048xi32>
    %select_n3A_336 = arith.select %lt3A_332, %broadcast_in_dim3A_335, %select_n3A_325 : vector<8x2048xi1>, vector<8x2048xi32>
    %slice3A_337 = vector.extract_strided_slice %broadcast_in_dim3A_11 {offsets = [240, 0], sizes = [8, 1], strides = [1, 1]} : vector<512x1xf32> to vector<8x1xf32>
    %add3A_338 = vector.broadcast %broadcast_in_dim3A : vector<1x2048xf32> to vector<8x2048xf32>
    %add3A_339 = vector.broadcast %slice3A_337 : vector<8x1xf32> to vector<8x2048xf32>
    %add3A_340 = arith.addf %add3A_338, %add3A_339 : vector<8x2048xf32>
    %slice3A_341 = vector.extract_strided_slice %dot_general3A_15 {offsets = [240, 0], sizes = [8, 2048], strides = [1, 1]} : vector<512x2048xf32> to vector<8x2048xf32>
    %sub3A_342 = arith.subf %add3A_340, %slice3A_341 : vector<8x2048xf32>
    %lt3A_343 = arith.cmpf olt, %sub3A_342, %select_n3A_333 : vector<8x2048xf32>
    %select_n3A_344 = arith.select %lt3A_343, %sub3A_342, %select_n3A_333 : vector<8x2048xi1>, vector<8x2048xf32>
    %jit3A_345 = arith.constant 30 : i32
    %broadcast_in_dim3A_346 = vector.broadcast %jit3A_345 : i32 to vector<8x2048xi32>
    %select_n3A_347 = arith.select %lt3A_343, %broadcast_in_dim3A_346, %select_n3A_336 : vector<8x2048xi1>, vector<8x2048xi32>
    %slice3A_348 = vector.extract_strided_slice %broadcast_in_dim3A_11 {offsets = [248, 0], sizes = [8, 1], strides = [1, 1]} : vector<512x1xf32> to vector<8x1xf32>
    %add3A_349 = vector.broadcast %broadcast_in_dim3A : vector<1x2048xf32> to vector<8x2048xf32>
    %add3A_350 = vector.broadcast %slice3A_348 : vector<8x1xf32> to vector<8x2048xf32>
    %add3A_351 = arith.addf %add3A_349, %add3A_350 : vector<8x2048xf32>
    %slice3A_352 = vector.extract_strided_slice %dot_general3A_15 {offsets = [248, 0], sizes = [8, 2048], strides = [1, 1]} : vector<512x2048xf32> to vector<8x2048xf32>
    %sub3A_353 = arith.subf %add3A_351, %slice3A_352 : vector<8x2048xf32>
    %lt3A_354 = arith.cmpf olt, %sub3A_353, %select_n3A_344 : vector<8x2048xf32>
    %select_n3A_355 = arith.select %lt3A_354, %sub3A_353, %select_n3A_344 : vector<8x2048xi1>, vector<8x2048xf32>
    %jit3A_356 = arith.constant 31 : i32
    %broadcast_in_dim3A_357 = vector.broadcast %jit3A_356 : i32 to vector<8x2048xi32>
    %select_n3A_358 = arith.select %lt3A_354, %broadcast_in_dim3A_357, %select_n3A_347 : vector<8x2048xi1>, vector<8x2048xi32>
    %slice3A_359 = vector.extract_strided_slice %broadcast_in_dim3A_11 {offsets = [256, 0], sizes = [8, 1], strides = [1, 1]} : vector<512x1xf32> to vector<8x1xf32>
    %add3A_360 = vector.broadcast %broadcast_in_dim3A : vector<1x2048xf32> to vector<8x2048xf32>
    %add3A_361 = vector.broadcast %slice3A_359 : vector<8x1xf32> to vector<8x2048xf32>
    %add3A_362 = arith.addf %add3A_360, %add3A_361 : vector<8x2048xf32>
    %slice3A_363 = vector.extract_strided_slice %dot_general3A_15 {offsets = [256, 0], sizes = [8, 2048], strides = [1, 1]} : vector<512x2048xf32> to vector<8x2048xf32>
    %sub3A_364 = arith.subf %add3A_362, %slice3A_363 : vector<8x2048xf32>
    %lt3A_365 = arith.cmpf olt, %sub3A_364, %select_n3A_355 : vector<8x2048xf32>
    %select_n3A_366 = arith.select %lt3A_365, %sub3A_364, %select_n3A_355 : vector<8x2048xi1>, vector<8x2048xf32>
    %jit3A_367 = arith.constant 32 : i32
    %broadcast_in_dim3A_368 = vector.broadcast %jit3A_367 : i32 to vector<8x2048xi32>
    %select_n3A_369 = arith.select %lt3A_365, %broadcast_in_dim3A_368, %select_n3A_358 : vector<8x2048xi1>, vector<8x2048xi32>
    %slice3A_370 = vector.extract_strided_slice %broadcast_in_dim3A_11 {offsets = [264, 0], sizes = [8, 1], strides = [1, 1]} : vector<512x1xf32> to vector<8x1xf32>
    %add3A_371 = vector.broadcast %broadcast_in_dim3A : vector<1x2048xf32> to vector<8x2048xf32>
    %add3A_372 = vector.broadcast %slice3A_370 : vector<8x1xf32> to vector<8x2048xf32>
    %add3A_373 = arith.addf %add3A_371, %add3A_372 : vector<8x2048xf32>
    %slice3A_374 = vector.extract_strided_slice %dot_general3A_15 {offsets = [264, 0], sizes = [8, 2048], strides = [1, 1]} : vector<512x2048xf32> to vector<8x2048xf32>
    %sub3A_375 = arith.subf %add3A_373, %slice3A_374 : vector<8x2048xf32>
    %lt3A_376 = arith.cmpf olt, %sub3A_375, %select_n3A_366 : vector<8x2048xf32>
    %select_n3A_377 = arith.select %lt3A_376, %sub3A_375, %select_n3A_366 : vector<8x2048xi1>, vector<8x2048xf32>
    %jit3A_378 = arith.constant 33 : i32
    %broadcast_in_dim3A_379 = vector.broadcast %jit3A_378 : i32 to vector<8x2048xi32>
    %select_n3A_380 = arith.select %lt3A_376, %broadcast_in_dim3A_379, %select_n3A_369 : vector<8x2048xi1>, vector<8x2048xi32>
    %slice3A_381 = vector.extract_strided_slice %broadcast_in_dim3A_11 {offsets = [272, 0], sizes = [8, 1], strides = [1, 1]} : vector<512x1xf32> to vector<8x1xf32>
    %add3A_382 = vector.broadcast %broadcast_in_dim3A : vector<1x2048xf32> to vector<8x2048xf32>
    %add3A_383 = vector.broadcast %slice3A_381 : vector<8x1xf32> to vector<8x2048xf32>
    %add3A_384 = arith.addf %add3A_382, %add3A_383 : vector<8x2048xf32>
    %slice3A_385 = vector.extract_strided_slice %dot_general3A_15 {offsets = [272, 0], sizes = [8, 2048], strides = [1, 1]} : vector<512x2048xf32> to vector<8x2048xf32>
    %sub3A_386 = arith.subf %add3A_384, %slice3A_385 : vector<8x2048xf32>
    %lt3A_387 = arith.cmpf olt, %sub3A_386, %select_n3A_377 : vector<8x2048xf32>
    %select_n3A_388 = arith.select %lt3A_387, %sub3A_386, %select_n3A_377 : vector<8x2048xi1>, vector<8x2048xf32>
    %jit3A_389 = arith.constant 34 : i32
    %broadcast_in_dim3A_390 = vector.broadcast %jit3A_389 : i32 to vector<8x2048xi32>
    %select_n3A_391 = arith.select %lt3A_387, %broadcast_in_dim3A_390, %select_n3A_380 : vector<8x2048xi1>, vector<8x2048xi32>
    %slice3A_392 = vector.extract_strided_slice %broadcast_in_dim3A_11 {offsets = [280, 0], sizes = [8, 1], strides = [1, 1]} : vector<512x1xf32> to vector<8x1xf32>
    %add3A_393 = vector.broadcast %broadcast_in_dim3A : vector<1x2048xf32> to vector<8x2048xf32>
    %add3A_394 = vector.broadcast %slice3A_392 : vector<8x1xf32> to vector<8x2048xf32>
    %add3A_395 = arith.addf %add3A_393, %add3A_394 : vector<8x2048xf32>
    %slice3A_396 = vector.extract_strided_slice %dot_general3A_15 {offsets = [280, 0], sizes = [8, 2048], strides = [1, 1]} : vector<512x2048xf32> to vector<8x2048xf32>
    %sub3A_397 = arith.subf %add3A_395, %slice3A_396 : vector<8x2048xf32>
    %lt3A_398 = arith.cmpf olt, %sub3A_397, %select_n3A_388 : vector<8x2048xf32>
    %select_n3A_399 = arith.select %lt3A_398, %sub3A_397, %select_n3A_388 : vector<8x2048xi1>, vector<8x2048xf32>
    %jit3A_400 = arith.constant 35 : i32
    %broadcast_in_dim3A_401 = vector.broadcast %jit3A_400 : i32 to vector<8x2048xi32>
    %select_n3A_402 = arith.select %lt3A_398, %broadcast_in_dim3A_401, %select_n3A_391 : vector<8x2048xi1>, vector<8x2048xi32>
    %slice3A_403 = vector.extract_strided_slice %broadcast_in_dim3A_11 {offsets = [288, 0], sizes = [8, 1], strides = [1, 1]} : vector<512x1xf32> to vector<8x1xf32>
    %add3A_404 = vector.broadcast %broadcast_in_dim3A : vector<1x2048xf32> to vector<8x2048xf32>
    %add3A_405 = vector.broadcast %slice3A_403 : vector<8x1xf32> to vector<8x2048xf32>
    %add3A_406 = arith.addf %add3A_404, %add3A_405 : vector<8x2048xf32>
    %slice3A_407 = vector.extract_strided_slice %dot_general3A_15 {offsets = [288, 0], sizes = [8, 2048], strides = [1, 1]} : vector<512x2048xf32> to vector<8x2048xf32>
    %sub3A_408 = arith.subf %add3A_406, %slice3A_407 : vector<8x2048xf32>
    %lt3A_409 = arith.cmpf olt, %sub3A_408, %select_n3A_399 : vector<8x2048xf32>
    %select_n3A_410 = arith.select %lt3A_409, %sub3A_408, %select_n3A_399 : vector<8x2048xi1>, vector<8x2048xf32>
    %jit3A_411 = arith.constant 36 : i32
    %broadcast_in_dim3A_412 = vector.broadcast %jit3A_411 : i32 to vector<8x2048xi32>
    %select_n3A_413 = arith.select %lt3A_409, %broadcast_in_dim3A_412, %select_n3A_402 : vector<8x2048xi1>, vector<8x2048xi32>
    %slice3A_414 = vector.extract_strided_slice %broadcast_in_dim3A_11 {offsets = [296, 0], sizes = [8, 1], strides = [1, 1]} : vector<512x1xf32> to vector<8x1xf32>
    %add3A_415 = vector.broadcast %broadcast_in_dim3A : vector<1x2048xf32> to vector<8x2048xf32>
    %add3A_416 = vector.broadcast %slice3A_414 : vector<8x1xf32> to vector<8x2048xf32>
    %add3A_417 = arith.addf %add3A_415, %add3A_416 : vector<8x2048xf32>
    %slice3A_418 = vector.extract_strided_slice %dot_general3A_15 {offsets = [296, 0], sizes = [8, 2048], strides = [1, 1]} : vector<512x2048xf32> to vector<8x2048xf32>
    %sub3A_419 = arith.subf %add3A_417, %slice3A_418 : vector<8x2048xf32>
    %lt3A_420 = arith.cmpf olt, %sub3A_419, %select_n3A_410 : vector<8x2048xf32>
    %select_n3A_421 = arith.select %lt3A_420, %sub3A_419, %select_n3A_410 : vector<8x2048xi1>, vector<8x2048xf32>
    %jit3A_422 = arith.constant 37 : i32
    %broadcast_in_dim3A_423 = vector.broadcast %jit3A_422 : i32 to vector<8x2048xi32>
    %select_n3A_424 = arith.select %lt3A_420, %broadcast_in_dim3A_423, %select_n3A_413 : vector<8x2048xi1>, vector<8x2048xi32>
    %slice3A_425 = vector.extract_strided_slice %broadcast_in_dim3A_11 {offsets = [304, 0], sizes = [8, 1], strides = [1, 1]} : vector<512x1xf32> to vector<8x1xf32>
    %add3A_426 = vector.broadcast %broadcast_in_dim3A : vector<1x2048xf32> to vector<8x2048xf32>
    %add3A_427 = vector.broadcast %slice3A_425 : vector<8x1xf32> to vector<8x2048xf32>
    %add3A_428 = arith.addf %add3A_426, %add3A_427 : vector<8x2048xf32>
    %slice3A_429 = vector.extract_strided_slice %dot_general3A_15 {offsets = [304, 0], sizes = [8, 2048], strides = [1, 1]} : vector<512x2048xf32> to vector<8x2048xf32>
    %sub3A_430 = arith.subf %add3A_428, %slice3A_429 : vector<8x2048xf32>
    %lt3A_431 = arith.cmpf olt, %sub3A_430, %select_n3A_421 : vector<8x2048xf32>
    %select_n3A_432 = arith.select %lt3A_431, %sub3A_430, %select_n3A_421 : vector<8x2048xi1>, vector<8x2048xf32>
    %jit3A_433 = arith.constant 38 : i32
    %broadcast_in_dim3A_434 = vector.broadcast %jit3A_433 : i32 to vector<8x2048xi32>
    %select_n3A_435 = arith.select %lt3A_431, %broadcast_in_dim3A_434, %select_n3A_424 : vector<8x2048xi1>, vector<8x2048xi32>
    %slice3A_436 = vector.extract_strided_slice %broadcast_in_dim3A_11 {offsets = [312, 0], sizes = [8, 1], strides = [1, 1]} : vector<512x1xf32> to vector<8x1xf32>
    %add3A_437 = vector.broadcast %broadcast_in_dim3A : vector<1x2048xf32> to vector<8x2048xf32>
    %add3A_438 = vector.broadcast %slice3A_436 : vector<8x1xf32> to vector<8x2048xf32>
    %add3A_439 = arith.addf %add3A_437, %add3A_438 : vector<8x2048xf32>
    %slice3A_440 = vector.extract_strided_slice %dot_general3A_15 {offsets = [312, 0], sizes = [8, 2048], strides = [1, 1]} : vector<512x2048xf32> to vector<8x2048xf32>
    %sub3A_441 = arith.subf %add3A_439, %slice3A_440 : vector<8x2048xf32>
    %lt3A_442 = arith.cmpf olt, %sub3A_441, %select_n3A_432 : vector<8x2048xf32>
    %select_n3A_443 = arith.select %lt3A_442, %sub3A_441, %select_n3A_432 : vector<8x2048xi1>, vector<8x2048xf32>
    %jit3A_444 = arith.constant 39 : i32
    %broadcast_in_dim3A_445 = vector.broadcast %jit3A_444 : i32 to vector<8x2048xi32>
    %select_n3A_446 = arith.select %lt3A_442, %broadcast_in_dim3A_445, %select_n3A_435 : vector<8x2048xi1>, vector<8x2048xi32>
    %slice3A_447 = vector.extract_strided_slice %broadcast_in_dim3A_11 {offsets = [320, 0], sizes = [8, 1], strides = [1, 1]} : vector<512x1xf32> to vector<8x1xf32>
    %add3A_448 = vector.broadcast %broadcast_in_dim3A : vector<1x2048xf32> to vector<8x2048xf32>
    %add3A_449 = vector.broadcast %slice3A_447 : vector<8x1xf32> to vector<8x2048xf32>
    %add3A_450 = arith.addf %add3A_448, %add3A_449 : vector<8x2048xf32>
    %slice3A_451 = vector.extract_strided_slice %dot_general3A_15 {offsets = [320, 0], sizes = [8, 2048], strides = [1, 1]} : vector<512x2048xf32> to vector<8x2048xf32>
    %sub3A_452 = arith.subf %add3A_450, %slice3A_451 : vector<8x2048xf32>
    %lt3A_453 = arith.cmpf olt, %sub3A_452, %select_n3A_443 : vector<8x2048xf32>
    %select_n3A_454 = arith.select %lt3A_453, %sub3A_452, %select_n3A_443 : vector<8x2048xi1>, vector<8x2048xf32>
    %jit3A_455 = arith.constant 40 : i32
    %broadcast_in_dim3A_456 = vector.broadcast %jit3A_455 : i32 to vector<8x2048xi32>
    %select_n3A_457 = arith.select %lt3A_453, %broadcast_in_dim3A_456, %select_n3A_446 : vector<8x2048xi1>, vector<8x2048xi32>
    %slice3A_458 = vector.extract_strided_slice %broadcast_in_dim3A_11 {offsets = [328, 0], sizes = [8, 1], strides = [1, 1]} : vector<512x1xf32> to vector<8x1xf32>
    %add3A_459 = vector.broadcast %broadcast_in_dim3A : vector<1x2048xf32> to vector<8x2048xf32>
    %add3A_460 = vector.broadcast %slice3A_458 : vector<8x1xf32> to vector<8x2048xf32>
    %add3A_461 = arith.addf %add3A_459, %add3A_460 : vector<8x2048xf32>
    %slice3A_462 = vector.extract_strided_slice %dot_general3A_15 {offsets = [328, 0], sizes = [8, 2048], strides = [1, 1]} : vector<512x2048xf32> to vector<8x2048xf32>
    %sub3A_463 = arith.subf %add3A_461, %slice3A_462 : vector<8x2048xf32>
    %lt3A_464 = arith.cmpf olt, %sub3A_463, %select_n3A_454 : vector<8x2048xf32>
    %select_n3A_465 = arith.select %lt3A_464, %sub3A_463, %select_n3A_454 : vector<8x2048xi1>, vector<8x2048xf32>
    %jit3A_466 = arith.constant 41 : i32
    %broadcast_in_dim3A_467 = vector.broadcast %jit3A_466 : i32 to vector<8x2048xi32>
    %select_n3A_468 = arith.select %lt3A_464, %broadcast_in_dim3A_467, %select_n3A_457 : vector<8x2048xi1>, vector<8x2048xi32>
    %slice3A_469 = vector.extract_strided_slice %broadcast_in_dim3A_11 {offsets = [336, 0], sizes = [8, 1], strides = [1, 1]} : vector<512x1xf32> to vector<8x1xf32>
    %add3A_470 = vector.broadcast %broadcast_in_dim3A : vector<1x2048xf32> to vector<8x2048xf32>
    %add3A_471 = vector.broadcast %slice3A_469 : vector<8x1xf32> to vector<8x2048xf32>
    %add3A_472 = arith.addf %add3A_470, %add3A_471 : vector<8x2048xf32>
    %slice3A_473 = vector.extract_strided_slice %dot_general3A_15 {offsets = [336, 0], sizes = [8, 2048], strides = [1, 1]} : vector<512x2048xf32> to vector<8x2048xf32>
    %sub3A_474 = arith.subf %add3A_472, %slice3A_473 : vector<8x2048xf32>
    %lt3A_475 = arith.cmpf olt, %sub3A_474, %select_n3A_465 : vector<8x2048xf32>
    %select_n3A_476 = arith.select %lt3A_475, %sub3A_474, %select_n3A_465 : vector<8x2048xi1>, vector<8x2048xf32>
    %jit3A_477 = arith.constant 42 : i32
    %broadcast_in_dim3A_478 = vector.broadcast %jit3A_477 : i32 to vector<8x2048xi32>
    %select_n3A_479 = arith.select %lt3A_475, %broadcast_in_dim3A_478, %select_n3A_468 : vector<8x2048xi1>, vector<8x2048xi32>
    %slice3A_480 = vector.extract_strided_slice %broadcast_in_dim3A_11 {offsets = [344, 0], sizes = [8, 1], strides = [1, 1]} : vector<512x1xf32> to vector<8x1xf32>
    %add3A_481 = vector.broadcast %broadcast_in_dim3A : vector<1x2048xf32> to vector<8x2048xf32>
    %add3A_482 = vector.broadcast %slice3A_480 : vector<8x1xf32> to vector<8x2048xf32>
    %add3A_483 = arith.addf %add3A_481, %add3A_482 : vector<8x2048xf32>
    %slice3A_484 = vector.extract_strided_slice %dot_general3A_15 {offsets = [344, 0], sizes = [8, 2048], strides = [1, 1]} : vector<512x2048xf32> to vector<8x2048xf32>
    %sub3A_485 = arith.subf %add3A_483, %slice3A_484 : vector<8x2048xf32>
    %lt3A_486 = arith.cmpf olt, %sub3A_485, %select_n3A_476 : vector<8x2048xf32>
    %select_n3A_487 = arith.select %lt3A_486, %sub3A_485, %select_n3A_476 : vector<8x2048xi1>, vector<8x2048xf32>
    %jit3A_488 = arith.constant 43 : i32
    %broadcast_in_dim3A_489 = vector.broadcast %jit3A_488 : i32 to vector<8x2048xi32>
    %select_n3A_490 = arith.select %lt3A_486, %broadcast_in_dim3A_489, %select_n3A_479 : vector<8x2048xi1>, vector<8x2048xi32>
    %slice3A_491 = vector.extract_strided_slice %broadcast_in_dim3A_11 {offsets = [352, 0], sizes = [8, 1], strides = [1, 1]} : vector<512x1xf32> to vector<8x1xf32>
    %add3A_492 = vector.broadcast %broadcast_in_dim3A : vector<1x2048xf32> to vector<8x2048xf32>
    %add3A_493 = vector.broadcast %slice3A_491 : vector<8x1xf32> to vector<8x2048xf32>
    %add3A_494 = arith.addf %add3A_492, %add3A_493 : vector<8x2048xf32>
    %slice3A_495 = vector.extract_strided_slice %dot_general3A_15 {offsets = [352, 0], sizes = [8, 2048], strides = [1, 1]} : vector<512x2048xf32> to vector<8x2048xf32>
    %sub3A_496 = arith.subf %add3A_494, %slice3A_495 : vector<8x2048xf32>
    %lt3A_497 = arith.cmpf olt, %sub3A_496, %select_n3A_487 : vector<8x2048xf32>
    %select_n3A_498 = arith.select %lt3A_497, %sub3A_496, %select_n3A_487 : vector<8x2048xi1>, vector<8x2048xf32>
    %jit3A_499 = arith.constant 44 : i32
    %broadcast_in_dim3A_500 = vector.broadcast %jit3A_499 : i32 to vector<8x2048xi32>
    %select_n3A_501 = arith.select %lt3A_497, %broadcast_in_dim3A_500, %select_n3A_490 : vector<8x2048xi1>, vector<8x2048xi32>
    %slice3A_502 = vector.extract_strided_slice %broadcast_in_dim3A_11 {offsets = [360, 0], sizes = [8, 1], strides = [1, 1]} : vector<512x1xf32> to vector<8x1xf32>
    %add3A_503 = vector.broadcast %broadcast_in_dim3A : vector<1x2048xf32> to vector<8x2048xf32>
    %add3A_504 = vector.broadcast %slice3A_502 : vector<8x1xf32> to vector<8x2048xf32>
    %add3A_505 = arith.addf %add3A_503, %add3A_504 : vector<8x2048xf32>
    %slice3A_506 = vector.extract_strided_slice %dot_general3A_15 {offsets = [360, 0], sizes = [8, 2048], strides = [1, 1]} : vector<512x2048xf32> to vector<8x2048xf32>
    %sub3A_507 = arith.subf %add3A_505, %slice3A_506 : vector<8x2048xf32>
    %lt3A_508 = arith.cmpf olt, %sub3A_507, %select_n3A_498 : vector<8x2048xf32>
    %select_n3A_509 = arith.select %lt3A_508, %sub3A_507, %select_n3A_498 : vector<8x2048xi1>, vector<8x2048xf32>
    %jit3A_510 = arith.constant 45 : i32
    %broadcast_in_dim3A_511 = vector.broadcast %jit3A_510 : i32 to vector<8x2048xi32>
    %select_n3A_512 = arith.select %lt3A_508, %broadcast_in_dim3A_511, %select_n3A_501 : vector<8x2048xi1>, vector<8x2048xi32>
    %slice3A_513 = vector.extract_strided_slice %broadcast_in_dim3A_11 {offsets = [368, 0], sizes = [8, 1], strides = [1, 1]} : vector<512x1xf32> to vector<8x1xf32>
    %add3A_514 = vector.broadcast %broadcast_in_dim3A : vector<1x2048xf32> to vector<8x2048xf32>
    %add3A_515 = vector.broadcast %slice3A_513 : vector<8x1xf32> to vector<8x2048xf32>
    %add3A_516 = arith.addf %add3A_514, %add3A_515 : vector<8x2048xf32>
    %slice3A_517 = vector.extract_strided_slice %dot_general3A_15 {offsets = [368, 0], sizes = [8, 2048], strides = [1, 1]} : vector<512x2048xf32> to vector<8x2048xf32>
    %sub3A_518 = arith.subf %add3A_516, %slice3A_517 : vector<8x2048xf32>
    %lt3A_519 = arith.cmpf olt, %sub3A_518, %select_n3A_509 : vector<8x2048xf32>
    %select_n3A_520 = arith.select %lt3A_519, %sub3A_518, %select_n3A_509 : vector<8x2048xi1>, vector<8x2048xf32>
    %jit3A_521 = arith.constant 46 : i32
    %broadcast_in_dim3A_522 = vector.broadcast %jit3A_521 : i32 to vector<8x2048xi32>
    %select_n3A_523 = arith.select %lt3A_519, %broadcast_in_dim3A_522, %select_n3A_512 : vector<8x2048xi1>, vector<8x2048xi32>
    %slice3A_524 = vector.extract_strided_slice %broadcast_in_dim3A_11 {offsets = [376, 0], sizes = [8, 1], strides = [1, 1]} : vector<512x1xf32> to vector<8x1xf32>
    %add3A_525 = vector.broadcast %broadcast_in_dim3A : vector<1x2048xf32> to vector<8x2048xf32>
    %add3A_526 = vector.broadcast %slice3A_524 : vector<8x1xf32> to vector<8x2048xf32>
    %add3A_527 = arith.addf %add3A_525, %add3A_526 : vector<8x2048xf32>
    %slice3A_528 = vector.extract_strided_slice %dot_general3A_15 {offsets = [376, 0], sizes = [8, 2048], strides = [1, 1]} : vector<512x2048xf32> to vector<8x2048xf32>
    %sub3A_529 = arith.subf %add3A_527, %slice3A_528 : vector<8x2048xf32>
    %lt3A_530 = arith.cmpf olt, %sub3A_529, %select_n3A_520 : vector<8x2048xf32>
    %select_n3A_531 = arith.select %lt3A_530, %sub3A_529, %select_n3A_520 : vector<8x2048xi1>, vector<8x2048xf32>
    %jit3A_532 = arith.constant 47 : i32
    %broadcast_in_dim3A_533 = vector.broadcast %jit3A_532 : i32 to vector<8x2048xi32>
    %select_n3A_534 = arith.select %lt3A_530, %broadcast_in_dim3A_533, %select_n3A_523 : vector<8x2048xi1>, vector<8x2048xi32>
    %slice3A_535 = vector.extract_strided_slice %broadcast_in_dim3A_11 {offsets = [384, 0], sizes = [8, 1], strides = [1, 1]} : vector<512x1xf32> to vector<8x1xf32>
    %add3A_536 = vector.broadcast %broadcast_in_dim3A : vector<1x2048xf32> to vector<8x2048xf32>
    %add3A_537 = vector.broadcast %slice3A_535 : vector<8x1xf32> to vector<8x2048xf32>
    %add3A_538 = arith.addf %add3A_536, %add3A_537 : vector<8x2048xf32>
    %slice3A_539 = vector.extract_strided_slice %dot_general3A_15 {offsets = [384, 0], sizes = [8, 2048], strides = [1, 1]} : vector<512x2048xf32> to vector<8x2048xf32>
    %sub3A_540 = arith.subf %add3A_538, %slice3A_539 : vector<8x2048xf32>
    %lt3A_541 = arith.cmpf olt, %sub3A_540, %select_n3A_531 : vector<8x2048xf32>
    %select_n3A_542 = arith.select %lt3A_541, %sub3A_540, %select_n3A_531 : vector<8x2048xi1>, vector<8x2048xf32>
    %jit3A_543 = arith.constant 48 : i32
    %broadcast_in_dim3A_544 = vector.broadcast %jit3A_543 : i32 to vector<8x2048xi32>
    %select_n3A_545 = arith.select %lt3A_541, %broadcast_in_dim3A_544, %select_n3A_534 : vector<8x2048xi1>, vector<8x2048xi32>
    %slice3A_546 = vector.extract_strided_slice %broadcast_in_dim3A_11 {offsets = [392, 0], sizes = [8, 1], strides = [1, 1]} : vector<512x1xf32> to vector<8x1xf32>
    %add3A_547 = vector.broadcast %broadcast_in_dim3A : vector<1x2048xf32> to vector<8x2048xf32>
    %add3A_548 = vector.broadcast %slice3A_546 : vector<8x1xf32> to vector<8x2048xf32>
    %add3A_549 = arith.addf %add3A_547, %add3A_548 : vector<8x2048xf32>
    %slice3A_550 = vector.extract_strided_slice %dot_general3A_15 {offsets = [392, 0], sizes = [8, 2048], strides = [1, 1]} : vector<512x2048xf32> to vector<8x2048xf32>
    %sub3A_551 = arith.subf %add3A_549, %slice3A_550 : vector<8x2048xf32>
    %lt3A_552 = arith.cmpf olt, %sub3A_551, %select_n3A_542 : vector<8x2048xf32>
    %select_n3A_553 = arith.select %lt3A_552, %sub3A_551, %select_n3A_542 : vector<8x2048xi1>, vector<8x2048xf32>
    %jit3A_554 = arith.constant 49 : i32
    %broadcast_in_dim3A_555 = vector.broadcast %jit3A_554 : i32 to vector<8x2048xi32>
    %select_n3A_556 = arith.select %lt3A_552, %broadcast_in_dim3A_555, %select_n3A_545 : vector<8x2048xi1>, vector<8x2048xi32>
    %slice3A_557 = vector.extract_strided_slice %broadcast_in_dim3A_11 {offsets = [400, 0], sizes = [8, 1], strides = [1, 1]} : vector<512x1xf32> to vector<8x1xf32>
    %add3A_558 = vector.broadcast %broadcast_in_dim3A : vector<1x2048xf32> to vector<8x2048xf32>
    %add3A_559 = vector.broadcast %slice3A_557 : vector<8x1xf32> to vector<8x2048xf32>
    %add3A_560 = arith.addf %add3A_558, %add3A_559 : vector<8x2048xf32>
    %slice3A_561 = vector.extract_strided_slice %dot_general3A_15 {offsets = [400, 0], sizes = [8, 2048], strides = [1, 1]} : vector<512x2048xf32> to vector<8x2048xf32>
    %sub3A_562 = arith.subf %add3A_560, %slice3A_561 : vector<8x2048xf32>
    %lt3A_563 = arith.cmpf olt, %sub3A_562, %select_n3A_553 : vector<8x2048xf32>
    %select_n3A_564 = arith.select %lt3A_563, %sub3A_562, %select_n3A_553 : vector<8x2048xi1>, vector<8x2048xf32>
    %jit3A_565 = arith.constant 50 : i32
    %broadcast_in_dim3A_566 = vector.broadcast %jit3A_565 : i32 to vector<8x2048xi32>
    %select_n3A_567 = arith.select %lt3A_563, %broadcast_in_dim3A_566, %select_n3A_556 : vector<8x2048xi1>, vector<8x2048xi32>
    %slice3A_568 = vector.extract_strided_slice %broadcast_in_dim3A_11 {offsets = [408, 0], sizes = [8, 1], strides = [1, 1]} : vector<512x1xf32> to vector<8x1xf32>
    %add3A_569 = vector.broadcast %broadcast_in_dim3A : vector<1x2048xf32> to vector<8x2048xf32>
    %add3A_570 = vector.broadcast %slice3A_568 : vector<8x1xf32> to vector<8x2048xf32>
    %add3A_571 = arith.addf %add3A_569, %add3A_570 : vector<8x2048xf32>
    %slice3A_572 = vector.extract_strided_slice %dot_general3A_15 {offsets = [408, 0], sizes = [8, 2048], strides = [1, 1]} : vector<512x2048xf32> to vector<8x2048xf32>
    %sub3A_573 = arith.subf %add3A_571, %slice3A_572 : vector<8x2048xf32>
    %lt3A_574 = arith.cmpf olt, %sub3A_573, %select_n3A_564 : vector<8x2048xf32>
    %select_n3A_575 = arith.select %lt3A_574, %sub3A_573, %select_n3A_564 : vector<8x2048xi1>, vector<8x2048xf32>
    %jit3A_576 = arith.constant 51 : i32
    %broadcast_in_dim3A_577 = vector.broadcast %jit3A_576 : i32 to vector<8x2048xi32>
    %select_n3A_578 = arith.select %lt3A_574, %broadcast_in_dim3A_577, %select_n3A_567 : vector<8x2048xi1>, vector<8x2048xi32>
    %slice3A_579 = vector.extract_strided_slice %broadcast_in_dim3A_11 {offsets = [416, 0], sizes = [8, 1], strides = [1, 1]} : vector<512x1xf32> to vector<8x1xf32>
    %add3A_580 = vector.broadcast %broadcast_in_dim3A : vector<1x2048xf32> to vector<8x2048xf32>
    %add3A_581 = vector.broadcast %slice3A_579 : vector<8x1xf32> to vector<8x2048xf32>
    %add3A_582 = arith.addf %add3A_580, %add3A_581 : vector<8x2048xf32>
    %slice3A_583 = vector.extract_strided_slice %dot_general3A_15 {offsets = [416, 0], sizes = [8, 2048], strides = [1, 1]} : vector<512x2048xf32> to vector<8x2048xf32>
    %sub3A_584 = arith.subf %add3A_582, %slice3A_583 : vector<8x2048xf32>
    %lt3A_585 = arith.cmpf olt, %sub3A_584, %select_n3A_575 : vector<8x2048xf32>
    %select_n3A_586 = arith.select %lt3A_585, %sub3A_584, %select_n3A_575 : vector<8x2048xi1>, vector<8x2048xf32>
    %jit3A_587 = arith.constant 52 : i32
    %broadcast_in_dim3A_588 = vector.broadcast %jit3A_587 : i32 to vector<8x2048xi32>
    %select_n3A_589 = arith.select %lt3A_585, %broadcast_in_dim3A_588, %select_n3A_578 : vector<8x2048xi1>, vector<8x2048xi32>
    %slice3A_590 = vector.extract_strided_slice %broadcast_in_dim3A_11 {offsets = [424, 0], sizes = [8, 1], strides = [1, 1]} : vector<512x1xf32> to vector<8x1xf32>
    %add3A_591 = vector.broadcast %broadcast_in_dim3A : vector<1x2048xf32> to vector<8x2048xf32>
    %add3A_592 = vector.broadcast %slice3A_590 : vector<8x1xf32> to vector<8x2048xf32>
    %add3A_593 = arith.addf %add3A_591, %add3A_592 : vector<8x2048xf32>
    %slice3A_594 = vector.extract_strided_slice %dot_general3A_15 {offsets = [424, 0], sizes = [8, 2048], strides = [1, 1]} : vector<512x2048xf32> to vector<8x2048xf32>
    %sub3A_595 = arith.subf %add3A_593, %slice3A_594 : vector<8x2048xf32>
    %lt3A_596 = arith.cmpf olt, %sub3A_595, %select_n3A_586 : vector<8x2048xf32>
    %select_n3A_597 = arith.select %lt3A_596, %sub3A_595, %select_n3A_586 : vector<8x2048xi1>, vector<8x2048xf32>
    %jit3A_598 = arith.constant 53 : i32
    %broadcast_in_dim3A_599 = vector.broadcast %jit3A_598 : i32 to vector<8x2048xi32>
    %select_n3A_600 = arith.select %lt3A_596, %broadcast_in_dim3A_599, %select_n3A_589 : vector<8x2048xi1>, vector<8x2048xi32>
    %slice3A_601 = vector.extract_strided_slice %broadcast_in_dim3A_11 {offsets = [432, 0], sizes = [8, 1], strides = [1, 1]} : vector<512x1xf32> to vector<8x1xf32>
    %add3A_602 = vector.broadcast %broadcast_in_dim3A : vector<1x2048xf32> to vector<8x2048xf32>
    %add3A_603 = vector.broadcast %slice3A_601 : vector<8x1xf32> to vector<8x2048xf32>
    %add3A_604 = arith.addf %add3A_602, %add3A_603 : vector<8x2048xf32>
    %slice3A_605 = vector.extract_strided_slice %dot_general3A_15 {offsets = [432, 0], sizes = [8, 2048], strides = [1, 1]} : vector<512x2048xf32> to vector<8x2048xf32>
    %sub3A_606 = arith.subf %add3A_604, %slice3A_605 : vector<8x2048xf32>
    %lt3A_607 = arith.cmpf olt, %sub3A_606, %select_n3A_597 : vector<8x2048xf32>
    %select_n3A_608 = arith.select %lt3A_607, %sub3A_606, %select_n3A_597 : vector<8x2048xi1>, vector<8x2048xf32>
    %jit3A_609 = arith.constant 54 : i32
    %broadcast_in_dim3A_610 = vector.broadcast %jit3A_609 : i32 to vector<8x2048xi32>
    %select_n3A_611 = arith.select %lt3A_607, %broadcast_in_dim3A_610, %select_n3A_600 : vector<8x2048xi1>, vector<8x2048xi32>
    %slice3A_612 = vector.extract_strided_slice %broadcast_in_dim3A_11 {offsets = [440, 0], sizes = [8, 1], strides = [1, 1]} : vector<512x1xf32> to vector<8x1xf32>
    %add3A_613 = vector.broadcast %broadcast_in_dim3A : vector<1x2048xf32> to vector<8x2048xf32>
    %add3A_614 = vector.broadcast %slice3A_612 : vector<8x1xf32> to vector<8x2048xf32>
    %add3A_615 = arith.addf %add3A_613, %add3A_614 : vector<8x2048xf32>
    %slice3A_616 = vector.extract_strided_slice %dot_general3A_15 {offsets = [440, 0], sizes = [8, 2048], strides = [1, 1]} : vector<512x2048xf32> to vector<8x2048xf32>
    %sub3A_617 = arith.subf %add3A_615, %slice3A_616 : vector<8x2048xf32>
    %lt3A_618 = arith.cmpf olt, %sub3A_617, %select_n3A_608 : vector<8x2048xf32>
    %select_n3A_619 = arith.select %lt3A_618, %sub3A_617, %select_n3A_608 : vector<8x2048xi1>, vector<8x2048xf32>
    %jit3A_620 = arith.constant 55 : i32
    %broadcast_in_dim3A_621 = vector.broadcast %jit3A_620 : i32 to vector<8x2048xi32>
    %select_n3A_622 = arith.select %lt3A_618, %broadcast_in_dim3A_621, %select_n3A_611 : vector<8x2048xi1>, vector<8x2048xi32>
    %slice3A_623 = vector.extract_strided_slice %broadcast_in_dim3A_11 {offsets = [448, 0], sizes = [8, 1], strides = [1, 1]} : vector<512x1xf32> to vector<8x1xf32>
    %add3A_624 = vector.broadcast %broadcast_in_dim3A : vector<1x2048xf32> to vector<8x2048xf32>
    %add3A_625 = vector.broadcast %slice3A_623 : vector<8x1xf32> to vector<8x2048xf32>
    %add3A_626 = arith.addf %add3A_624, %add3A_625 : vector<8x2048xf32>
    %slice3A_627 = vector.extract_strided_slice %dot_general3A_15 {offsets = [448, 0], sizes = [8, 2048], strides = [1, 1]} : vector<512x2048xf32> to vector<8x2048xf32>
    %sub3A_628 = arith.subf %add3A_626, %slice3A_627 : vector<8x2048xf32>
    %lt3A_629 = arith.cmpf olt, %sub3A_628, %select_n3A_619 : vector<8x2048xf32>
    %select_n3A_630 = arith.select %lt3A_629, %sub3A_628, %select_n3A_619 : vector<8x2048xi1>, vector<8x2048xf32>
    %jit3A_631 = arith.constant 56 : i32
    %broadcast_in_dim3A_632 = vector.broadcast %jit3A_631 : i32 to vector<8x2048xi32>
    %select_n3A_633 = arith.select %lt3A_629, %broadcast_in_dim3A_632, %select_n3A_622 : vector<8x2048xi1>, vector<8x2048xi32>
    %slice3A_634 = vector.extract_strided_slice %broadcast_in_dim3A_11 {offsets = [456, 0], sizes = [8, 1], strides = [1, 1]} : vector<512x1xf32> to vector<8x1xf32>
    %add3A_635 = vector.broadcast %broadcast_in_dim3A : vector<1x2048xf32> to vector<8x2048xf32>
    %add3A_636 = vector.broadcast %slice3A_634 : vector<8x1xf32> to vector<8x2048xf32>
    %add3A_637 = arith.addf %add3A_635, %add3A_636 : vector<8x2048xf32>
    %slice3A_638 = vector.extract_strided_slice %dot_general3A_15 {offsets = [456, 0], sizes = [8, 2048], strides = [1, 1]} : vector<512x2048xf32> to vector<8x2048xf32>
    %sub3A_639 = arith.subf %add3A_637, %slice3A_638 : vector<8x2048xf32>
    %lt3A_640 = arith.cmpf olt, %sub3A_639, %select_n3A_630 : vector<8x2048xf32>
    %select_n3A_641 = arith.select %lt3A_640, %sub3A_639, %select_n3A_630 : vector<8x2048xi1>, vector<8x2048xf32>
    %jit3A_642 = arith.constant 57 : i32
    %broadcast_in_dim3A_643 = vector.broadcast %jit3A_642 : i32 to vector<8x2048xi32>
    %select_n3A_644 = arith.select %lt3A_640, %broadcast_in_dim3A_643, %select_n3A_633 : vector<8x2048xi1>, vector<8x2048xi32>
    %slice3A_645 = vector.extract_strided_slice %broadcast_in_dim3A_11 {offsets = [464, 0], sizes = [8, 1], strides = [1, 1]} : vector<512x1xf32> to vector<8x1xf32>
    %add3A_646 = vector.broadcast %broadcast_in_dim3A : vector<1x2048xf32> to vector<8x2048xf32>
    %add3A_647 = vector.broadcast %slice3A_645 : vector<8x1xf32> to vector<8x2048xf32>
    %add3A_648 = arith.addf %add3A_646, %add3A_647 : vector<8x2048xf32>
    %slice3A_649 = vector.extract_strided_slice %dot_general3A_15 {offsets = [464, 0], sizes = [8, 2048], strides = [1, 1]} : vector<512x2048xf32> to vector<8x2048xf32>
    %sub3A_650 = arith.subf %add3A_648, %slice3A_649 : vector<8x2048xf32>
    %lt3A_651 = arith.cmpf olt, %sub3A_650, %select_n3A_641 : vector<8x2048xf32>
    %select_n3A_652 = arith.select %lt3A_651, %sub3A_650, %select_n3A_641 : vector<8x2048xi1>, vector<8x2048xf32>
    %jit3A_653 = arith.constant 58 : i32
    %broadcast_in_dim3A_654 = vector.broadcast %jit3A_653 : i32 to vector<8x2048xi32>
    %select_n3A_655 = arith.select %lt3A_651, %broadcast_in_dim3A_654, %select_n3A_644 : vector<8x2048xi1>, vector<8x2048xi32>
    %slice3A_656 = vector.extract_strided_slice %broadcast_in_dim3A_11 {offsets = [472, 0], sizes = [8, 1], strides = [1, 1]} : vector<512x1xf32> to vector<8x1xf32>
    %add3A_657 = vector.broadcast %broadcast_in_dim3A : vector<1x2048xf32> to vector<8x2048xf32>
    %add3A_658 = vector.broadcast %slice3A_656 : vector<8x1xf32> to vector<8x2048xf32>
    %add3A_659 = arith.addf %add3A_657, %add3A_658 : vector<8x2048xf32>
    %slice3A_660 = vector.extract_strided_slice %dot_general3A_15 {offsets = [472, 0], sizes = [8, 2048], strides = [1, 1]} : vector<512x2048xf32> to vector<8x2048xf32>
    %sub3A_661 = arith.subf %add3A_659, %slice3A_660 : vector<8x2048xf32>
    %lt3A_662 = arith.cmpf olt, %sub3A_661, %select_n3A_652 : vector<8x2048xf32>
    %select_n3A_663 = arith.select %lt3A_662, %sub3A_661, %select_n3A_652 : vector<8x2048xi1>, vector<8x2048xf32>
    %jit3A_664 = arith.constant 59 : i32
    %broadcast_in_dim3A_665 = vector.broadcast %jit3A_664 : i32 to vector<8x2048xi32>
    %select_n3A_666 = arith.select %lt3A_662, %broadcast_in_dim3A_665, %select_n3A_655 : vector<8x2048xi1>, vector<8x2048xi32>
    %slice3A_667 = vector.extract_strided_slice %broadcast_in_dim3A_11 {offsets = [480, 0], sizes = [8, 1], strides = [1, 1]} : vector<512x1xf32> to vector<8x1xf32>
    %add3A_668 = vector.broadcast %broadcast_in_dim3A : vector<1x2048xf32> to vector<8x2048xf32>
    %add3A_669 = vector.broadcast %slice3A_667 : vector<8x1xf32> to vector<8x2048xf32>
    %add3A_670 = arith.addf %add3A_668, %add3A_669 : vector<8x2048xf32>
    %slice3A_671 = vector.extract_strided_slice %dot_general3A_15 {offsets = [480, 0], sizes = [8, 2048], strides = [1, 1]} : vector<512x2048xf32> to vector<8x2048xf32>
    %sub3A_672 = arith.subf %add3A_670, %slice3A_671 : vector<8x2048xf32>
    %lt3A_673 = arith.cmpf olt, %sub3A_672, %select_n3A_663 : vector<8x2048xf32>
    %select_n3A_674 = arith.select %lt3A_673, %sub3A_672, %select_n3A_663 : vector<8x2048xi1>, vector<8x2048xf32>
    %jit3A_675 = arith.constant 60 : i32
    %broadcast_in_dim3A_676 = vector.broadcast %jit3A_675 : i32 to vector<8x2048xi32>
    %select_n3A_677 = arith.select %lt3A_673, %broadcast_in_dim3A_676, %select_n3A_666 : vector<8x2048xi1>, vector<8x2048xi32>
    %slice3A_678 = vector.extract_strided_slice %broadcast_in_dim3A_11 {offsets = [488, 0], sizes = [8, 1], strides = [1, 1]} : vector<512x1xf32> to vector<8x1xf32>
    %add3A_679 = vector.broadcast %broadcast_in_dim3A : vector<1x2048xf32> to vector<8x2048xf32>
    %add3A_680 = vector.broadcast %slice3A_678 : vector<8x1xf32> to vector<8x2048xf32>
    %add3A_681 = arith.addf %add3A_679, %add3A_680 : vector<8x2048xf32>
    %slice3A_682 = vector.extract_strided_slice %dot_general3A_15 {offsets = [488, 0], sizes = [8, 2048], strides = [1, 1]} : vector<512x2048xf32> to vector<8x2048xf32>
    %sub3A_683 = arith.subf %add3A_681, %slice3A_682 : vector<8x2048xf32>
    %lt3A_684 = arith.cmpf olt, %sub3A_683, %select_n3A_674 : vector<8x2048xf32>
    %select_n3A_685 = arith.select %lt3A_684, %sub3A_683, %select_n3A_674 : vector<8x2048xi1>, vector<8x2048xf32>
    %jit3A_686 = arith.constant 61 : i32
    %broadcast_in_dim3A_687 = vector.broadcast %jit3A_686 : i32 to vector<8x2048xi32>
    %select_n3A_688 = arith.select %lt3A_684, %broadcast_in_dim3A_687, %select_n3A_677 : vector<8x2048xi1>, vector<8x2048xi32>
    %slice3A_689 = vector.extract_strided_slice %broadcast_in_dim3A_11 {offsets = [496, 0], sizes = [8, 1], strides = [1, 1]} : vector<512x1xf32> to vector<8x1xf32>
    %add3A_690 = vector.broadcast %broadcast_in_dim3A : vector<1x2048xf32> to vector<8x2048xf32>
    %add3A_691 = vector.broadcast %slice3A_689 : vector<8x1xf32> to vector<8x2048xf32>
    %add3A_692 = arith.addf %add3A_690, %add3A_691 : vector<8x2048xf32>
    %slice3A_693 = vector.extract_strided_slice %dot_general3A_15 {offsets = [496, 0], sizes = [8, 2048], strides = [1, 1]} : vector<512x2048xf32> to vector<8x2048xf32>
    %sub3A_694 = arith.subf %add3A_692, %slice3A_693 : vector<8x2048xf32>
    %lt3A_695 = arith.cmpf olt, %sub3A_694, %select_n3A_685 : vector<8x2048xf32>
    %select_n3A_696 = arith.select %lt3A_695, %sub3A_694, %select_n3A_685 : vector<8x2048xi1>, vector<8x2048xf32>
    %jit3A_697 = arith.constant 62 : i32
    %broadcast_in_dim3A_698 = vector.broadcast %jit3A_697 : i32 to vector<8x2048xi32>
    %select_n3A_699 = arith.select %lt3A_695, %broadcast_in_dim3A_698, %select_n3A_688 : vector<8x2048xi1>, vector<8x2048xi32>
    %slice3A_700 = vector.extract_strided_slice %broadcast_in_dim3A_11 {offsets = [504, 0], sizes = [8, 1], strides = [1, 1]} : vector<512x1xf32> to vector<8x1xf32>
    %add3A_701 = vector.broadcast %broadcast_in_dim3A : vector<1x2048xf32> to vector<8x2048xf32>
    %add3A_702 = vector.broadcast %slice3A_700 : vector<8x1xf32> to vector<8x2048xf32>
    %add3A_703 = arith.addf %add3A_701, %add3A_702 : vector<8x2048xf32>
    %slice3A_704 = vector.extract_strided_slice %dot_general3A_15 {offsets = [504, 0], sizes = [8, 2048], strides = [1, 1]} : vector<512x2048xf32> to vector<8x2048xf32>
    %sub3A_705 = arith.subf %add3A_703, %slice3A_704 : vector<8x2048xf32>
    %lt3A_706 = arith.cmpf olt, %sub3A_705, %select_n3A_696 : vector<8x2048xf32>
    %select_n3A_707 = arith.select %lt3A_706, %sub3A_705, %select_n3A_696 : vector<8x2048xi1>, vector<8x2048xf32>
    %jit3A_708 = arith.constant 63 : i32
    %broadcast_in_dim3A_709 = vector.broadcast %jit3A_708 : i32 to vector<8x2048xi32>
    %select_n3A_710 = arith.select %lt3A_706, %broadcast_in_dim3A_709, %select_n3A_699 : vector<8x2048xi1>, vector<8x2048xi32>
    %reduce_min3A = arith.constant dense<0x7F800000> : vector<2048xf32>
    %reduce_min3A_711 = vector.multi_reduction <minimumf>, %select_n3A_707, %reduce_min3A [0] : vector<8x2048xf32> to vector<2048xf32>
    %broadcast_in_dim3A_712 = vector.shape_cast %reduce_min3A_711 : vector<2048xf32> to vector<1x2048xf32>
    %iota3A = tpu.iota {dimensions = array<i32: 0>} : vector<8x2048xi32>
    %mul3A_713 = arith.constant 8 : i32
    %mul3A_714 = vector.broadcast %mul3A_713 : i32 to vector<8x2048xi32>
    %mul3A_715 = arith.muli %select_n3A_710, %mul3A_714 : vector<8x2048xi32>
    %add3A_716 = arith.addi %mul3A_715, %iota3A : vector<8x2048xi32>
    %eq3A = vector.broadcast %broadcast_in_dim3A_712 : vector<1x2048xf32> to vector<8x2048xf32>
    %eq3A_717 = arith.cmpf oeq, %select_n3A_707, %eq3A : vector<8x2048xf32>
    %jit3A_718 = arith.constant 512 : i32
    %broadcast_in_dim3A_719 = vector.broadcast %jit3A_718 : i32 to vector<8x2048xi32>
    %select_n3A_720 = arith.select %eq3A_717, %add3A_716, %broadcast_in_dim3A_719 : vector<8x2048xi1>, vector<8x2048xi32>
    %reduce_min3A_721 = arith.constant dense<2147483647> : vector<2048xi32>
    %reduce_min3A_722 = vector.multi_reduction <minsi>, %select_n3A_720, %reduce_min3A_721 [0] : vector<8x2048xi32> to vector<2048xi32>
    %broadcast_in_dim3A_723 = vector.shape_cast %reduce_min3A_722 : vector<2048xi32> to vector<1x2048xi32>
    %swap3A = arith.constant 0 : index
    %swap3A_724 = arith.constant 0 : index
    %swap3A_725 = arith.constant 0 : index
    %swap3A_726 = vector.load %arg4[%swap3A, %swap3A_724, %swap3A_725] : memref<1x1x2048xi32, #tpu.memory_space<vmem>>, vector<1x1x2048xi32>
    %swap3A_727 = vector.shape_cast %swap3A_726 : vector<1x1x2048xi32> to vector<1x2048xi32>
    %swap3A_728 = vector.shape_cast %broadcast_in_dim3A_723 : vector<1x2048xi32> to vector<1x1x2048xi32>
    tpu.vector_store %arg4[%swap3A, %swap3A_724, %swap3A_725], %swap3A_728 {strides = array<i32>} : memref<1x1x2048xi32, #tpu.memory_space<vmem>>, vector<1x1x2048xi32>,
    %eq3A_729 = arith.constant 0 : i32
    %eq3A_730 = arith.cmpi eq, %arg0, %eq3A_729 : i32
    %eq3A_731 = arith.constant 0 : i32
    %eq3A_732 = arith.cmpi eq, %arg1, %eq3A_731 : i32
    %and3A = arith.andi %eq3A_730, %eq3A_732 : i1
    %convert_element_type3A = arith.extui %and3A : i1 to i32
    %cond3A = arith.constant 0 : i32
    %cond3A_733 = arith.cmpi ne, %convert_element_type3A, %cond3A : i32
    scf.if %cond3A_733 {
      %broadcast_in_dim3A_744 = arith.constant 0.000000e+00 : f32
      %broadcast_in_dim3A_745 = vector.broadcast %broadcast_in_dim3A_744 : f32 to vector<1x1xf32>
      %swap3A_746 = arith.constant 0 : index
      %swap3A_747 = arith.constant 0 : index
      %swap3A_748 = vector.load %arg5[%swap3A_746, %swap3A_747] : memref<1x1xf32, #tpu.memory_space<vmem>>, vector<1x1xf32>
      tpu.vector_store %arg5[%swap3A_746, %swap3A_747], %broadcast_in_dim3A_745 {strides = array<i32>} : memref<1x1xf32, #tpu.memory_space<vmem>>, vector<1x1xf32>,
    } else {
    }
    %get3A_734 = arith.constant 0 : index
    %get3A_735 = arith.constant 0 : index
    %get3A_736 = vector.load %arg5[%get3A_734, %get3A_735] : memref<1x1xf32, #tpu.memory_space<vmem>>, vector<1x1xf32>
    %reduce_sum3A_737 = arith.constant dense<0.000000e+00> : vector<1xf32>
    %reduce_sum3A_738 = vector.multi_reduction <add>, %broadcast_in_dim3A_712, %reduce_sum3A_737 [1] : vector<1x2048xf32> to vector<1xf32>
    %broadcast_in_dim3A_739 = vector.shape_cast %reduce_sum3A_738 : vector<1xf32> to vector<1x1xf32>
    %add3A_740 = arith.addf %get3A_736, %broadcast_in_dim3A_739 : vector<1x1xf32>
    %swap3A_741 = arith.constant 0 : index
    %swap3A_742 = arith.constant 0 : index
    %swap3A_743 = vector.load %arg5[%swap3A_741, %swap3A_742] : memref<1x1xf32, #tpu.memory_space<vmem>>, vector<1x1xf32>
    tpu.vector_store %arg5[%swap3A_741, %swap3A_742], %add3A_740 {strides = array<i32>} : memref<1x1xf32, #tpu.memory_space<vmem>>, vector<1x1xf32>,
    return
  }
  func.func @transform_0(%arg0: i32, %arg1: i32) -> (i32, i32, i32) {
    %c0_i32 = arith.constant 0 : i32
    %c0_i32_0 = arith.constant 0 : i32
    return %arg0, %c0_i32, %arg1 : i32, i32, i32
  }
  func.func @transform_1(%arg0: i32, %arg1: i32) -> (i32, i32) {
    %c0_i32 = arith.constant 0 : i32
    %c0_i32_0 = arith.constant 0 : i32
    %c0_i32_1 = arith.constant 0 : i32
    return %c0_i32, %c0_i32_0 : i32, i32
  }
  func.func @transform_2(%arg0: i32, %arg1: i32) -> (i32, i32, i32) {
    %c0_i32 = arith.constant 0 : i32
    %c0_i32_0 = arith.constant 0 : i32
    return %arg0, %c0_i32, %arg1 : i32, i32, i32
  }
  func.func @transform_3(%arg0: i32, %arg1: i32) -> (i32, i32) {
    %c0_i32 = arith.constant 0 : i32
    %c0_i32_0 = arith.constant 0 : i32
    %c0_i32_1 = arith.constant 0 : i32
    return %c0_i32, %c0_i32_0 : i32, i32
  }
}

</mosaic_0001>

<sc_bundles>
// kernel: kernel.4.cloned.1.call-start
scs
__scs_entry_jumppad:
0x0: {  	(pc) =	sbr.rel $0x88, $3  }
0x1: {  	(tag) =	ssettag $0x0;
	lr =	simm.s32 $0x1  }
0x2: {  	[smem:$0x3F9F] =	sst lr;
	_ =	strace $0xD0000000  }
0x3: {  	_ = 	snop  }
0x4: {  	_ = 	snop  }
0x5: {  	_ = 	snop  }
0x6: {  	_ = 	snop  }
0x7: {  	_ = 	snop  }
__scs_overlays_trampoline_lowered:
0x8: {  	[smem:$0x3FAE] =	sst s0  }
0x9: {  	[smem:$0x3FAF] =	sst s1  }
0xa: {  	[smem:$0x3FB0] =	sst s2  }
0xb: {  	[smem:$0x3FB1] =	sst s3  }
0xc: {  	[smem:$0x3FB2] =	sst s4  }
0xd: {  	[smem:$0x3FB3] =	sst s5  }
0xe: {  	[smem:$0x3FB4] =	sst s6  }
0xf: {  	[smem:$0x3FB5] =	sst s7  }
0x10: {  	[smem:$0x3FB6] =	sst s8  }
0x11: {  	[smem:$0x3FB7] =	sst s9;
	s0 =	simm.s32 @!p0 $0x0  }
0x12: {  	s1 =	sld [smem:$0x3F9D];
	s0 =	simm.s32 @p0 $0x1  }
0x13: {  	[smem:$0x3FB8] =	sst s0;
	s0 =	simm.s32 @!p1 $0x0  }
0x14: {  	s2 =	sld [smem:$0x3F9C];
	s0 =	simm.s32 @p1 $0x1  }
0x15: {  	[smem:$0x3FB9] =	sst s0;
	s0 =	simm.s32 @!p2 $0x0  }
0x16: {  	s3 =	sld [smem:$0x3FDB];
	s0 =	simm.s32 @p2 $0x1  }
0x17: {  	s4 =	simm.s32 $0x1BF5;
	[smem:$0x3FBB] =	sst s0  }
0x18: {  	s0 =	sld [smem:$0x3F9E];
	_ =	swait.ge [sflag:s4], $0x0  }
0x19: {  	s7 =	sld [smem:$0x3F9F]  }
0x1a: {  	s8 =	sadd.s32 $0xFFFFE003, lr  }
0x1b: {  	s9 =	sadd.s32 $0xFFFFFEF7, lr;
	s5 =	simm.s32 $0xFFFFFFFF;
	p2 =	slt.u32 s8, $0xFFFFF086  }
0x1c: {  	p1 =	slt.u32 s9, $0xF7A;
	s5 =	simm.s32 @!p2 $0x0  }
0x1d: {  	s5 =	simm.s32 @p1 $0x1;
	p0 =	seq.s32 s7, s2  }
0x1e: {  	s7 =	smul.u32 @!p0 $0xF7A, s2;
	p2 =	seq.s32 @!p0 s5, $0x0  }
0x1f: {  	s9 =	smul.u32 $0xF7A, s1;
	s8 =	simm.s32 @!p0 $0x1BF5;
	p2 =	por !p2, p0  }
0x20: {  	[sflag:s8] =	ssyncset.s32 @!p0 $0xFFFFF086;
	s6 =	sadd.s32 @!p0 s3, s7;
	s7 =	simm.s32 @!p0 $0x108  }
0x21: {  	s3 =	sadd.s32 s3, s9;
	s6 =	sadd.s32 @!p0 $0x88, s6;
	s7 =	simm.s32 @p2 $0x1082  }
0x22: {  	[simem:s7], [sflag:s8] =	dma.local @!p0 [hbm:s6], $0xF7A  }
0x23: {  	s9 =	sor.u32 $0xD0000000, s2;
	s6 =	simm.s32 $0x108;
	_ =	swait.ge @!p0 [sflag:s8], $0x0  }
0x24: {  	s3 =	sadd.s32 $0x88, s3;
	s6 =	simm.s32 @!p1 $0x1082;
	[sflag:s4] =	ssyncset.s32 $0xFFFFF086  }
0x25: {  	[simem:s6], [sflag:s4] =	dma.local [hbm:s3], $0xF7A  }
0x26: {  	[smem:$0x3F9F] =	sst s1;
	(tag) =	ssettag s2;
	_ =	strace s9  }
0x27: {  	s1 =	sld [smem:$0x3FAF]  }
0x28: {  	s2 =	sld [smem:$0x3FB0]  }
0x29: {  	s4 =	sld [smem:$0x3FB2]  }
0x2a: {  	p0 =	seq.s32 s5, $0x0;
	s5 =	sld [smem:$0x3FB3]  }
0x2b: {  	s6 =	sld [smem:$0x3FB4]  }
0x2c: {  	s7 =	sld [smem:$0x3FB5]  }
0x2d: {  	s3 =	simm.s32 $0x108;
	s8 =	sld [smem:$0x3FB6]  }
0x2e: {  	s3 =	simm.s32 @!p0 $0x1082;
	s9 =	sld [smem:$0x3FB7]  }
0x2f: {  	lr =	sadd.s32 s0, s3;
	s0 =	sld [smem:$0x3FAE]  }
0x30: {  	s3 =	sld [smem:$0x3FB1]  }
0x31: {  	[smem:$0x3FBA] =	sst s10  }
0x32: {  	s10 =	sld [smem:$0x3FB8];
	_ =	sdelay $0x3  }
0x33: {  	p0 =	seq.s32 s10, $0x1;
	s10 =	sld [smem:$0x3FBA];
	_ =	sdelay $0x3  }
0x34: {  	[smem:$0x3FBA] =	sst s10  }
0x35: {  	s10 =	sld [smem:$0x3FB9];
	_ =	sdelay $0x3  }
0x36: {  	p1 =	seq.s32 s10, $0x1;
	s10 =	sld [smem:$0x3FBA];
	_ =	sdelay $0x3  }
0x37: {  	[smem:$0x3FBA] =	sst s10  }
0x38: {  	s10 =	sld [smem:$0x3FBB]  }
0x39: {  	_ = 	snop;
	(pc) =	sbr.ind lr, $3  }
0x3a: {  	_ = 	snop  }
0x3b: {  	_ = 	snop  }
0x3c: {  	p2 =	seq.s32 s10, $0x1;
	s10 =	sld [smem:$0x3FBA]  }
0x3d: {  	_ =	shalt  }
0x3e: {  	_ =	shalt  }
0x3f: {  	_ =	shalt  }
0x40: {  	_ =	shalt  }
0x41: {  	_ =	shalt  }
0x42: {  	_ =	shalt  }
0x43: {  	_ =	shalt  }
0x44: {  	_ =	shalt  }
0x45: {  	_ =	shalt  }
0x46: {  	_ =	shalt  }
0x47: {  	_ =	shalt  }
0x48: {  	_ =	shalt  }
0x49: {  	_ =	shalt  }
0x4a: {  	_ =	shalt  }
0x4b: {  	_ =	shalt  }
0x4c: {  	_ =	shalt  }
0x4d: {  	_ =	shalt  }
0x4e: {  	_ =	shalt  }
0x4f: {  	_ =	shalt  }
0x50: {  	_ =	shalt  }
0x51: {  	_ =	shalt  }
0x52: {  	_ =	shalt  }
0x53: {  	_ =	shalt  }
0x54: {  	_ =	shalt  }
0x55: {  	_ =	shalt  }
0x56: {  	_ =	shalt  }
0x57: {  	_ =	shalt  }
0x58: {  	_ =	shalt  }
0x59: {  	_ =	shalt  }
0x5a: {  	_ =	shalt  }
0x5b: {  	_ =	shalt  }
0x5c: {  	_ =	shalt  }
0x5d: {  	_ =	shalt  }
0x5e: {  	_ =	shalt  }
0x5f: {  	_ =	shalt  }
0x60: {  	_ =	shalt  }
0x61: {  	_ =	shalt  }
0x62: {  	_ =	shalt  }
0x63: {  	_ =	shalt  }
0x64: {  	_ =	shalt  }
0x65: {  	_ =	shalt  }
0x66: {  	_ =	shalt  }
0x67: {  	_ =	shalt  }
0x68: {  	_ =	shalt  }
0x69: {  	_ =	shalt  }
0x6a: {  	_ =	shalt  }
0x6b: {  	_ =	shalt  }
0x6c: {  	_ =	shalt  }
0x6d: {  	_ =	shalt  }
0x6e: {  	_ =	shalt  }
0x6f: {  	_ =	shalt  }
0x70: {  	_ =	shalt  }
0x71: {  	_ =	shalt  }
0x72: {  	_ =	shalt  }
0x73: {  	_ =	shalt  }
0x74: {  	_ =	shalt  }
0x75: {  	_ =	shalt  }
0x76: {  	_ =	shalt  }
0x77: {  	_ =	shalt  }
0x78: {  	_ =	shalt  }
0x79: {  	_ =	shalt  }
0x7a: {  	_ =	shalt  }
0x7b: {  	_ =	shalt  }
0x7c: {  	_ =	shalt  }
0x7d: {  	_ =	shalt  }
0x7e: {  	_ =	shalt  }
0x7f: {  	_ =	shalt  }
0x80: {  	_ =	shalt  }
0x81: {  	_ =	shalt  }
0x82: {  	_ =	shalt  }
0x83: {  	_ =	shalt  }
0x84: {  	_ =	shalt  }
0x85: {  	_ =	shalt  }
0x86: {  	_ =	shalt  }
0x87: {  	_ =	shalt  }
.Lfunc_end0:
.L_simem_size_0:
called_computation_lowered:
.L_overlay_start_0:
0x88: {  	s2 =	sld [smem:$0x3FD9]  }
0x89: {  	s3 =	sld [smem:$0x3FFE];
	_ =	sdelay $0x1  }
0x8a: {  	s1 =	srdreg.scid  }
0x8b: {  	s0 =	sand.u32 $0x1, s1  }
0x8c: {  	s14 =	sshll.u32 s0, $0xA;
	s2 =	sadd.s32 s3, s2  }
0x8d: {  	s2 =	sadd.s32 s2, s14  }
0x8e: {  	[smem:$0x3FC6] =	sst s2  }
0x8f: {  	_ = 	snop  }
0x90: {  	s2 =	sld [smem:$0x3FD0];
	_ =	sdelay $0x2  }
0x91: {  	s15 =	simm.s32 $0xA;
	s4 =	simm.s32 $0x10  }
0x92: {  	[smem:s4], [sflag:s15] =	dma.local [hbm:s2], $0x1  }
0x93: {  	_ =	swait.eq [sflag:s15], $0x1  }
0x94: {  	[sflag:s15] =	ssyncset.done $0x0  }
0x95: {  	[sflag:s15] =	ssyncadd.s32 $0xFFFFFFFF  }
0x96: {  	s16 =	sld [smem:$0x10];
	(tm) =	ssettm $0x1  }
0x97: {  	s17 =	sld [smem:$0x3FFB];
	_ =	sdelay $0x3  }
0x98: {  	_ =	strace s17  }
0x99: {  	s3 =	sld [smem:$0x3FFC];
	_ =	sdelay $0x3  }
0x9a: {  	_ =	strace s3  }
0x9b: {  	s3 =	sld [smem:$0x3FFD];
	_ =	sdelay $0x3  }
0x9c: {  	_ =	strace s3  }
0x9d: {  	_ =	strace $0x8FFFFFFF  }
0x9e: {  	s18 =	sld [smem:$0x3FDB];
	_ =	sdelay $0x1  }
0x9f: {  	s19 =	simm.s32 $_scs_section_size  }
0xa0: {  	s5 =	simm.s32 $_size__tile_overlayer_lowered;
	s6 =	simm.s32 $_tile_overlayer_lowered  }
0xa1: {  	s22 =	simm.s32 $0x1BFF;
	s21 =	sshll.u32 s6, $0x1;
	s3 =	sadd.s32 s19, s18  }
0xa2: {  	s7 =	simm.s32 $0x0;
	s20 =	sshll.u32 s5, $0x1;
	s5 =	sadd.s32 s21, s3  }
0xa3: {  	[timem:s7], [sflag:s22] =	dma.local [hbm:s5], s20  }
0xa4: {  	_ =	swait.ge [sflag:s22], s20  }
0xa5: {  	s4 =	ssub.s32 $0x0, s20;
	[sflag:s22] =	ssyncset.done $0x0  }
0xa6: {  	[sflag:s22] =	ssyncadd.s32 s4;
	_ =	sdelay $0x1  }
0xa7: {  	s23 =	simm.s32 $0x1B8B  }
0xa8: {  	_ =	swait.ge [sflag:s23], $0x1  }
0xa9: {  	[sflag:s23] =	ssyncset.done $0x0  }
0xaa: {  	s25 =	simm.s32 $0x1B8E;
	s24 =	sld [smem:$0x3FFE];
	[sflag:s23] =	ssyncadd.s32 $0xFFFFFFFF  }
0xab: {  	s26 =	simm.s32 $execute0_lowered;
	[smem:$0x3FD2] =	sst s25  }
0xac: {  	s5 =	sshll.u32 s26, $0x1;
	_ =	strace $0x80000046;
	[dreg:$0x1] =	wrdreg $0xFFFFFFFF  }
0xad: {  	s28 =	simm.s32 $_size_execute0_lowered;
	s3 =	sadd.s32 s3, s5;
	[dreg:$0x0] =	wrdreg $0x0  }
0xae: {  	s5 =	sshll.u32 s28, $0x1;
	[dreg:$0x2] =	wrdreg s3  }
0xaf: {  	[dreg:$0x3] =	wrdreg s5  }
0xb0: {  	[dreg:$0x4] =	wrdreg $0xC0  }
0xb1: {  	_ =	task [dreg:s7], $0x5FFFF  }
0xb2: {  	[dreg:$0x1] =	wrdreg $0xFFFFFFFF  }
0xb3: {  	[dreg:$0x0] =	wrdreg $0x60  }
0xb4: {  	[dreg:$0x2] =	wrdreg s16  }
0xb5: {  	[dreg:$0x3] =	wrdreg s24  }
0xb6: {  	[dreg:$0x4] =	wrdreg $0x9  }
0xb7: {  	_ =	task.clear_ibuf [dreg:s7], $0x5FFFF;
	_ =	strace $0x90000046  }
0xb8: {  	s29 =	simm.s32 $0x9;
	_ =	strace $0x80000048  }
0xb9: {  	_ =	swait.ge [sflag:s29], $0x1  }
0xba: {  	[sflag:s29] =	ssyncadd.s32 $0xFFFFFFFF  }
0xbb: {  	_ =	strace $0x90000048  }
0xbc: {  	_ =	sfence  }
0xbd: {  	s30 =	sld [smem:$0x0];
	_ =	sdelay $0x2  }
0xbe: {  	s31 =	sshll.u32 s1, $0xD;
	s1 =	sshrl.u32 s1, $0x2  }
0xbf: {  	s3 =	sand.u32 $0x4000, s31;
	s1 =	sadd.s32 s1, s30  }
0xc0: {  	s0 =	sor.u32 s3, s0;
	s1 =	sshll.u32 s1, $0x11  }
0xc1: {  	s0 =	sor.u32 s1, s0  }
0xc2: {  	s0 =	sadd.s32 $0x8F2B, s0  }
0xc3: {  	[sflag:s0] =	ssyncadd.remote.s32 $0x1  }
0xc4: {  	_ =	sfence.sel $0xFFFF  }
0xc5: {  	[dreg:$0x0] =	wrdreg $0xFFFFFFFF;
	(pc) =	sbr.abs _section_cstart, $3  }
0xc6: {  	[dreg:$0x1] =	wrdreg $0xFFFFFFFF  }
0xc7: {  	_ =	task.clear_ibuf [dreg:s7], $0x2FFFF;
	_ =	strace $0x9FFFFFFF  }
0xc8: {  	(tm) =	ssettm $0x7FFFFFFF  }
0xc9: {  	_ =	shalt  }
tec
execute0_lowered:
.L_overlay_start_1:
0x0: {  	(tag) =	ssettag $0x1  }
0x1: {  	s2 =	rddreg [dreg:$0x0];
	s0 =	srdreg.scid  }
0x2: {  	s5 =	rddreg [dreg:$0x1];
	s1 =	stileid.u32;
	s3 =	simm.s32 $0x0  }
0x3: {  	s8 =	simm.s32 $0x1;
	s11 =	simm.s32 $0x10000;
	s12 =	simm.s32 $0x100  }
0x4: {  	s13 =	simm.s32 $0x1000;
	s14 =	simm.s32 $0x10100;
	s7 =	sand.u32 $0x1, s0  }
0x5: {  	s15 =	simm.s32 $0x0;
	s0 =	rddreg [dreg:$0x2];
	s4 =	sor.u32 s7, s1  }
0x6: {  	[smem:$0x7FF] =	sst s3;
	p1 =	seq.s32 s7, $0x1;
	p0 =	seq.s32 s4, $0x0  }
0x7: {  	_ =	strace $0x80000047;
	s6 =	ssub.s32 $0x2, s7;
	p0 =	por !p0, !p1  }
0x8: {  	s7 =	sshll.u32 s7, $0xB;
	s4 =	sadd.s32 $0xA00, s5;
	p0 =	por !p0, !p0  }
0x9: {  	s5 =	sadd.s32 $0x2A00, s5;
	s9 =	sshrl.u32 s6, $0x1;
	s8 =	simm.s32 @!p0 $0x0  }
0xa: {  	s10 =	ssub.s32 s6, s9;
	s6 =	simm.s32 $0x1;
	s31 =	ssub.s32 s1, s8  }
0xb: {  	s10 =	smax.u32 s10, $0x1;
	s8 =	sshll.u32 s31, $0xC;
	s9 =	sshll.u32 s31, $0x13  }
.LBB2_1:
0xc: {  	[tilespmem:s3], [sflag:$0x1] =	stream.linear.gather [hbm4b:s2+s3], $0x10000, $0x38;
	[tilespmem:$0x18100] =	vst v63  }
0xd: {  	_ =	swait.ge [sflag:s6], $0x10000  }
0xe: {  	[sflag:s6] =	ssyncset.done $0x0  }
0xf: {  	s16 =	simm.s32 $0x0;
	[sflag:s6] =	ssyncadd.s32 $0xFFFF0000  }
.LBB2_2:
0x10: {  	s17 =	sshll.u32 s16, $0x8  }
0x11: {  	s17 =	sadd.s32 s7, s17  }
0x12: {  	s18 =	sadd.s32 s8, s17  }
0x13: {  	s18 =	sshrl.u32 s18, $0x3  }
0x14: {  	s19 =	simm.s32 $0x0;
	s18 =	sadd.s32 s4, s18  }
0x15: {  	[tilespmem:s11], [sflag:$0x1] =	stream.linear.gather [hbm4b:s18+s19], $0x100, $0x38;
	[tilespmem:$0x18100] =	vst v63  }
0x16: {  	_ =	swait.ge [sflag:s6], $0x100  }
0x17: {  	[sflag:s6] =	ssyncset.done $0x0  }
0x18: {  	s18 =	simm.s32 $0x0;
	[sflag:s6] =	ssyncadd.s32 $0xFFFFFF00  }
0x19: {  	v0 =	vld [tilespmem:s18+$0x10000];
	_ =	sdelay $0x7  }
0x1a: {  	v1 =	vld.idx.msk [tilespmem:v0+s3+$0x0], $0xffff  }
0x1b: {  	v2 =	vadd.s32 $0x200, v0;
	_ =	sdelay $0x3  }
0x1c: {  	[tilespmem:s18+$0x10100] =	vst v1  }
0x1d: {  	v1 =	vld.idx.msk [tilespmem:v2+s3+$0x0], $0xffff  }
0x1e: {  	v2 =	vadd.s32 $0x400, v0;
	_ =	sdelay $0x3  }
0x1f: {  	[tilespmem:s18+$0x10200] =	vst v1  }
0x20: {  	v1 =	vld.idx.msk [tilespmem:v2+s3+$0x0], $0xffff  }
0x21: {  	v2 =	vadd.s32 $0x600, v0;
	_ =	sdelay $0x3  }
0x22: {  	[tilespmem:s18+$0x10300] =	vst v1  }
0x23: {  	v1 =	vld.idx.msk [tilespmem:v2+s3+$0x0], $0xffff  }
0x24: {  	v2 =	vadd.s32 $0x800, v0;
	_ =	sdelay $0x3  }
0x25: {  	[tilespmem:s18+$0x10400] =	vst v1  }
0x26: {  	v1 =	vld.idx.msk [tilespmem:v2+s3+$0x0], $0xffff  }
0x27: {  	v2 =	vadd.s32 $0xA00, v0;
	_ =	sdelay $0x3  }
0x28: {  	[tilespmem:s18+$0x10500] =	vst v1  }
0x29: {  	v1 =	vld.idx.msk [tilespmem:v2+s3+$0x0], $0xffff  }
0x2a: {  	v2 =	vadd.s32 $0xC00, v0;
	_ =	sdelay $0x3  }
0x2b: {  	[tilespmem:s18+$0x10600] =	vst v1  }
0x2c: {  	v1 =	vld.idx.msk [tilespmem:v2+s3+$0x0], $0xffff  }
0x2d: {  	v2 =	vadd.s32 $0xE00, v0;
	_ =	sdelay $0x3  }
0x2e: {  	[tilespmem:s18+$0x10700] =	vst v1  }
0x2f: {  	v1 =	vld.idx.msk [tilespmem:v2+s3+$0x0], $0xffff  }
0x30: {  	v2 =	vadd.s32 $0x1000, v0;
	_ =	sdelay $0x3  }
0x31: {  	[tilespmem:s18+$0x10800] =	vst v1  }
0x32: {  	v1 =	vld.idx.msk [tilespmem:v2+s3+$0x0], $0xffff  }
0x33: {  	v2 =	vadd.s32 $0x1200, v0;
	_ =	sdelay $0x3  }
0x34: {  	[tilespmem:s18+$0x10900] =	vst v1  }
0x35: {  	v1 =	vld.idx.msk [tilespmem:v2+s3+$0x0], $0xffff  }
0x36: {  	v2 =	vadd.s32 $0x1400, v0;
	_ =	sdelay $0x3  }
0x37: {  	[tilespmem:s18+$0x10A00] =	vst v1  }
0x38: {  	v1 =	vld.idx.msk [tilespmem:v2+s3+$0x0], $0xffff  }
0x39: {  	v2 =	vadd.s32 $0x1600, v0;
	_ =	sdelay $0x3  }
0x3a: {  	[tilespmem:s18+$0x10B00] =	vst v1  }
0x3b: {  	v1 =	vld.idx.msk [tilespmem:v2+s3+$0x0], $0xffff  }
0x3c: {  	v2 =	vadd.s32 $0x1800, v0;
	_ =	sdelay $0x3  }
0x3d: {  	[tilespmem:s18+$0x10C00] =	vst v1  }
0x3e: {  	v1 =	vld.idx.msk [tilespmem:v2+s3+$0x0], $0xffff  }
0x3f: {  	v2 =	vadd.s32 $0x1A00, v0;
	_ =	sdelay $0x3  }
0x40: {  	[tilespmem:s18+$0x10D00] =	vst v1  }
0x41: {  	v1 =	vld.idx.msk [tilespmem:v2+s3+$0x0], $0xffff  }
0x42: {  	v2 =	vadd.s32 $0x1C00, v0;
	_ =	sdelay $0x3  }
0x43: {  	[tilespmem:s18+$0x10E00] =	vst v1  }
0x44: {  	v1 =	vld.idx.msk [tilespmem:v2+s3+$0x0], $0xffff  }
0x45: {  	v2 =	vadd.s32 $0x1E00, v0;
	_ =	sdelay $0x3  }
0x46: {  	[tilespmem:s18+$0x10F00] =	vst v1  }
0x47: {  	v1 =	vld.idx.msk [tilespmem:v2+s3+$0x0], $0xffff  }
0x48: {  	v2 =	vadd.s32 $0x2000, v0;
	_ =	sdelay $0x3  }
0x49: {  	[tilespmem:s18+$0x11000] =	vst v1  }
0x4a: {  	v1 =	vld.idx.msk [tilespmem:v2+s3+$0x0], $0xffff  }
0x4b: {  	v2 =	vadd.s32 $0x2200, v0;
	_ =	sdelay $0x3  }
0x4c: {  	[tilespmem:s18+$0x11100] =	vst v1  }
0x4d: {  	v1 =	vld.idx.msk [tilespmem:v2+s3+$0x0], $0xffff  }
0x4e: {  	v2 =	vadd.s32 $0x2400, v0;
	_ =	sdelay $0x3  }
0x4f: {  	[tilespmem:s18+$0x11200] =	vst v1  }
0x50: {  	v1 =	vld.idx.msk [tilespmem:v2+s3+$0x0], $0xffff  }
0x51: {  	v2 =	vadd.s32 $0x2600, v0;
	_ =	sdelay $0x3  }
0x52: {  	[tilespmem:s18+$0x11300] =	vst v1  }
0x53: {  	v1 =	vld.idx.msk [tilespmem:v2+s3+$0x0], $0xffff  }
0x54: {  	v2 =	vadd.s32 $0x2800, v0;
	_ =	sdelay $0x3  }
0x55: {  	[tilespmem:s18+$0x11400] =	vst v1  }
0x56: {  	v1 =	vld.idx.msk [tilespmem:v2+s3+$0x0], $0xffff  }
0x57: {  	v2 =	vadd.s32 $0x2A00, v0;
	_ =	sdelay $0x3  }
0x58: {  	[tilespmem:s18+$0x11500] =	vst v1  }
0x59: {  	v1 =	vld.idx.msk [tilespmem:v2+s3+$0x0], $0xffff  }
0x5a: {  	v2 =	vadd.s32 $0x2C00, v0;
	_ =	sdelay $0x3  }
0x5b: {  	[tilespmem:s18+$0x11600] =	vst v1  }
0x5c: {  	v1 =	vld.idx.msk [tilespmem:v2+s3+$0x0], $0xffff  }
0x5d: {  	v2 =	vadd.s32 $0x2E00, v0;
	_ =	sdelay $0x3  }
0x5e: {  	[tilespmem:s18+$0x11700] =	vst v1  }
0x5f: {  	v1 =	vld.idx.msk [tilespmem:v2+s3+$0x0], $0xffff  }
0x60: {  	v2 =	vadd.s32 $0x3000, v0;
	_ =	sdelay $0x3  }
0x61: {  	[tilespmem:s18+$0x11800] =	vst v1  }
0x62: {  	v1 =	vld.idx.msk [tilespmem:v2+s3+$0x0], $0xffff  }
0x63: {  	v2 =	vadd.s32 $0x3200, v0;
	_ =	sdelay $0x3  }
0x64: {  	[tilespmem:s18+$0x11900] =	vst v1  }
0x65: {  	v1 =	vld.idx.msk [tilespmem:v2+s3+$0x0], $0xffff  }
0x66: {  	v2 =	vadd.s32 $0x3400, v0;
	_ =	sdelay $0x3  }
0x67: {  	[tilespmem:s18+$0x11A00] =	vst v1  }
0x68: {  	v1 =	vld.idx.msk [tilespmem:v2+s3+$0x0], $0xffff  }
0x69: {  	v2 =	vadd.s32 $0x3600, v0;
	_ =	sdelay $0x3  }
0x6a: {  	[tilespmem:s18+$0x11B00] =	vst v1  }
0x6b: {  	v1 =	vld.idx.msk [tilespmem:v2+s3+$0x0], $0xffff  }
0x6c: {  	v2 =	vadd.s32 $0x3800, v0;
	_ =	sdelay $0x3  }
0x6d: {  	[tilespmem:s18+$0x11C00] =	vst v1  }
0x6e: {  	v1 =	vld.idx.msk [tilespmem:v2+s3+$0x0], $0xffff  }
0x6f: {  	v2 =	vadd.s32 $0x3A00, v0;
	_ =	sdelay $0x3  }
0x70: {  	[tilespmem:s18+$0x11D00] =	vst v1  }
0x71: {  	v1 =	vld.idx.msk [tilespmem:v2+s3+$0x0], $0xffff  }
0x72: {  	v2 =	vadd.s32 $0x3C00, v0;
	_ =	sdelay $0x3  }
0x73: {  	[tilespmem:s18+$0x11E00] =	vst v1  }
0x74: {  	v1 =	vld.idx.msk [tilespmem:v2+s3+$0x0], $0xffff  }
0x75: {  	v2 =	vadd.s32 $0x3E00, v0;
	_ =	sdelay $0x3  }
0x76: {  	[tilespmem:s18+$0x11F00] =	vst v1  }
0x77: {  	v1 =	vld.idx.msk [tilespmem:v2+s3+$0x0], $0xffff  }
0x78: {  	v2 =	vadd.s32 $0x4000, v0;
	_ =	sdelay $0x3  }
0x79: {  	[tilespmem:s18+$0x12000] =	vst v1  }
0x7a: {  	v1 =	vld.idx.msk [tilespmem:v2+s3+$0x0], $0xffff  }
0x7b: {  	v2 =	vadd.s32 $0x4200, v0;
	_ =	sdelay $0x3  }
0x7c: {  	[tilespmem:s18+$0x12100] =	vst v1  }
0x7d: {  	v1 =	vld.idx.msk [tilespmem:v2+s3+$0x0], $0xffff  }
0x7e: {  	v2 =	vadd.s32 $0x4400, v0;
	_ =	sdelay $0x3  }
0x7f: {  	[tilespmem:s18+$0x12200] =	vst v1  }
0x80: {  	v1 =	vld.idx.msk [tilespmem:v2+s3+$0x0], $0xffff  }
0x81: {  	v2 =	vadd.s32 $0x4600, v0;
	_ =	sdelay $0x3  }
0x82: {  	[tilespmem:s18+$0x12300] =	vst v1  }
0x83: {  	v1 =	vld.idx.msk [tilespmem:v2+s3+$0x0], $0xffff  }
0x84: {  	v2 =	vadd.s32 $0x4800, v0;
	_ =	sdelay $0x3  }
0x85: {  	[tilespmem:s18+$0x12400] =	vst v1  }
0x86: {  	v1 =	vld.idx.msk [tilespmem:v2+s3+$0x0], $0xffff  }
0x87: {  	v2 =	vadd.s32 $0x4A00, v0;
	_ =	sdelay $0x3  }
0x88: {  	[tilespmem:s18+$0x12500] =	vst v1  }
0x89: {  	v1 =	vld.idx.msk [tilespmem:v2+s3+$0x0], $0xffff  }
0x8a: {  	v2 =	vadd.s32 $0x4C00, v0;
	_ =	sdelay $0x3  }
0x8b: {  	[tilespmem:s18+$0x12600] =	vst v1  }
0x8c: {  	v1 =	vld.idx.msk [tilespmem:v2+s3+$0x0], $0xffff  }
0x8d: {  	v2 =	vadd.s32 $0x4E00, v0;
	_ =	sdelay $0x3  }
0x8e: {  	[tilespmem:s18+$0x12700] =	vst v1  }
0x8f: {  	v1 =	vld.idx.msk [tilespmem:v2+s3+$0x0], $0xffff  }
0x90: {  	v2 =	vadd.s32 $0x5000, v0;
	_ =	sdelay $0x3  }
0x91: {  	[tilespmem:s18+$0x12800] =	vst v1  }
0x92: {  	v1 =	vld.idx.msk [tilespmem:v2+s3+$0x0], $0xffff  }
0x93: {  	v2 =	vadd.s32 $0x5200, v0;
	_ =	sdelay $0x3  }
0x94: {  	[tilespmem:s18+$0x12900] =	vst v1  }
0x95: {  	v1 =	vld.idx.msk [tilespmem:v2+s3+$0x0], $0xffff  }
0x96: {  	v2 =	vadd.s32 $0x5400, v0;
	_ =	sdelay $0x3  }
0x97: {  	[tilespmem:s18+$0x12A00] =	vst v1  }
0x98: {  	v1 =	vld.idx.msk [tilespmem:v2+s3+$0x0], $0xffff  }
0x99: {  	v2 =	vadd.s32 $0x5600, v0;
	_ =	sdelay $0x3  }
0x9a: {  	[tilespmem:s18+$0x12B00] =	vst v1  }
0x9b: {  	v1 =	vld.idx.msk [tilespmem:v2+s3+$0x0], $0xffff  }
0x9c: {  	v2 =	vadd.s32 $0x5800, v0;
	_ =	sdelay $0x3  }
0x9d: {  	[tilespmem:s18+$0x12C00] =	vst v1  }
0x9e: {  	v1 =	vld.idx.msk [tilespmem:v2+s3+$0x0], $0xffff  }
0x9f: {  	v2 =	vadd.s32 $0x5A00, v0;
	_ =	sdelay $0x3  }
0xa0: {  	[tilespmem:s18+$0x12D00] =	vst v1  }
0xa1: {  	v1 =	vld.idx.msk [tilespmem:v2+s3+$0x0], $0xffff  }
0xa2: {  	v2 =	vadd.s32 $0x5C00, v0;
	_ =	sdelay $0x3  }
0xa3: {  	[tilespmem:s18+$0x12E00] =	vst v1  }
0xa4: {  	v1 =	vld.idx.msk [tilespmem:v2+s3+$0x0], $0xffff  }
0xa5: {  	v2 =	vadd.s32 $0x5E00, v0;
	_ =	sdelay $0x3  }
0xa6: {  	[tilespmem:s18+$0x12F00] =	vst v1  }
0xa7: {  	v1 =	vld.idx.msk [tilespmem:v2+s3+$0x0], $0xffff  }
0xa8: {  	v2 =	vadd.s32 $0x6000, v0;
	_ =	sdelay $0x3  }
0xa9: {  	[tilespmem:s18+$0x13000] =	vst v1  }
0xaa: {  	v1 =	vld.idx.msk [tilespmem:v2+s3+$0x0], $0xffff  }
0xab: {  	v2 =	vadd.s32 $0x6200, v0;
	_ =	sdelay $0x3  }
0xac: {  	[tilespmem:s18+$0x13100] =	vst v1  }
0xad: {  	v1 =	vld.idx.msk [tilespmem:v2+s3+$0x0], $0xffff  }
0xae: {  	v2 =	vadd.s32 $0x6400, v0;
	_ =	sdelay $0x3  }
0xaf: {  	[tilespmem:s18+$0x13200] =	vst v1  }
0xb0: {  	v1 =	vld.idx.msk [tilespmem:v2+s3+$0x0], $0xffff  }
0xb1: {  	v2 =	vadd.s32 $0x6600, v0;
	_ =	sdelay $0x3  }
0xb2: {  	[tilespmem:s18+$0x13300] =	vst v1  }
0xb3: {  	v1 =	vld.idx.msk [tilespmem:v2+s3+$0x0], $0xffff  }
0xb4: {  	v2 =	vadd.s32 $0x6800, v0;
	_ =	sdelay $0x3  }
0xb5: {  	[tilespmem:s18+$0x13400] =	vst v1  }
0xb6: {  	v1 =	vld.idx.msk [tilespmem:v2+s3+$0x0], $0xffff  }
0xb7: {  	v2 =	vadd.s32 $0x6A00, v0;
	_ =	sdelay $0x3  }
0xb8: {  	[tilespmem:s18+$0x13500] =	vst v1  }
0xb9: {  	v1 =	vld.idx.msk [tilespmem:v2+s3+$0x0], $0xffff  }
0xba: {  	v2 =	vadd.s32 $0x6C00, v0;
	_ =	sdelay $0x3  }
0xbb: {  	[tilespmem:s18+$0x13600] =	vst v1  }
0xbc: {  	v1 =	vld.idx.msk [tilespmem:v2+s3+$0x0], $0xffff  }
0xbd: {  	v2 =	vadd.s32 $0x6E00, v0;
	_ =	sdelay $0x3  }
0xbe: {  	[tilespmem:s18+$0x13700] =	vst v1  }
0xbf: {  	v1 =	vld.idx.msk [tilespmem:v2+s3+$0x0], $0xffff  }
0xc0: {  	v2 =	vadd.s32 $0x7000, v0;
	_ =	sdelay $0x3  }
0xc1: {  	[tilespmem:s18+$0x13800] =	vst v1  }
0xc2: {  	v1 =	vld.idx.msk [tilespmem:v2+s3+$0x0], $0xffff  }
0xc3: {  	v2 =	vadd.s32 $0x7200, v0;
	_ =	sdelay $0x3  }
0xc4: {  	[tilespmem:s18+$0x13900] =	vst v1  }
0xc5: {  	v1 =	vld.idx.msk [tilespmem:v2+s3+$0x0], $0xffff  }
0xc6: {  	v2 =	vadd.s32 $0x7400, v0;
	_ =	sdelay $0x3  }
0xc7: {  	[tilespmem:s18+$0x13A00] =	vst v1  }
0xc8: {  	v1 =	vld.idx.msk [tilespmem:v2+s3+$0x0], $0xffff  }
0xc9: {  	v2 =	vadd.s32 $0x7600, v0;
	_ =	sdelay $0x3  }
0xca: {  	[tilespmem:s18+$0x13B00] =	vst v1  }
0xcb: {  	v1 =	vld.idx.msk [tilespmem:v2+s3+$0x0], $0xffff  }
0xcc: {  	v2 =	vadd.s32 $0x7800, v0;
	_ =	sdelay $0x3  }
0xcd: {  	[tilespmem:s18+$0x13C00] =	vst v1  }
0xce: {  	v1 =	vld.idx.msk [tilespmem:v2+s3+$0x0], $0xffff  }
0xcf: {  	v2 =	vadd.s32 $0x7A00, v0;
	_ =	sdelay $0x3  }
0xd0: {  	[tilespmem:s18+$0x13D00] =	vst v1  }
0xd1: {  	v1 =	vld.idx.msk [tilespmem:v2+s3+$0x0], $0xffff  }
0xd2: {  	v2 =	vadd.s32 $0x7C00, v0;
	_ =	sdelay $0x3  }
0xd3: {  	[tilespmem:s18+$0x13E00] =	vst v1  }
0xd4: {  	v1 =	vld.idx.msk [tilespmem:v2+s3+$0x0], $0xffff  }
0xd5: {  	v2 =	vadd.s32 $0x7E00, v0;
	_ =	sdelay $0x3  }
0xd6: {  	[tilespmem:s18+$0x13F00] =	vst v1  }
0xd7: {  	v1 =	vld.idx.msk [tilespmem:v2+s3+$0x0], $0xffff  }
0xd8: {  	v2 =	vadd.s32 $0x8000, v0;
	_ =	sdelay $0x3  }
0xd9: {  	[tilespmem:s18+$0x14000] =	vst v1  }
0xda: {  	v1 =	vld.idx.msk [tilespmem:v2+s3+$0x0], $0xffff  }
0xdb: {  	v2 =	vadd.s32 $0x8200, v0;
	_ =	sdelay $0x3  }
0xdc: {  	[tilespmem:s18+$0x14100] =	vst v1  }
0xdd: {  	v1 =	vld.idx.msk [tilespmem:v2+s3+$0x0], $0xffff  }
0xde: {  	v2 =	vadd.s32 $0x8400, v0;
	_ =	sdelay $0x3  }
0xdf: {  	[tilespmem:s18+$0x14200] =	vst v1  }
0xe0: {  	v1 =	vld.idx.msk [tilespmem:v2+s3+$0x0], $0xffff  }
0xe1: {  	v2 =	vadd.s32 $0x8600, v0;
	_ =	sdelay $0x3  }
0xe2: {  	[tilespmem:s18+$0x14300] =	vst v1  }
0xe3: {  	v1 =	vld.idx.msk [tilespmem:v2+s3+$0x0], $0xffff  }
0xe4: {  	v2 =	vadd.s32 $0x8800, v0;
	_ =	sdelay $0x3  }
0xe5: {  	[tilespmem:s18+$0x14400] =	vst v1  }
0xe6: {  	v1 =	vld.idx.msk [tilespmem:v2+s3+$0x0], $0xffff  }
0xe7: {  	v2 =	vadd.s32 $0x8A00, v0;
	_ =	sdelay $0x3  }
0xe8: {  	[tilespmem:s18+$0x14500] =	vst v1  }
0xe9: {  	v1 =	vld.idx.msk [tilespmem:v2+s3+$0x0], $0xffff  }
0xea: {  	v2 =	vadd.s32 $0x8C00, v0;
	_ =	sdelay $0x3  }
0xeb: {  	[tilespmem:s18+$0x14600] =	vst v1  }
0xec: {  	v1 =	vld.idx.msk [tilespmem:v2+s3+$0x0], $0xffff  }
0xed: {  	v2 =	vadd.s32 $0x8E00, v0;
	_ =	sdelay $0x3  }
0xee: {  	[tilespmem:s18+$0x14700] =	vst v1  }
0xef: {  	v1 =	vld.idx.msk [tilespmem:v2+s3+$0x0], $0xffff  }
0xf0: {  	v2 =	vadd.s32 $0x9000, v0;
	_ =	sdelay $0x3  }
0xf1: {  	[tilespmem:s18+$0x14800] =	vst v1  }
0xf2: {  	v1 =	vld.idx.msk [tilespmem:v2+s3+$0x0], $0xffff  }
0xf3: {  	v2 =	vadd.s32 $0x9200, v0;
	_ =	sdelay $0x3  }
0xf4: {  	[tilespmem:s18+$0x14900] =	vst v1  }
0xf5: {  	v1 =	vld.idx.msk [tilespmem:v2+s3+$0x0], $0xffff  }
0xf6: {  	v2 =	vadd.s32 $0x9400, v0;
	_ =	sdelay $0x3  }
0xf7: {  	[tilespmem:s18+$0x14A00] =	vst v1  }
0xf8: {  	v1 =	vld.idx.msk [tilespmem:v2+s3+$0x0], $0xffff  }
0xf9: {  	v2 =	vadd.s32 $0x9600, v0;
	_ =	sdelay $0x3  }
0xfa: {  	[tilespmem:s18+$0x14B00] =	vst v1  }
0xfb: {  	v1 =	vld.idx.msk [tilespmem:v2+s3+$0x0], $0xffff  }
0xfc: {  	v2 =	vadd.s32 $0x9800, v0;
	_ =	sdelay $0x3  }
0xfd: {  	[tilespmem:s18+$0x14C00] =	vst v1  }
0xfe: {  	v1 =	vld.idx.msk [tilespmem:v2+s3+$0x0], $0xffff  }
0xff: {  	v2 =	vadd.s32 $0x9A00, v0;
	_ =	sdelay $0x3  }
0x100: {  	[tilespmem:s18+$0x14D00] =	vst v1  }
0x101: {  	v1 =	vld.idx.msk [tilespmem:v2+s3+$0x0], $0xffff  }
0x102: {  	v2 =	vadd.s32 $0x9C00, v0;
	_ =	sdelay $0x3  }
0x103: {  	[tilespmem:s18+$0x14E00] =	vst v1  }
0x104: {  	v1 =	vld.idx.msk [tilespmem:v2+s3+$0x0], $0xffff  }
0x105: {  	v2 =	vadd.s32 $0x9E00, v0;
	_ =	sdelay $0x3  }
0x106: {  	[tilespmem:s18+$0x14F00] =	vst v1  }
0x107: {  	v1 =	vld.idx.msk [tilespmem:v2+s3+$0x0], $0xffff  }
0x108: {  	v2 =	vadd.s32 $0xA000, v0;
	_ =	sdelay $0x3  }
0x109: {  	[tilespmem:s18+$0x15000] =	vst v1  }
0x10a: {  	v1 =	vld.idx.msk [tilespmem:v2+s3+$0x0], $0xffff  }
0x10b: {  	v2 =	vadd.s32 $0xA200, v0;
	_ =	sdelay $0x3  }
0x10c: {  	[tilespmem:s18+$0x15100] =	vst v1  }
0x10d: {  	v1 =	vld.idx.msk [tilespmem:v2+s3+$0x0], $0xffff  }
0x10e: {  	v2 =	vadd.s32 $0xA400, v0;
	_ =	sdelay $0x3  }
0x10f: {  	[tilespmem:s18+$0x15200] =	vst v1  }
0x110: {  	v1 =	vld.idx.msk [tilespmem:v2+s3+$0x0], $0xffff  }
0x111: {  	v2 =	vadd.s32 $0xA600, v0;
	_ =	sdelay $0x3  }
0x112: {  	[tilespmem:s18+$0x15300] =	vst v1  }
0x113: {  	v1 =	vld.idx.msk [tilespmem:v2+s3+$0x0], $0xffff  }
0x114: {  	v2 =	vadd.s32 $0xA800, v0;
	_ =	sdelay $0x3  }
0x115: {  	[tilespmem:s18+$0x15400] =	vst v1  }
0x116: {  	v1 =	vld.idx.msk [tilespmem:v2+s3+$0x0], $0xffff  }
0x117: {  	v2 =	vadd.s32 $0xAA00, v0;
	_ =	sdelay $0x3  }
0x118: {  	[tilespmem:s18+$0x15500] =	vst v1  }
0x119: {  	v1 =	vld.idx.msk [tilespmem:v2+s3+$0x0], $0xffff  }
0x11a: {  	v2 =	vadd.s32 $0xAC00, v0;
	_ =	sdelay $0x3  }
0x11b: {  	[tilespmem:s18+$0x15600] =	vst v1  }
0x11c: {  	v1 =	vld.idx.msk [tilespmem:v2+s3+$0x0], $0xffff  }
0x11d: {  	v2 =	vadd.s32 $0xAE00, v0;
	_ =	sdelay $0x3  }
0x11e: {  	[tilespmem:s18+$0x15700] =	vst v1  }
0x11f: {  	v1 =	vld.idx.msk [tilespmem:v2+s3+$0x0], $0xffff  }
0x120: {  	v2 =	vadd.s32 $0xB000, v0;
	_ =	sdelay $0x3  }
0x121: {  	[tilespmem:s18+$0x15800] =	vst v1  }
0x122: {  	v1 =	vld.idx.msk [tilespmem:v2+s3+$0x0], $0xffff  }
0x123: {  	v2 =	vadd.s32 $0xB200, v0;
	_ =	sdelay $0x3  }
0x124: {  	[tilespmem:s18+$0x15900] =	vst v1  }
0x125: {  	v1 =	vld.idx.msk [tilespmem:v2+s3+$0x0], $0xffff  }
0x126: {  	v2 =	vadd.s32 $0xB400, v0;
	_ =	sdelay $0x3  }
0x127: {  	[tilespmem:s18+$0x15A00] =	vst v1  }
0x128: {  	v1 =	vld.idx.msk [tilespmem:v2+s3+$0x0], $0xffff  }
0x129: {  	v2 =	vadd.s32 $0xB600, v0;
	_ =	sdelay $0x3  }
0x12a: {  	[tilespmem:s18+$0x15B00] =	vst v1  }
0x12b: {  	v1 =	vld.idx.msk [tilespmem:v2+s3+$0x0], $0xffff  }
0x12c: {  	v2 =	vadd.s32 $0xB800, v0;
	_ =	sdelay $0x3  }
0x12d: {  	[tilespmem:s18+$0x15C00] =	vst v1  }
0x12e: {  	v1 =	vld.idx.msk [tilespmem:v2+s3+$0x0], $0xffff  }
0x12f: {  	v2 =	vadd.s32 $0xBA00, v0;
	_ =	sdelay $0x3  }
0x130: {  	[tilespmem:s18+$0x15D00] =	vst v1  }
0x131: {  	v1 =	vld.idx.msk [tilespmem:v2+s3+$0x0], $0xffff  }
0x132: {  	v2 =	vadd.s32 $0xBC00, v0;
	_ =	sdelay $0x3  }
0x133: {  	[tilespmem:s18+$0x15E00] =	vst v1  }
0x134: {  	v1 =	vld.idx.msk [tilespmem:v2+s3+$0x0], $0xffff  }
0x135: {  	v2 =	vadd.s32 $0xBE00, v0;
	_ =	sdelay $0x3  }
0x136: {  	[tilespmem:s18+$0x15F00] =	vst v1  }
0x137: {  	v1 =	vld.idx.msk [tilespmem:v2+s3+$0x0], $0xffff  }
0x138: {  	v2 =	vadd.s32 $0xC000, v0;
	_ =	sdelay $0x3  }
0x139: {  	[tilespmem:s18+$0x16000] =	vst v1  }
0x13a: {  	v1 =	vld.idx.msk [tilespmem:v2+s3+$0x0], $0xffff  }
0x13b: {  	v2 =	vadd.s32 $0xC200, v0;
	_ =	sdelay $0x3  }
0x13c: {  	[tilespmem:s18+$0x16100] =	vst v1  }
0x13d: {  	v1 =	vld.idx.msk [tilespmem:v2+s3+$0x0], $0xffff  }
0x13e: {  	v2 =	vadd.s32 $0xC400, v0;
	_ =	sdelay $0x3  }
0x13f: {  	[tilespmem:s18+$0x16200] =	vst v1  }
0x140: {  	v1 =	vld.idx.msk [tilespmem:v2+s3+$0x0], $0xffff  }
0x141: {  	v2 =	vadd.s32 $0xC600, v0;
	_ =	sdelay $0x3  }
0x142: {  	[tilespmem:s18+$0x16300] =	vst v1  }
0x143: {  	v1 =	vld.idx.msk [tilespmem:v2+s3+$0x0], $0xffff  }
0x144: {  	v2 =	vadd.s32 $0xC800, v0;
	_ =	sdelay $0x3  }
0x145: {  	[tilespmem:s18+$0x16400] =	vst v1  }
0x146: {  	v1 =	vld.idx.msk [tilespmem:v2+s3+$0x0], $0xffff  }
0x147: {  	v2 =	vadd.s32 $0xCA00, v0;
	_ =	sdelay $0x3  }
0x148: {  	[tilespmem:s18+$0x16500] =	vst v1  }
0x149: {  	v1 =	vld.idx.msk [tilespmem:v2+s3+$0x0], $0xffff  }
0x14a: {  	v2 =	vadd.s32 $0xCC00, v0;
	_ =	sdelay $0x3  }
0x14b: {  	[tilespmem:s18+$0x16600] =	vst v1  }
0x14c: {  	v1 =	vld.idx.msk [tilespmem:v2+s3+$0x0], $0xffff  }
0x14d: {  	v2 =	vadd.s32 $0xCE00, v0;
	_ =	sdelay $0x3  }
0x14e: {  	[tilespmem:s18+$0x16700] =	vst v1  }
0x14f: {  	v1 =	vld.idx.msk [tilespmem:v2+s3+$0x0], $0xffff  }
0x150: {  	v2 =	vadd.s32 $0xD000, v0;
	_ =	sdelay $0x3  }
0x151: {  	[tilespmem:s18+$0x16800] =	vst v1  }
0x152: {  	v1 =	vld.idx.msk [tilespmem:v2+s3+$0x0], $0xffff  }
0x153: {  	v2 =	vadd.s32 $0xD200, v0;
	_ =	sdelay $0x3  }
0x154: {  	[tilespmem:s18+$0x16900] =	vst v1  }
0x155: {  	v1 =	vld.idx.msk [tilespmem:v2+s3+$0x0], $0xffff  }
0x156: {  	v2 =	vadd.s32 $0xD400, v0;
	_ =	sdelay $0x3  }
0x157: {  	[tilespmem:s18+$0x16A00] =	vst v1  }
0x158: {  	v1 =	vld.idx.msk [tilespmem:v2+s3+$0x0], $0xffff  }
0x159: {  	v2 =	vadd.s32 $0xD600, v0;
	_ =	sdelay $0x3  }
0x15a: {  	[tilespmem:s18+$0x16B00] =	vst v1  }
0x15b: {  	v1 =	vld.idx.msk [tilespmem:v2+s3+$0x0], $0xffff  }
0x15c: {  	v2 =	vadd.s32 $0xD800, v0;
	_ =	sdelay $0x3  }
0x15d: {  	[tilespmem:s18+$0x16C00] =	vst v1  }
0x15e: {  	v1 =	vld.idx.msk [tilespmem:v2+s3+$0x0], $0xffff  }
0x15f: {  	v2 =	vadd.s32 $0xDA00, v0;
	_ =	sdelay $0x3  }
0x160: {  	[tilespmem:s18+$0x16D00] =	vst v1  }
0x161: {  	v1 =	vld.idx.msk [tilespmem:v2+s3+$0x0], $0xffff  }
0x162: {  	v2 =	vadd.s32 $0xDC00, v0;
	_ =	sdelay $0x3  }
0x163: {  	[tilespmem:s18+$0x16E00] =	vst v1  }
0x164: {  	v1 =	vld.idx.msk [tilespmem:v2+s3+$0x0], $0xffff  }
0x165: {  	v2 =	vadd.s32 $0xDE00, v0;
	_ =	sdelay $0x3  }
0x166: {  	[tilespmem:s18+$0x16F00] =	vst v1  }
0x167: {  	v1 =	vld.idx.msk [tilespmem:v2+s3+$0x0], $0xffff  }
0x168: {  	v2 =	vadd.s32 $0xE000, v0;
	_ =	sdelay $0x3  }
0x169: {  	[tilespmem:s18+$0x17000] =	vst v1  }
0x16a: {  	v1 =	vld.idx.msk [tilespmem:v2+s3+$0x0], $0xffff  }
0x16b: {  	v2 =	vadd.s32 $0xE200, v0;
	_ =	sdelay $0x3  }
0x16c: {  	[tilespmem:s18+$0x17100] =	vst v1  }
0x16d: {  	v1 =	vld.idx.msk [tilespmem:v2+s3+$0x0], $0xffff  }
0x16e: {  	v2 =	vadd.s32 $0xE400, v0;
	_ =	sdelay $0x3  }
0x16f: {  	[tilespmem:s18+$0x17200] =	vst v1  }
0x170: {  	v1 =	vld.idx.msk [tilespmem:v2+s3+$0x0], $0xffff  }
0x171: {  	v2 =	vadd.s32 $0xE600, v0;
	_ =	sdelay $0x3  }
0x172: {  	[tilespmem:s18+$0x17300] =	vst v1  }
0x173: {  	v1 =	vld.idx.msk [tilespmem:v2+s3+$0x0], $0xffff  }
0x174: {  	v2 =	vadd.s32 $0xE800, v0;
	_ =	sdelay $0x3  }
0x175: {  	[tilespmem:s18+$0x17400] =	vst v1  }
0x176: {  	v1 =	vld.idx.msk [tilespmem:v2+s3+$0x0], $0xffff  }
0x177: {  	v2 =	vadd.s32 $0xEA00, v0;
	_ =	sdelay $0x3  }
0x178: {  	[tilespmem:s18+$0x17500] =	vst v1  }
0x179: {  	v1 =	vld.idx.msk [tilespmem:v2+s3+$0x0], $0xffff  }
0x17a: {  	v2 =	vadd.s32 $0xEC00, v0;
	_ =	sdelay $0x3  }
0x17b: {  	[tilespmem:s18+$0x17600] =	vst v1  }
0x17c: {  	v1 =	vld.idx.msk [tilespmem:v2+s3+$0x0], $0xffff  }
0x17d: {  	v2 =	vadd.s32 $0xEE00, v0;
	_ =	sdelay $0x3  }
0x17e: {  	[tilespmem:s18+$0x17700] =	vst v1  }
0x17f: {  	v1 =	vld.idx.msk [tilespmem:v2+s3+$0x0], $0xffff  }
0x180: {  	v2 =	vadd.s32 $0xF000, v0;
	_ =	sdelay $0x3  }
0x181: {  	[tilespmem:s18+$0x17800] =	vst v1  }
0x182: {  	v1 =	vld.idx.msk [tilespmem:v2+s3+$0x0], $0xffff  }
0x183: {  	v2 =	vadd.s32 $0xF200, v0;
	_ =	sdelay $0x3  }
0x184: {  	[tilespmem:s18+$0x17900] =	vst v1  }
0x185: {  	v1 =	vld.idx.msk [tilespmem:v2+s3+$0x0], $0xffff  }
0x186: {  	v2 =	vadd.s32 $0xF400, v0;
	_ =	sdelay $0x3  }
0x187: {  	[tilespmem:s18+$0x17A00] =	vst v1  }
0x188: {  	v1 =	vld.idx.msk [tilespmem:v2+s3+$0x0], $0xffff  }
0x189: {  	v2 =	vadd.s32 $0xF600, v0;
	_ =	sdelay $0x3  }
0x18a: {  	[tilespmem:s18+$0x17B00] =	vst v1  }
0x18b: {  	v1 =	vld.idx.msk [tilespmem:v2+s3+$0x0], $0xffff  }
0x18c: {  	v2 =	vadd.s32 $0xF800, v0;
	_ =	sdelay $0x3  }
0x18d: {  	[tilespmem:s18+$0x17C00] =	vst v1  }
0x18e: {  	v1 =	vld.idx.msk [tilespmem:v2+s3+$0x0], $0xffff  }
0x18f: {  	v2 =	vadd.s32 $0xFA00, v0;
	_ =	sdelay $0x3  }
0x190: {  	[tilespmem:s18+$0x17D00] =	vst v1  }
0x191: {  	v1 =	vld.idx.msk [tilespmem:v2+s3+$0x0], $0xffff  }
0x192: {  	v2 =	vadd.s32 $0xFC00, v0;
	_ =	sdelay $0x3  }
0x193: {  	[tilespmem:s18+$0x17E00] =	vst v1  }
0x194: {  	v1 =	vld.idx.msk [tilespmem:v2+s3+$0x0], $0xffff  }
0x195: {  	v2 =	vadd.s32 $0xFE00, v0;
	_ =	sdelay $0x2  }
0x196: {  	s20 =	simm.s32 $0x10;
	s19 =	simm.s32 $0x80  }
.LBB2_3:
0x197: {  	p0 =	sne.s32 s19, $0x3C0;
	v0 =	vld [tilespmem:s20+$0x10000];
	[tilespmem:s18+$0x17F00] =	vst v1  }
0x198: {  	v1 =	vld.idx.msk [tilespmem:v2+s3+$0x0], $0xffff;
	_ =	sdelay $0x5  }
0x199: {  	[tilespmem:s18+$0x18000] =	vst v1;
	s18 =	smov.u32 s20  }
0x19a: {  	v1 =	vld.idx.msk [tilespmem:v0+s3+$0x0], $0xffff;
	_ =	sdelay $0x1  }
0x19b: {  	v2 =	vadd.s32 $0x200, v0;
	_ =	sdelay $0x3  }
0x19c: {  	[tilespmem:s18+$0x10100] =	vst v1  }
0x19d: {  	v1 =	vld.idx.msk [tilespmem:v2+s3+$0x0], $0xffff;
	_ =	sdelay $0x1  }
0x19e: {  	v2 =	vadd.s32 $0x400, v0;
	_ =	sdelay $0x3  }
0x19f: {  	[tilespmem:s18+$0x10200] =	vst v1  }
0x1a0: {  	v1 =	vld.idx.msk [tilespmem:v2+s3+$0x0], $0xffff;
	_ =	sdelay $0x1  }
0x1a1: {  	v2 =	vadd.s32 $0x600, v0;
	_ =	sdelay $0x3  }
0x1a2: {  	[tilespmem:s18+$0x10300] =	vst v1  }
0x1a3: {  	v1 =	vld.idx.msk [tilespmem:v2+s3+$0x0], $0xffff;
	_ =	sdelay $0x1  }
0x1a4: {  	v2 =	vadd.s32 $0x800, v0;
	_ =	sdelay $0x3  }
0x1a5: {  	[tilespmem:s18+$0x10400] =	vst v1  }
0x1a6: {  	v1 =	vld.idx.msk [tilespmem:v2+s3+$0x0], $0xffff;
	_ =	sdelay $0x1  }
0x1a7: {  	v2 =	vadd.s32 $0xA00, v0;
	_ =	sdelay $0x3  }
0x1a8: {  	[tilespmem:s18+$0x10500] =	vst v1  }
0x1a9: {  	v1 =	vld.idx.msk [tilespmem:v2+s3+$0x0], $0xffff;
	_ =	sdelay $0x1  }
0x1aa: {  	v2 =	vadd.s32 $0xC00, v0;
	_ =	sdelay $0x3  }
0x1ab: {  	[tilespmem:s18+$0x10600] =	vst v1  }
0x1ac: {  	v1 =	vld.idx.msk [tilespmem:v2+s3+$0x0], $0xffff;
	_ =	sdelay $0x1  }
0x1ad: {  	v2 =	vadd.s32 $0xE00, v0;
	_ =	sdelay $0x3  }
0x1ae: {  	[tilespmem:s18+$0x10700] =	vst v1  }
0x1af: {  	v1 =	vld.idx.msk [tilespmem:v2+s3+$0x0], $0xffff;
	_ =	sdelay $0x1  }
0x1b0: {  	v2 =	vadd.s32 $0x1000, v0;
	_ =	sdelay $0x3  }
0x1b1: {  	[tilespmem:s18+$0x10800] =	vst v1  }
0x1b2: {  	v1 =	vld.idx.msk [tilespmem:v2+s3+$0x0], $0xffff;
	_ =	sdelay $0x1  }
0x1b3: {  	v2 =	vadd.s32 $0x1200, v0;
	_ =	sdelay $0x3  }
0x1b4: {  	[tilespmem:s18+$0x10900] =	vst v1  }
0x1b5: {  	v1 =	vld.idx.msk [tilespmem:v2+s3+$0x0], $0xffff;
	_ =	sdelay $0x1  }
0x1b6: {  	v2 =	vadd.s32 $0x1400, v0;
	_ =	sdelay $0x3  }
0x1b7: {  	[tilespmem:s18+$0x10A00] =	vst v1  }
0x1b8: {  	v1 =	vld.idx.msk [tilespmem:v2+s3+$0x0], $0xffff;
	_ =	sdelay $0x1  }
0x1b9: {  	v2 =	vadd.s32 $0x1600, v0;
	_ =	sdelay $0x3  }
0x1ba: {  	[tilespmem:s18+$0x10B00] =	vst v1  }
0x1bb: {  	v1 =	vld.idx.msk [tilespmem:v2+s3+$0x0], $0xffff;
	_ =	sdelay $0x1  }
0x1bc: {  	v2 =	vadd.s32 $0x1800, v0;
	_ =	sdelay $0x3  }
0x1bd: {  	[tilespmem:s18+$0x10C00] =	vst v1  }
0x1be: {  	v1 =	vld.idx.msk [tilespmem:v2+s3+$0x0], $0xffff;
	_ =	sdelay $0x1  }
0x1bf: {  	v2 =	vadd.s32 $0x1A00, v0;
	_ =	sdelay $0x3  }
0x1c0: {  	[tilespmem:s18+$0x10D00] =	vst v1  }
0x1c1: {  	v1 =	vld.idx.msk [tilespmem:v2+s3+$0x0], $0xffff;
	_ =	sdelay $0x1  }
0x1c2: {  	v2 =	vadd.s32 $0x1C00, v0;
	_ =	sdelay $0x3  }
0x1c3: {  	[tilespmem:s18+$0x10E00] =	vst v1  }
0x1c4: {  	v1 =	vld.idx.msk [tilespmem:v2+s3+$0x0], $0xffff;
	_ =	sdelay $0x1  }
0x1c5: {  	v2 =	vadd.s32 $0x1E00, v0;
	_ =	sdelay $0x3  }
0x1c6: {  	[tilespmem:s18+$0x10F00] =	vst v1  }
0x1c7: {  	v1 =	vld.idx.msk [tilespmem:v2+s3+$0x0], $0xffff;
	_ =	sdelay $0x1  }
0x1c8: {  	v2 =	vadd.s32 $0x2000, v0;
	_ =	sdelay $0x3  }
0x1c9: {  	[tilespmem:s18+$0x11000] =	vst v1  }
0x1ca: {  	v1 =	vld.idx.msk [tilespmem:v2+s3+$0x0], $0xffff;
	_ =	sdelay $0x1  }
0x1cb: {  	v2 =	vadd.s32 $0x2200, v0;
	_ =	sdelay $0x3  }
0x1cc: {  	[tilespmem:s18+$0x11100] =	vst v1  }
0x1cd: {  	v1 =	vld.idx.msk [tilespmem:v2+s3+$0x0], $0xffff;
	_ =	sdelay $0x1  }
0x1ce: {  	v2 =	vadd.s32 $0x2400, v0;
	_ =	sdelay $0x3  }
0x1cf: {  	[tilespmem:s18+$0x11200] =	vst v1  }
0x1d0: {  	v1 =	vld.idx.msk [tilespmem:v2+s3+$0x0], $0xffff;
	_ =	sdelay $0x1  }
0x1d1: {  	v2 =	vadd.s32 $0x2600, v0;
	_ =	sdelay $0x3  }
0x1d2: {  	[tilespmem:s18+$0x11300] =	vst v1  }
0x1d3: {  	v1 =	vld.idx.msk [tilespmem:v2+s3+$0x0], $0xffff;
	_ =	sdelay $0x1  }
0x1d4: {  	v2 =	vadd.s32 $0x2800, v0;
	_ =	sdelay $0x3  }
0x1d5: {  	[tilespmem:s18+$0x11400] =	vst v1  }
0x1d6: {  	v1 =	vld.idx.msk [tilespmem:v2+s3+$0x0], $0xffff;
	_ =	sdelay $0x1  }
0x1d7: {  	v2 =	vadd.s32 $0x2A00, v0;
	_ =	sdelay $0x3  }
0x1d8: {  	[tilespmem:s18+$0x11500] =	vst v1  }
0x1d9: {  	v1 =	vld.idx.msk [tilespmem:v2+s3+$0x0], $0xffff;
	_ =	sdelay $0x1  }
0x1da: {  	v2 =	vadd.s32 $0x2C00, v0;
	_ =	sdelay $0x3  }
0x1db: {  	[tilespmem:s18+$0x11600] =	vst v1  }
0x1dc: {  	v1 =	vld.idx.msk [tilespmem:v2+s3+$0x0], $0xffff;
	_ =	sdelay $0x1  }
0x1dd: {  	v2 =	vadd.s32 $0x2E00, v0;
	_ =	sdelay $0x3  }
0x1de: {  	[tilespmem:s18+$0x11700] =	vst v1  }
0x1df: {  	v1 =	vld.idx.msk [tilespmem:v2+s3+$0x0], $0xffff;
	_ =	sdelay $0x1  }
0x1e0: {  	v2 =	vadd.s32 $0x3000, v0;
	_ =	sdelay $0x3  }
0x1e1: {  	[tilespmem:s18+$0x11800] =	vst v1  }
0x1e2: {  	v1 =	vld.idx.msk [tilespmem:v2+s3+$0x0], $0xffff;
	_ =	sdelay $0x1  }
0x1e3: {  	v2 =	vadd.s32 $0x3200, v0;
	_ =	sdelay $0x3  }
0x1e4: {  	[tilespmem:s18+$0x11900] =	vst v1  }
0x1e5: {  	v1 =	vld.idx.msk [tilespmem:v2+s3+$0x0], $0xffff;
	_ =	sdelay $0x1  }
0x1e6: {  	v2 =	vadd.s32 $0x3400, v0;
	_ =	sdelay $0x3  }
0x1e7: {  	[tilespmem:s18+$0x11A00] =	vst v1  }
0x1e8: {  	v1 =	vld.idx.msk [tilespmem:v2+s3+$0x0], $0xffff;
	_ =	sdelay $0x1  }
0x1e9: {  	v2 =	vadd.s32 $0x3600, v0;
	_ =	sdelay $0x3  }
0x1ea: {  	[tilespmem:s18+$0x11B00] =	vst v1  }
0x1eb: {  	v1 =	vld.idx.msk [tilespmem:v2+s3+$0x0], $0xffff;
	_ =	sdelay $0x1  }
0x1ec: {  	v2 =	vadd.s32 $0x3800, v0;
	_ =	sdelay $0x3  }
0x1ed: {  	[tilespmem:s18+$0x11C00] =	vst v1  }
0x1ee: {  	v1 =	vld.idx.msk [tilespmem:v2+s3+$0x0], $0xffff;
	_ =	sdelay $0x1  }
0x1ef: {  	v2 =	vadd.s32 $0x3A00, v0;
	_ =	sdelay $0x3  }
0x1f0: {  	[tilespmem:s18+$0x11D00] =	vst v1  }
0x1f1: {  	v1 =	vld.idx.msk [tilespmem:v2+s3+$0x0], $0xffff;
	_ =	sdelay $0x1  }
0x1f2: {  	v2 =	vadd.s32 $0x3C00, v0;
	_ =	sdelay $0x3  }
0x1f3: {  	[tilespmem:s18+$0x11E00] =	vst v1  }
0x1f4: {  	v1 =	vld.idx.msk [tilespmem:v2+s3+$0x0], $0xffff;
	_ =	sdelay $0x1  }
0x1f5: {  	v2 =	vadd.s32 $0x3E00, v0;
	_ =	sdelay $0x3  }
0x1f6: {  	[tilespmem:s18+$0x11F00] =	vst v1  }
0x1f7: {  	v1 =	vld.idx.msk [tilespmem:v2+s3+$0x0], $0xffff;
	_ =	sdelay $0x1  }
0x1f8: {  	v2 =	vadd.s32 $0x4000, v0;
	_ =	sdelay $0x3  }
0x1f9: {  	[tilespmem:s18+$0x12000] =	vst v1  }
0x1fa: {  	v1 =	vld.idx.msk [tilespmem:v2+s3+$0x0], $0xffff;
	_ =	sdelay $0x1  }
0x1fb: {  	v2 =	vadd.s32 $0x4200, v0;
	_ =	sdelay $0x3  }
0x1fc: {  	[tilespmem:s18+$0x12100] =	vst v1  }
0x1fd: {  	v1 =	vld.idx.msk [tilespmem:v2+s3+$0x0], $0xffff;
	_ =	sdelay $0x1  }
0x1fe: {  	v2 =	vadd.s32 $0x4400, v0;
	_ =	sdelay $0x3  }
0x1ff: {  	[tilespmem:s18+$0x12200] =	vst v1  }
0x200: {  	v1 =	vld.idx.msk [tilespmem:v2+s3+$0x0], $0xffff;
	_ =	sdelay $0x1  }
0x201: {  	v2 =	vadd.s32 $0x4600, v0;
	_ =	sdelay $0x3  }
0x202: {  	[tilespmem:s18+$0x12300] =	vst v1  }
0x203: {  	v1 =	vld.idx.msk [tilespmem:v2+s3+$0x0], $0xffff;
	_ =	sdelay $0x1  }
0x204: {  	v2 =	vadd.s32 $0x4800, v0;
	_ =	sdelay $0x3  }
0x205: {  	[tilespmem:s18+$0x12400] =	vst v1  }
0x206: {  	v1 =	vld.idx.msk [tilespmem:v2+s3+$0x0], $0xffff;
	_ =	sdelay $0x1  }
0x207: {  	v2 =	vadd.s32 $0x4A00, v0;
	_ =	sdelay $0x3  }
0x208: {  	[tilespmem:s18+$0x12500] =	vst v1  }
0x209: {  	v1 =	vld.idx.msk [tilespmem:v2+s3+$0x0], $0xffff;
	_ =	sdelay $0x1  }
0x20a: {  	v2 =	vadd.s32 $0x4C00, v0;
	_ =	sdelay $0x3  }
0x20b: {  	[tilespmem:s18+$0x12600] =	vst v1  }
0x20c: {  	v1 =	vld.idx.msk [tilespmem:v2+s3+$0x0], $0xffff;
	_ =	sdelay $0x1  }
0x20d: {  	v2 =	vadd.s32 $0x4E00, v0;
	_ =	sdelay $0x3  }
0x20e: {  	[tilespmem:s18+$0x12700] =	vst v1  }
0x20f: {  	v1 =	vld.idx.msk [tilespmem:v2+s3+$0x0], $0xffff;
	_ =	sdelay $0x1  }
0x210: {  	v2 =	vadd.s32 $0x5000, v0;
	_ =	sdelay $0x3  }
0x211: {  	[tilespmem:s18+$0x12800] =	vst v1  }
0x212: {  	v1 =	vld.idx.msk [tilespmem:v2+s3+$0x0], $0xffff;
	_ =	sdelay $0x1  }
0x213: {  	v2 =	vadd.s32 $0x5200, v0;
	_ =	sdelay $0x3  }
0x214: {  	[tilespmem:s18+$0x12900] =	vst v1  }
0x215: {  	v1 =	vld.idx.msk [tilespmem:v2+s3+$0x0], $0xffff;
	_ =	sdelay $0x1  }
0x216: {  	v2 =	vadd.s32 $0x5400, v0;
	_ =	sdelay $0x3  }
0x217: {  	[tilespmem:s18+$0x12A00] =	vst v1  }
0x218: {  	v1 =	vld.idx.msk [tilespmem:v2+s3+$0x0], $0xffff;
	_ =	sdelay $0x1  }
0x219: {  	v2 =	vadd.s32 $0x5600, v0;
	_ =	sdelay $0x3  }
0x21a: {  	[tilespmem:s18+$0x12B00] =	vst v1  }
0x21b: {  	v1 =	vld.idx.msk [tilespmem:v2+s3+$0x0], $0xffff;
	_ =	sdelay $0x1  }
0x21c: {  	v2 =	vadd.s32 $0x5800, v0;
	_ =	sdelay $0x3  }
0x21d: {  	[tilespmem:s18+$0x12C00] =	vst v1  }
0x21e: {  	v1 =	vld.idx.msk [tilespmem:v2+s3+$0x0], $0xffff;
	_ =	sdelay $0x1  }
0x21f: {  	v2 =	vadd.s32 $0x5A00, v0;
	_ =	sdelay $0x3  }
0x220: {  	[tilespmem:s18+$0x12D00] =	vst v1  }
0x221: {  	v1 =	vld.idx.msk [tilespmem:v2+s3+$0x0], $0xffff;
	_ =	sdelay $0x1  }
0x222: {  	v2 =	vadd.s32 $0x5C00, v0;
	_ =	sdelay $0x3  }
0x223: {  	[tilespmem:s18+$0x12E00] =	vst v1  }
0x224: {  	v1 =	vld.idx.msk [tilespmem:v2+s3+$0x0], $0xffff;
	_ =	sdelay $0x1  }
0x225: {  	v2 =	vadd.s32 $0x5E00, v0;
	_ =	sdelay $0x3  }
0x226: {  	[tilespmem:s18+$0x12F00] =	vst v1  }
0x227: {  	v1 =	vld.idx.msk [tilespmem:v2+s3+$0x0], $0xffff;
	_ =	sdelay $0x1  }
0x228: {  	v2 =	vadd.s32 $0x6000, v0;
	_ =	sdelay $0x3  }
0x229: {  	[tilespmem:s18+$0x13000] =	vst v1  }
0x22a: {  	v1 =	vld.idx.msk [tilespmem:v2+s3+$0x0], $0xffff;
	_ =	sdelay $0x1  }
0x22b: {  	v2 =	vadd.s32 $0x6200, v0;
	_ =	sdelay $0x3  }
0x22c: {  	[tilespmem:s18+$0x13100] =	vst v1  }
0x22d: {  	v1 =	vld.idx.msk [tilespmem:v2+s3+$0x0], $0xffff;
	_ =	sdelay $0x1  }
0x22e: {  	v2 =	vadd.s32 $0x6400, v0;
	_ =	sdelay $0x3  }
0x22f: {  	[tilespmem:s18+$0x13200] =	vst v1  }
0x230: {  	v1 =	vld.idx.msk [tilespmem:v2+s3+$0x0], $0xffff;
	_ =	sdelay $0x1  }
0x231: {  	v2 =	vadd.s32 $0x6600, v0;
	_ =	sdelay $0x3  }
0x232: {  	[tilespmem:s18+$0x13300] =	vst v1  }
0x233: {  	v1 =	vld.idx.msk [tilespmem:v2+s3+$0x0], $0xffff;
	_ =	sdelay $0x1  }
0x234: {  	v2 =	vadd.s32 $0x6800, v0;
	_ =	sdelay $0x3  }
0x235: {  	[tilespmem:s18+$0x13400] =	vst v1  }
0x236: {  	v1 =	vld.idx.msk [tilespmem:v2+s3+$0x0], $0xffff;
	_ =	sdelay $0x1  }
0x237: {  	v2 =	vadd.s32 $0x6A00, v0;
	_ =	sdelay $0x3  }
0x238: {  	[tilespmem:s18+$0x13500] =	vst v1  }
0x239: {  	v1 =	vld.idx.msk [tilespmem:v2+s3+$0x0], $0xffff;
	_ =	sdelay $0x1  }
0x23a: {  	v2 =	vadd.s32 $0x6C00, v0;
	_ =	sdelay $0x3  }
0x23b: {  	[tilespmem:s18+$0x13600] =	vst v1  }
0x23c: {  	v1 =	vld.idx.msk [tilespmem:v2+s3+$0x0], $0xffff;
	_ =	sdelay $0x1  }
0x23d: {  	v2 =	vadd.s32 $0x6E00, v0;
	_ =	sdelay $0x3  }
0x23e: {  	[tilespmem:s18+$0x13700] =	vst v1  }
0x23f: {  	v1 =	vld.idx.msk [tilespmem:v2+s3+$0x0], $0xffff;
	_ =	sdelay $0x1  }
0x240: {  	v2 =	vadd.s32 $0x7000, v0;
	_ =	sdelay $0x3  }
0x241: {  	[tilespmem:s18+$0x13800] =	vst v1  }
0x242: {  	v1 =	vld.idx.msk [tilespmem:v2+s3+$0x0], $0xffff;
	_ =	sdelay $0x1  }
0x243: {  	v2 =	vadd.s32 $0x7200, v0;
	_ =	sdelay $0x3  }
0x244: {  	[tilespmem:s18+$0x13900] =	vst v1  }
0x245: {  	v1 =	vld.idx.msk [tilespmem:v2+s3+$0x0], $0xffff;
	_ =	sdelay $0x1  }
0x246: {  	v2 =	vadd.s32 $0x7400, v0;
	_ =	sdelay $0x3  }
0x247: {  	[tilespmem:s18+$0x13A00] =	vst v1  }
0x248: {  	v1 =	vld.idx.msk [tilespmem:v2+s3+$0x0], $0xffff;
	_ =	sdelay $0x1  }
0x249: {  	v2 =	vadd.s32 $0x7600, v0;
	_ =	sdelay $0x3  }
0x24a: {  	[tilespmem:s18+$0x13B00] =	vst v1  }
0x24b: {  	v1 =	vld.idx.msk [tilespmem:v2+s3+$0x0], $0xffff;
	_ =	sdelay $0x1  }
0x24c: {  	v2 =	vadd.s32 $0x7800, v0;
	_ =	sdelay $0x3  }
0x24d: {  	[tilespmem:s18+$0x13C00] =	vst v1  }
0x24e: {  	v1 =	vld.idx.msk [tilespmem:v2+s3+$0x0], $0xffff;
	_ =	sdelay $0x1  }
0x24f: {  	v2 =	vadd.s32 $0x7A00, v0;
	_ =	sdelay $0x3  }
0x250: {  	[tilespmem:s18+$0x13D00] =	vst v1  }
0x251: {  	v1 =	vld.idx.msk [tilespmem:v2+s3+$0x0], $0xffff;
	_ =	sdelay $0x1  }
0x252: {  	v2 =	vadd.s32 $0x7C00, v0;
	_ =	sdelay $0x3  }
0x253: {  	[tilespmem:s18+$0x13E00] =	vst v1  }
0x254: {  	v1 =	vld.idx.msk [tilespmem:v2+s3+$0x0], $0xffff;
	_ =	sdelay $0x1  }
0x255: {  	v2 =	vadd.s32 $0x7E00, v0;
	_ =	sdelay $0x3  }
0x256: {  	[tilespmem:s18+$0x13F00] =	vst v1  }
0x257: {  	v1 =	vld.idx.msk [tilespmem:v2+s3+$0x0], $0xffff;
	_ =	sdelay $0x1  }
0x258: {  	v2 =	vadd.s32 $0x8000, v0;
	_ =	sdelay $0x3  }
0x259: {  	[tilespmem:s18+$0x14000] =	vst v1  }
0x25a: {  	v1 =	vld.idx.msk [tilespmem:v2+s3+$0x0], $0xffff;
	_ =	sdelay $0x1  }
0x25b: {  	v2 =	vadd.s32 $0x8200, v0;
	_ =	sdelay $0x3  }
0x25c: {  	[tilespmem:s18+$0x14100] =	vst v1  }
0x25d: {  	v1 =	vld.idx.msk [tilespmem:v2+s3+$0x0], $0xffff;
	_ =	sdelay $0x1  }
0x25e: {  	v2 =	vadd.s32 $0x8400, v0;
	_ =	sdelay $0x3  }
0x25f: {  	[tilespmem:s18+$0x14200] =	vst v1  }
0x260: {  	v1 =	vld.idx.msk [tilespmem:v2+s3+$0x0], $0xffff;
	_ =	sdelay $0x1  }
0x261: {  	v2 =	vadd.s32 $0x8600, v0;
	_ =	sdelay $0x3  }
0x262: {  	[tilespmem:s18+$0x14300] =	vst v1  }
0x263: {  	v1 =	vld.idx.msk [tilespmem:v2+s3+$0x0], $0xffff;
	_ =	sdelay $0x1  }
0x264: {  	v2 =	vadd.s32 $0x8800, v0;
	_ =	sdelay $0x3  }
0x265: {  	[tilespmem:s18+$0x14400] =	vst v1  }
0x266: {  	v1 =	vld.idx.msk [tilespmem:v2+s3+$0x0], $0xffff;
	_ =	sdelay $0x1  }
0x267: {  	v2 =	vadd.s32 $0x8A00, v0;
	_ =	sdelay $0x3  }
0x268: {  	[tilespmem:s18+$0x14500] =	vst v1  }
0x269: {  	v1 =	vld.idx.msk [tilespmem:v2+s3+$0x0], $0xffff;
	_ =	sdelay $0x1  }
0x26a: {  	v2 =	vadd.s32 $0x8C00, v0;
	_ =	sdelay $0x3  }
0x26b: {  	[tilespmem:s18+$0x14600] =	vst v1  }
0x26c: {  	v1 =	vld.idx.msk [tilespmem:v2+s3+$0x0], $0xffff;
	_ =	sdelay $0x1  }
0x26d: {  	v2 =	vadd.s32 $0x8E00, v0;
	_ =	sdelay $0x3  }
0x26e: {  	[tilespmem:s18+$0x14700] =	vst v1  }
0x26f: {  	v1 =	vld.idx.msk [tilespmem:v2+s3+$0x0], $0xffff;
	_ =	sdelay $0x1  }
0x270: {  	v2 =	vadd.s32 $0x9000, v0;
	_ =	sdelay $0x3  }
0x271: {  	[tilespmem:s18+$0x14800] =	vst v1  }
0x272: {  	v1 =	vld.idx.msk [tilespmem:v2+s3+$0x0], $0xffff;
	_ =	sdelay $0x1  }
0x273: {  	v2 =	vadd.s32 $0x9200, v0;
	_ =	sdelay $0x3  }
0x274: {  	[tilespmem:s18+$0x14900] =	vst v1  }
0x275: {  	v1 =	vld.idx.msk [tilespmem:v2+s3+$0x0], $0xffff;
	_ =	sdelay $0x1  }
0x276: {  	v2 =	vadd.s32 $0x9400, v0;
	_ =	sdelay $0x3  }
0x277: {  	[tilespmem:s18+$0x14A00] =	vst v1  }
0x278: {  	v1 =	vld.idx.msk [tilespmem:v2+s3+$0x0], $0xffff;
	_ =	sdelay $0x1  }
0x279: {  	v2 =	vadd.s32 $0x9600, v0;
	_ =	sdelay $0x3  }
0x27a: {  	[tilespmem:s18+$0x14B00] =	vst v1  }
0x27b: {  	v1 =	vld.idx.msk [tilespmem:v2+s3+$0x0], $0xffff;
	_ =	sdelay $0x1  }
0x27c: {  	v2 =	vadd.s32 $0x9800, v0;
	_ =	sdelay $0x3  }
0x27d: {  	[tilespmem:s18+$0x14C00] =	vst v1  }
0x27e: {  	v1 =	vld.idx.msk [tilespmem:v2+s3+$0x0], $0xffff;
	_ =	sdelay $0x1  }
0x27f: {  	v2 =	vadd.s32 $0x9A00, v0;
	_ =	sdelay $0x3  }
0x280: {  	[tilespmem:s18+$0x14D00] =	vst v1  }
0x281: {  	v1 =	vld.idx.msk [tilespmem:v2+s3+$0x0], $0xffff;
	_ =	sdelay $0x1  }
0x282: {  	v2 =	vadd.s32 $0x9C00, v0;
	_ =	sdelay $0x3  }
0x283: {  	[tilespmem:s18+$0x14E00] =	vst v1  }
0x284: {  	v1 =	vld.idx.msk [tilespmem:v2+s3+$0x0], $0xffff;
	_ =	sdelay $0x1  }
0x285: {  	v2 =	vadd.s32 $0x9E00, v0;
	_ =	sdelay $0x3  }
0x286: {  	[tilespmem:s18+$0x14F00] =	vst v1  }
0x287: {  	v1 =	vld.idx.msk [tilespmem:v2+s3+$0x0], $0xffff;
	_ =	sdelay $0x1  }
0x288: {  	v2 =	vadd.s32 $0xA000, v0;
	_ =	sdelay $0x3  }
0x289: {  	[tilespmem:s18+$0x15000] =	vst v1  }
0x28a: {  	v1 =	vld.idx.msk [tilespmem:v2+s3+$0x0], $0xffff;
	_ =	sdelay $0x1  }
0x28b: {  	v2 =	vadd.s32 $0xA200, v0;
	_ =	sdelay $0x3  }
0x28c: {  	[tilespmem:s18+$0x15100] =	vst v1  }
0x28d: {  	v1 =	vld.idx.msk [tilespmem:v2+s3+$0x0], $0xffff;
	_ =	sdelay $0x1  }
0x28e: {  	v2 =	vadd.s32 $0xA400, v0;
	_ =	sdelay $0x3  }
0x28f: {  	[tilespmem:s18+$0x15200] =	vst v1  }
0x290: {  	v1 =	vld.idx.msk [tilespmem:v2+s3+$0x0], $0xffff;
	_ =	sdelay $0x1  }
0x291: {  	v2 =	vadd.s32 $0xA600, v0;
	_ =	sdelay $0x3  }
0x292: {  	[tilespmem:s18+$0x15300] =	vst v1  }
0x293: {  	v1 =	vld.idx.msk [tilespmem:v2+s3+$0x0], $0xffff;
	_ =	sdelay $0x1  }
0x294: {  	v2 =	vadd.s32 $0xA800, v0;
	_ =	sdelay $0x3  }
0x295: {  	[tilespmem:s18+$0x15400] =	vst v1  }
0x296: {  	v1 =	vld.idx.msk [tilespmem:v2+s3+$0x0], $0xffff;
	_ =	sdelay $0x1  }
0x297: {  	v2 =	vadd.s32 $0xAA00, v0;
	_ =	sdelay $0x3  }
0x298: {  	[tilespmem:s18+$0x15500] =	vst v1  }
0x299: {  	v1 =	vld.idx.msk [tilespmem:v2+s3+$0x0], $0xffff;
	_ =	sdelay $0x1  }
0x29a: {  	v2 =	vadd.s32 $0xAC00, v0;
	_ =	sdelay $0x3  }
0x29b: {  	[tilespmem:s18+$0x15600] =	vst v1  }
0x29c: {  	v1 =	vld.idx.msk [tilespmem:v2+s3+$0x0], $0xffff;
	_ =	sdelay $0x1  }
0x29d: {  	v2 =	vadd.s32 $0xAE00, v0;
	_ =	sdelay $0x3  }
0x29e: {  	[tilespmem:s18+$0x15700] =	vst v1  }
0x29f: {  	v1 =	vld.idx.msk [tilespmem:v2+s3+$0x0], $0xffff;
	_ =	sdelay $0x1  }
0x2a0: {  	v2 =	vadd.s32 $0xB000, v0;
	_ =	sdelay $0x3  }
0x2a1: {  	[tilespmem:s18+$0x15800] =	vst v1  }
0x2a2: {  	v1 =	vld.idx.msk [tilespmem:v2+s3+$0x0], $0xffff;
	_ =	sdelay $0x1  }
0x2a3: {  	v2 =	vadd.s32 $0xB200, v0;
	_ =	sdelay $0x3  }
0x2a4: {  	[tilespmem:s18+$0x15900] =	vst v1  }
0x2a5: {  	v1 =	vld.idx.msk [tilespmem:v2+s3+$0x0], $0xffff;
	_ =	sdelay $0x1  }
0x2a6: {  	v2 =	vadd.s32 $0xB400, v0;
	_ =	sdelay $0x3  }
0x2a7: {  	[tilespmem:s18+$0x15A00] =	vst v1  }
0x2a8: {  	v1 =	vld.idx.msk [tilespmem:v2+s3+$0x0], $0xffff;
	_ =	sdelay $0x1  }
0x2a9: {  	v2 =	vadd.s32 $0xB600, v0;
	_ =	sdelay $0x3  }
0x2aa: {  	[tilespmem:s18+$0x15B00] =	vst v1  }
0x2ab: {  	v1 =	vld.idx.msk [tilespmem:v2+s3+$0x0], $0xffff;
	_ =	sdelay $0x1  }
0x2ac: {  	v2 =	vadd.s32 $0xB800, v0;
	_ =	sdelay $0x3  }
0x2ad: {  	[tilespmem:s18+$0x15C00] =	vst v1  }
0x2ae: {  	v1 =	vld.idx.msk [tilespmem:v2+s3+$0x0], $0xffff;
	_ =	sdelay $0x1  }
0x2af: {  	v2 =	vadd.s32 $0xBA00, v0;
	_ =	sdelay $0x3  }
0x2b0: {  	[tilespmem:s18+$0x15D00] =	vst v1  }
0x2b1: {  	v1 =	vld.idx.msk [tilespmem:v2+s3+$0x0], $0xffff;
	_ =	sdelay $0x1  }
0x2b2: {  	v2 =	vadd.s32 $0xBC00, v0;
	_ =	sdelay $0x3  }
0x2b3: {  	[tilespmem:s18+$0x15E00] =	vst v1  }
0x2b4: {  	v1 =	vld.idx.msk [tilespmem:v2+s3+$0x0], $0xffff;
	_ =	sdelay $0x1  }
0x2b5: {  	v2 =	vadd.s32 $0xBE00, v0;
	_ =	sdelay $0x3  }
0x2b6: {  	[tilespmem:s18+$0x15F00] =	vst v1  }
0x2b7: {  	v1 =	vld.idx.msk [tilespmem:v2+s3+$0x0], $0xffff;
	_ =	sdelay $0x1  }
0x2b8: {  	v2 =	vadd.s32 $0xC000, v0;
	_ =	sdelay $0x3  }
0x2b9: {  	[tilespmem:s18+$0x16000] =	vst v1  }
0x2ba: {  	v1 =	vld.idx.msk [tilespmem:v2+s3+$0x0], $0xffff;
	_ =	sdelay $0x1  }
0x2bb: {  	v2 =	vadd.s32 $0xC200, v0;
	_ =	sdelay $0x3  }
0x2bc: {  	[tilespmem:s18+$0x16100] =	vst v1  }
0x2bd: {  	v1 =	vld.idx.msk [tilespmem:v2+s3+$0x0], $0xffff;
	_ =	sdelay $0x1  }
0x2be: {  	v2 =	vadd.s32 $0xC400, v0;
	_ =	sdelay $0x3  }
0x2bf: {  	[tilespmem:s18+$0x16200] =	vst v1  }
0x2c0: {  	v1 =	vld.idx.msk [tilespmem:v2+s3+$0x0], $0xffff;
	_ =	sdelay $0x1  }
0x2c1: {  	v2 =	vadd.s32 $0xC600, v0;
	_ =	sdelay $0x3  }
0x2c2: {  	[tilespmem:s18+$0x16300] =	vst v1  }
0x2c3: {  	v1 =	vld.idx.msk [tilespmem:v2+s3+$0x0], $0xffff;
	_ =	sdelay $0x1  }
0x2c4: {  	v2 =	vadd.s32 $0xC800, v0;
	_ =	sdelay $0x3  }
0x2c5: {  	[tilespmem:s18+$0x16400] =	vst v1  }
0x2c6: {  	v1 =	vld.idx.msk [tilespmem:v2+s3+$0x0], $0xffff;
	_ =	sdelay $0x1  }
0x2c7: {  	v2 =	vadd.s32 $0xCA00, v0;
	_ =	sdelay $0x3  }
0x2c8: {  	[tilespmem:s18+$0x16500] =	vst v1  }
0x2c9: {  	v1 =	vld.idx.msk [tilespmem:v2+s3+$0x0], $0xffff;
	_ =	sdelay $0x1  }
0x2ca: {  	v2 =	vadd.s32 $0xCC00, v0;
	_ =	sdelay $0x3  }
0x2cb: {  	[tilespmem:s18+$0x16600] =	vst v1  }
0x2cc: {  	v1 =	vld.idx.msk [tilespmem:v2+s3+$0x0], $0xffff;
	_ =	sdelay $0x1  }
0x2cd: {  	v2 =	vadd.s32 $0xCE00, v0;
	_ =	sdelay $0x3  }
0x2ce: {  	[tilespmem:s18+$0x16700] =	vst v1  }
0x2cf: {  	v1 =	vld.idx.msk [tilespmem:v2+s3+$0x0], $0xffff;
	_ =	sdelay $0x1  }
0x2d0: {  	v2 =	vadd.s32 $0xD000, v0;
	_ =	sdelay $0x3  }
0x2d1: {  	[tilespmem:s18+$0x16800] =	vst v1  }
0x2d2: {  	v1 =	vld.idx.msk [tilespmem:v2+s3+$0x0], $0xffff;
	_ =	sdelay $0x1  }
0x2d3: {  	v2 =	vadd.s32 $0xD200, v0;
	_ =	sdelay $0x3  }
0x2d4: {  	[tilespmem:s18+$0x16900] =	vst v1  }
0x2d5: {  	v1 =	vld.idx.msk [tilespmem:v2+s3+$0x0], $0xffff;
	_ =	sdelay $0x1  }
0x2d6: {  	v2 =	vadd.s32 $0xD400, v0;
	_ =	sdelay $0x3  }
0x2d7: {  	[tilespmem:s18+$0x16A00] =	vst v1  }
0x2d8: {  	v1 =	vld.idx.msk [tilespmem:v2+s3+$0x0], $0xffff;
	_ =	sdelay $0x1  }
0x2d9: {  	v2 =	vadd.s32 $0xD600, v0;
	_ =	sdelay $0x3  }
0x2da: {  	[tilespmem:s18+$0x16B00] =	vst v1  }
0x2db: {  	v1 =	vld.idx.msk [tilespmem:v2+s3+$0x0], $0xffff;
	_ =	sdelay $0x1  }
0x2dc: {  	v2 =	vadd.s32 $0xD800, v0;
	_ =	sdelay $0x3  }
0x2dd: {  	[tilespmem:s18+$0x16C00] =	vst v1  }
0x2de: {  	v1 =	vld.idx.msk [tilespmem:v2+s3+$0x0], $0xffff;
	_ =	sdelay $0x1  }
0x2df: {  	v2 =	vadd.s32 $0xDA00, v0;
	_ =	sdelay $0x3  }
0x2e0: {  	[tilespmem:s18+$0x16D00] =	vst v1  }
0x2e1: {  	v1 =	vld.idx.msk [tilespmem:v2+s3+$0x0], $0xffff;
	_ =	sdelay $0x1  }
0x2e2: {  	v2 =	vadd.s32 $0xDC00, v0;
	_ =	sdelay $0x3  }
0x2e3: {  	[tilespmem:s18+$0x16E00] =	vst v1  }
0x2e4: {  	v1 =	vld.idx.msk [tilespmem:v2+s3+$0x0], $0xffff;
	_ =	sdelay $0x1  }
0x2e5: {  	v2 =	vadd.s32 $0xDE00, v0;
	_ =	sdelay $0x3  }
0x2e6: {  	[tilespmem:s18+$0x16F00] =	vst v1  }
0x2e7: {  	v1 =	vld.idx.msk [tilespmem:v2+s3+$0x0], $0xffff;
	_ =	sdelay $0x1  }
0x2e8: {  	v2 =	vadd.s32 $0xE000, v0;
	_ =	sdelay $0x3  }
0x2e9: {  	[tilespmem:s18+$0x17000] =	vst v1  }
0x2ea: {  	v1 =	vld.idx.msk [tilespmem:v2+s3+$0x0], $0xffff;
	_ =	sdelay $0x1  }
0x2eb: {  	v2 =	vadd.s32 $0xE200, v0;
	_ =	sdelay $0x3  }
0x2ec: {  	[tilespmem:s18+$0x17100] =	vst v1  }
0x2ed: {  	v1 =	vld.idx.msk [tilespmem:v2+s3+$0x0], $0xffff;
	_ =	sdelay $0x1  }
0x2ee: {  	v2 =	vadd.s32 $0xE400, v0;
	_ =	sdelay $0x3  }
0x2ef: {  	[tilespmem:s18+$0x17200] =	vst v1  }
0x2f0: {  	v1 =	vld.idx.msk [tilespmem:v2+s3+$0x0], $0xffff;
	_ =	sdelay $0x1  }
0x2f1: {  	v2 =	vadd.s32 $0xE600, v0;
	_ =	sdelay $0x3  }
0x2f2: {  	[tilespmem:s18+$0x17300] =	vst v1  }
0x2f3: {  	v1 =	vld.idx.msk [tilespmem:v2+s3+$0x0], $0xffff;
	_ =	sdelay $0x1  }
0x2f4: {  	v2 =	vadd.s32 $0xE800, v0;
	_ =	sdelay $0x3  }
0x2f5: {  	[tilespmem:s18+$0x17400] =	vst v1  }
0x2f6: {  	v1 =	vld.idx.msk [tilespmem:v2+s3+$0x0], $0xffff;
	_ =	sdelay $0x1  }
0x2f7: {  	v2 =	vadd.s32 $0xEA00, v0;
	_ =	sdelay $0x3  }
0x2f8: {  	[tilespmem:s18+$0x17500] =	vst v1  }
0x2f9: {  	v1 =	vld.idx.msk [tilespmem:v2+s3+$0x0], $0xffff;
	_ =	sdelay $0x1  }
0x2fa: {  	v2 =	vadd.s32 $0xEC00, v0;
	_ =	sdelay $0x3  }
0x2fb: {  	[tilespmem:s18+$0x17600] =	vst v1  }
0x2fc: {  	v1 =	vld.idx.msk [tilespmem:v2+s3+$0x0], $0xffff;
	_ =	sdelay $0x1  }
0x2fd: {  	v2 =	vadd.s32 $0xEE00, v0;
	_ =	sdelay $0x3  }
0x2fe: {  	[tilespmem:s18+$0x17700] =	vst v1  }
0x2ff: {  	v1 =	vld.idx.msk [tilespmem:v2+s3+$0x0], $0xffff;
	_ =	sdelay $0x1  }
0x300: {  	v2 =	vadd.s32 $0xF000, v0;
	_ =	sdelay $0x3  }
0x301: {  	[tilespmem:s18+$0x17800] =	vst v1  }
0x302: {  	v1 =	vld.idx.msk [tilespmem:v2+s3+$0x0], $0xffff;
	_ =	sdelay $0x1  }
0x303: {  	v2 =	vadd.s32 $0xF200, v0;
	_ =	sdelay $0x3  }
0x304: {  	[tilespmem:s18+$0x17900] =	vst v1  }
0x305: {  	v1 =	vld.idx.msk [tilespmem:v2+s3+$0x0], $0xffff;
	_ =	sdelay $0x1  }
0x306: {  	v2 =	vadd.s32 $0xF400, v0;
	_ =	sdelay $0x3  }
0x307: {  	[tilespmem:s18+$0x17A00] =	vst v1  }
0x308: {  	v1 =	vld.idx.msk [tilespmem:v2+s3+$0x0], $0xffff;
	_ =	sdelay $0x1  }
0x309: {  	v2 =	vadd.s32 $0xF600, v0;
	_ =	sdelay $0x3  }
0x30a: {  	[tilespmem:s18+$0x17B00] =	vst v1  }
0x30b: {  	v1 =	vld.idx.msk [tilespmem:v2+s3+$0x0], $0xffff;
	_ =	sdelay $0x1  }
0x30c: {  	v2 =	vadd.s32 $0xF800, v0;
	_ =	sdelay $0x3  }
0x30d: {  	[tilespmem:s18+$0x17C00] =	vst v1  }
0x30e: {  	v1 =	vld.idx.msk [tilespmem:v2+s3+$0x0], $0xffff;
	_ =	sdelay $0x1  }
0x30f: {  	v2 =	vadd.s32 $0xFA00, v0;
	_ =	sdelay $0x3  }
0x310: {  	[tilespmem:s18+$0x17D00] =	vst v1  }
0x311: {  	v1 =	vld.idx.msk [tilespmem:v2+s3+$0x0], $0xffff;
	_ =	sdelay $0x1  }
0x312: {  	v2 =	vadd.s32 $0xFC00, v0;
	_ =	sdelay $0x3  }
0x313: {  	[tilespmem:s18+$0x17E00] =	vst v1  }
0x314: {  	v1 =	vld.idx.msk [tilespmem:v2+s3+$0x0], $0xffff  }
.Ltmp0:
0x315: {  	(pc) =	sbr.rel @p0 .LBB2_3-.Ltmp0, $2  }
0x316: {  	v2 =	vadd.s32 $0xFE00, v0;
	_ =	sdelay $0x2  }
0x317: {  	s20 =	sshra.s32 s19, $0x2;
	s19 =	sadd.s32 $0x40, s19  }
0x318: {  	_ =	sdelay $0x1  }
0x319: {  	v0 =	vld [tilespmem:s20+$0x10000]  }
0x31a: {  	[tilespmem:s18+$0x17F00] =	vst v1  }
0x31b: {  	v1 =	vld.idx.msk [tilespmem:v2+s3+$0x0], $0xffff;
	_ =	sdelay $0x4  }
0x31c: {  	[tilespmem:s18+$0x18000] =	vst v1  }
0x31d: {  	v1 =	vld.idx.msk [tilespmem:v0+s3+$0x0], $0xffff  }
0x31e: {  	v58 =	vadd.s32 $0x200, v0;
	_ =	sdelay $0x3  }
0x31f: {  	[tilespmem:s20+$0x10100] =	vst v1  }
0x320: {  	v1 =	vld.idx.msk [tilespmem:v58+s3+$0x0], $0xffff  }
0x321: {  	v59 =	vadd.s32 $0x400, v0;
	_ =	sdelay $0x3  }
0x322: {  	[tilespmem:s20+$0x10200] =	vst v1  }
0x323: {  	v1 =	vld.idx.msk [tilespmem:v59+s3+$0x0], $0xffff  }
0x324: {  	v60 =	vadd.s32 $0x600, v0;
	_ =	sdelay $0x3  }
0x325: {  	[tilespmem:s20+$0x10300] =	vst v1  }
0x326: {  	v1 =	vld.idx.msk [tilespmem:v60+s3+$0x0], $0xffff  }
0x327: {  	v61 =	vadd.s32 $0x800, v0;
	_ =	sdelay $0x3  }
0x328: {  	[tilespmem:s20+$0x10400] =	vst v1  }
0x329: {  	v1 =	vld.idx.msk [tilespmem:v61+s3+$0x0], $0xffff  }
0x32a: {  	v62 =	vadd.s32 $0xA00, v0;
	_ =	sdelay $0x3  }
0x32b: {  	[tilespmem:s20+$0x10500] =	vst v1  }
0x32c: {  	v1 =	vld.idx.msk [tilespmem:v62+s3+$0x0], $0xffff  }
0x32d: {  	v63 =	vadd.s32 $0xC00, v0;
	_ =	sdelay $0x3  }
0x32e: {  	[tilespmem:s20+$0x10600] =	vst v1  }
0x32f: {  	v1 =	vld.idx.msk [tilespmem:v63+s3+$0x0], $0xffff  }
0x330: {  	v4 =	vadd.s32 $0xE00, v0;
	_ =	sdelay $0x3  }
0x331: {  	[tilespmem:s20+$0x10700] =	vst v1  }
0x332: {  	v1 =	vld.idx.msk [tilespmem:v4+s3+$0x0], $0xffff  }
0x333: {  	v5 =	vadd.s32 $0x1000, v0;
	_ =	sdelay $0x3  }
0x334: {  	[tilespmem:s20+$0x10800] =	vst v1  }
0x335: {  	v1 =	vld.idx.msk [tilespmem:v5+s3+$0x0], $0xffff  }
0x336: {  	v6 =	vadd.s32 $0x1200, v0;
	_ =	sdelay $0x3  }
0x337: {  	[tilespmem:s20+$0x10900] =	vst v1  }
0x338: {  	v1 =	vld.idx.msk [tilespmem:v6+s3+$0x0], $0xffff  }
0x339: {  	v7 =	vadd.s32 $0x1400, v0;
	_ =	sdelay $0x3  }
0x33a: {  	[tilespmem:s20+$0x10A00] =	vst v1  }
0x33b: {  	v1 =	vld.idx.msk [tilespmem:v7+s3+$0x0], $0xffff  }
0x33c: {  	v8 =	vadd.s32 $0x1600, v0;
	_ =	sdelay $0x3  }
0x33d: {  	[tilespmem:s20+$0x10B00] =	vst v1  }
0x33e: {  	v1 =	vld.idx.msk [tilespmem:v8+s3+$0x0], $0xffff  }
0x33f: {  	v9 =	vadd.s32 $0x1800, v0;
	_ =	sdelay $0x3  }
0x340: {  	[tilespmem:s20+$0x10C00] =	vst v1  }
0x341: {  	v1 =	vld.idx.msk [tilespmem:v9+s3+$0x0], $0xffff  }
0x342: {  	v10 =	vadd.s32 $0x1A00, v0;
	_ =	sdelay $0x3  }
0x343: {  	[tilespmem:s20+$0x10D00] =	vst v1  }
0x344: {  	v1 =	vld.idx.msk [tilespmem:v10+s3+$0x0], $0xffff  }
0x345: {  	v11 =	vadd.s32 $0x1C00, v0;
	_ =	sdelay $0x3  }
0x346: {  	[tilespmem:s20+$0x10E00] =	vst v1  }
0x347: {  	v1 =	vld.idx.msk [tilespmem:v11+s3+$0x0], $0xffff  }
0x348: {  	v12 =	vadd.s32 $0x1E00, v0;
	_ =	sdelay $0x3  }
0x349: {  	[tilespmem:s20+$0x10F00] =	vst v1  }
0x34a: {  	v1 =	vld.idx.msk [tilespmem:v12+s3+$0x0], $0xffff  }
0x34b: {  	v13 =	vadd.s32 $0x2000, v0;
	_ =	sdelay $0x3  }
0x34c: {  	[tilespmem:s20+$0x11000] =	vst v1  }
0x34d: {  	v1 =	vld.idx.msk [tilespmem:v13+s3+$0x0], $0xffff  }
0x34e: {  	v14 =	vadd.s32 $0x2200, v0;
	_ =	sdelay $0x3  }
0x34f: {  	[tilespmem:s20+$0x11100] =	vst v1  }
0x350: {  	v1 =	vld.idx.msk [tilespmem:v14+s3+$0x0], $0xffff  }
0x351: {  	v15 =	vadd.s32 $0x2400, v0;
	_ =	sdelay $0x3  }
0x352: {  	[tilespmem:s20+$0x11200] =	vst v1  }
0x353: {  	v1 =	vld.idx.msk [tilespmem:v15+s3+$0x0], $0xffff  }
0x354: {  	v16 =	vadd.s32 $0x2600, v0;
	_ =	sdelay $0x3  }
0x355: {  	[tilespmem:s20+$0x11300] =	vst v1  }
0x356: {  	v1 =	vld.idx.msk [tilespmem:v16+s3+$0x0], $0xffff  }
0x357: {  	v17 =	vadd.s32 $0x2800, v0;
	_ =	sdelay $0x3  }
0x358: {  	[tilespmem:s20+$0x11400] =	vst v1  }
0x359: {  	v1 =	vld.idx.msk [tilespmem:v17+s3+$0x0], $0xffff  }
0x35a: {  	v18 =	vadd.s32 $0x2A00, v0;
	_ =	sdelay $0x3  }
0x35b: {  	[tilespmem:s20+$0x11500] =	vst v1  }
0x35c: {  	v1 =	vld.idx.msk [tilespmem:v18+s3+$0x0], $0xffff  }
0x35d: {  	v19 =	vadd.s32 $0x2C00, v0;
	_ =	sdelay $0x3  }
0x35e: {  	[tilespmem:s20+$0x11600] =	vst v1  }
0x35f: {  	v1 =	vld.idx.msk [tilespmem:v19+s3+$0x0], $0xffff  }
0x360: {  	v20 =	vadd.s32 $0x2E00, v0;
	_ =	sdelay $0x3  }
0x361: {  	[tilespmem:s20+$0x11700] =	vst v1  }
0x362: {  	v1 =	vld.idx.msk [tilespmem:v20+s3+$0x0], $0xffff  }
0x363: {  	v21 =	vadd.s32 $0x3000, v0;
	_ =	sdelay $0x3  }
0x364: {  	[tilespmem:s20+$0x11800] =	vst v1  }
0x365: {  	v1 =	vld.idx.msk [tilespmem:v21+s3+$0x0], $0xffff  }
0x366: {  	v22 =	vadd.s32 $0x3200, v0;
	_ =	sdelay $0x3  }
0x367: {  	[tilespmem:s20+$0x11900] =	vst v1  }
0x368: {  	v1 =	vld.idx.msk [tilespmem:v22+s3+$0x0], $0xffff  }
0x369: {  	v23 =	vadd.s32 $0x3400, v0;
	_ =	sdelay $0x3  }
0x36a: {  	[tilespmem:s20+$0x11A00] =	vst v1  }
0x36b: {  	v1 =	vld.idx.msk [tilespmem:v23+s3+$0x0], $0xffff  }
0x36c: {  	v24 =	vadd.s32 $0x3600, v0;
	_ =	sdelay $0x3  }
0x36d: {  	[tilespmem:s20+$0x11B00] =	vst v1  }
0x36e: {  	v1 =	vld.idx.msk [tilespmem:v24+s3+$0x0], $0xffff  }
0x36f: {  	v25 =	vadd.s32 $0x3800, v0;
	_ =	sdelay $0x3  }
0x370: {  	[tilespmem:s20+$0x11C00] =	vst v1  }
0x371: {  	v1 =	vld.idx.msk [tilespmem:v25+s3+$0x0], $0xffff  }
0x372: {  	v26 =	vadd.s32 $0x3A00, v0;
	_ =	sdelay $0x3  }
0x373: {  	[tilespmem:s20+$0x11D00] =	vst v1  }
0x374: {  	v1 =	vld.idx.msk [tilespmem:v26+s3+$0x0], $0xffff  }
0x375: {  	v27 =	vadd.s32 $0x3C00, v0;
	_ =	sdelay $0x3  }
0x376: {  	[tilespmem:s20+$0x11E00] =	vst v1  }
0x377: {  	v1 =	vld.idx.msk [tilespmem:v27+s3+$0x0], $0xffff  }
0x378: {  	v28 =	vadd.s32 $0x3E00, v0;
	_ =	sdelay $0x3  }
0x379: {  	[tilespmem:s20+$0x11F00] =	vst v1  }
0x37a: {  	v1 =	vld.idx.msk [tilespmem:v28+s3+$0x0], $0xffff  }
0x37b: {  	v29 =	vadd.s32 $0x4000, v0;
	_ =	sdelay $0x3  }
0x37c: {  	[tilespmem:s20+$0x12000] =	vst v1  }
0x37d: {  	v1 =	vld.idx.msk [tilespmem:v29+s3+$0x0], $0xffff  }
0x37e: {  	v30 =	vadd.s32 $0x4200, v0;
	_ =	sdelay $0x3  }
0x37f: {  	[tilespmem:s20+$0x12100] =	vst v1  }
0x380: {  	v1 =	vld.idx.msk [tilespmem:v30+s3+$0x0], $0xffff  }
0x381: {  	v31 =	vadd.s32 $0x4400, v0;
	_ =	sdelay $0x3  }
0x382: {  	[tilespmem:s20+$0x12200] =	vst v1  }
0x383: {  	v1 =	vld.idx.msk [tilespmem:v31+s3+$0x0], $0xffff  }
0x384: {  	v32 =	vadd.s32 $0x4600, v0;
	_ =	sdelay $0x3  }
0x385: {  	[tilespmem:s20+$0x12300] =	vst v1  }
0x386: {  	v1 =	vld.idx.msk [tilespmem:v32+s3+$0x0], $0xffff  }
0x387: {  	v33 =	vadd.s32 $0x4800, v0;
	_ =	sdelay $0x3  }
0x388: {  	[tilespmem:s20+$0x12400] =	vst v1  }
0x389: {  	v1 =	vld.idx.msk [tilespmem:v33+s3+$0x0], $0xffff  }
0x38a: {  	v34 =	vadd.s32 $0x4A00, v0;
	_ =	sdelay $0x3  }
0x38b: {  	[tilespmem:s20+$0x12500] =	vst v1  }
0x38c: {  	v1 =	vld.idx.msk [tilespmem:v34+s3+$0x0], $0xffff  }
0x38d: {  	v35 =	vadd.s32 $0x4C00, v0;
	_ =	sdelay $0x3  }
0x38e: {  	[tilespmem:s20+$0x12600] =	vst v1  }
0x38f: {  	v1 =	vld.idx.msk [tilespmem:v35+s3+$0x0], $0xffff  }
0x390: {  	v36 =	vadd.s32 $0x4E00, v0;
	_ =	sdelay $0x3  }
0x391: {  	[tilespmem:s20+$0x12700] =	vst v1  }
0x392: {  	v1 =	vld.idx.msk [tilespmem:v36+s3+$0x0], $0xffff  }
0x393: {  	v37 =	vadd.s32 $0x5000, v0;
	_ =	sdelay $0x3  }
0x394: {  	[tilespmem:s20+$0x12800] =	vst v1  }
0x395: {  	v1 =	vld.idx.msk [tilespmem:v37+s3+$0x0], $0xffff  }
0x396: {  	v38 =	vadd.s32 $0x5200, v0;
	_ =	sdelay $0x3  }
0x397: {  	[tilespmem:s20+$0x12900] =	vst v1  }
0x398: {  	v1 =	vld.idx.msk [tilespmem:v38+s3+$0x0], $0xffff  }
0x399: {  	v39 =	vadd.s32 $0x5400, v0;
	_ =	sdelay $0x3  }
0x39a: {  	[tilespmem:s20+$0x12A00] =	vst v1  }
0x39b: {  	v1 =	vld.idx.msk [tilespmem:v39+s3+$0x0], $0xffff  }
0x39c: {  	v40 =	vadd.s32 $0x5600, v0;
	_ =	sdelay $0x3  }
0x39d: {  	[tilespmem:s20+$0x12B00] =	vst v1  }
0x39e: {  	v1 =	vld.idx.msk [tilespmem:v40+s3+$0x0], $0xffff  }
0x39f: {  	v41 =	vadd.s32 $0x5800, v0;
	_ =	sdelay $0x3  }
0x3a0: {  	[tilespmem:s20+$0x12C00] =	vst v1  }
0x3a1: {  	v1 =	vld.idx.msk [tilespmem:v41+s3+$0x0], $0xffff  }
0x3a2: {  	v42 =	vadd.s32 $0x5A00, v0;
	_ =	sdelay $0x3  }
0x3a3: {  	[tilespmem:s20+$0x12D00] =	vst v1  }
0x3a4: {  	v1 =	vld.idx.msk [tilespmem:v42+s3+$0x0], $0xffff  }
0x3a5: {  	v43 =	vadd.s32 $0x5C00, v0;
	_ =	sdelay $0x3  }
0x3a6: {  	[tilespmem:s20+$0x12E00] =	vst v1  }
0x3a7: {  	v1 =	vld.idx.msk [tilespmem:v43+s3+$0x0], $0xffff  }
0x3a8: {  	v44 =	vadd.s32 $0x5E00, v0;
	_ =	sdelay $0x3  }
0x3a9: {  	[tilespmem:s20+$0x12F00] =	vst v1  }
0x3aa: {  	v1 =	vld.idx.msk [tilespmem:v44+s3+$0x0], $0xffff  }
0x3ab: {  	v45 =	vadd.s32 $0x6000, v0;
	_ =	sdelay $0x3  }
0x3ac: {  	[tilespmem:s20+$0x13000] =	vst v1  }
0x3ad: {  	v1 =	vld.idx.msk [tilespmem:v45+s3+$0x0], $0xffff  }
0x3ae: {  	v46 =	vadd.s32 $0x6200, v0;
	_ =	sdelay $0x3  }
0x3af: {  	[tilespmem:s20+$0x13100] =	vst v1  }
0x3b0: {  	v1 =	vld.idx.msk [tilespmem:v46+s3+$0x0], $0xffff  }
0x3b1: {  	v47 =	vadd.s32 $0x6400, v0;
	_ =	sdelay $0x3  }
0x3b2: {  	[tilespmem:s20+$0x13200] =	vst v1  }
0x3b3: {  	v1 =	vld.idx.msk [tilespmem:v47+s3+$0x0], $0xffff  }
0x3b4: {  	v48 =	vadd.s32 $0x6600, v0;
	_ =	sdelay $0x3  }
0x3b5: {  	[tilespmem:s20+$0x13300] =	vst v1  }
0x3b6: {  	v1 =	vld.idx.msk [tilespmem:v48+s3+$0x0], $0xffff  }
0x3b7: {  	v49 =	vadd.s32 $0x6800, v0;
	_ =	sdelay $0x3  }
0x3b8: {  	[tilespmem:s20+$0x13400] =	vst v1  }
0x3b9: {  	v1 =	vld.idx.msk [tilespmem:v49+s3+$0x0], $0xffff  }
0x3ba: {  	v50 =	vadd.s32 $0x6A00, v0;
	_ =	sdelay $0x3  }
0x3bb: {  	[tilespmem:s20+$0x13500] =	vst v1  }
0x3bc: {  	v1 =	vld.idx.msk [tilespmem:v50+s3+$0x0], $0xffff  }
0x3bd: {  	v51 =	vadd.s32 $0x6C00, v0;
	_ =	sdelay $0x3  }
0x3be: {  	[tilespmem:s20+$0x13600] =	vst v1  }
0x3bf: {  	v1 =	vld.idx.msk [tilespmem:v51+s3+$0x0], $0xffff  }
0x3c0: {  	v52 =	vadd.s32 $0x6E00, v0;
	_ =	sdelay $0x3  }
0x3c1: {  	[tilespmem:s20+$0x13700] =	vst v1  }
0x3c2: {  	v1 =	vld.idx.msk [tilespmem:v52+s3+$0x0], $0xffff  }
0x3c3: {  	v53 =	vadd.s32 $0x7000, v0;
	_ =	sdelay $0x3  }
0x3c4: {  	[tilespmem:s20+$0x13800] =	vst v1  }
0x3c5: {  	v1 =	vld.idx.msk [tilespmem:v53+s3+$0x0], $0xffff  }
0x3c6: {  	v54 =	vadd.s32 $0x7200, v0;
	_ =	sdelay $0x3  }
0x3c7: {  	[tilespmem:s20+$0x13900] =	vst v1  }
0x3c8: {  	v1 =	vld.idx.msk [tilespmem:v54+s3+$0x0], $0xffff  }
0x3c9: {  	v55 =	vadd.s32 $0x7400, v0;
	_ =	sdelay $0x3  }
0x3ca: {  	[tilespmem:s20+$0x13A00] =	vst v1  }
0x3cb: {  	v1 =	vld.idx.msk [tilespmem:v55+s3+$0x0], $0xffff  }
0x3cc: {  	v56 =	vadd.s32 $0x7600, v0;
	_ =	sdelay $0x3  }
0x3cd: {  	[tilespmem:s20+$0x13B00] =	vst v1  }
0x3ce: {  	v1 =	vld.idx.msk [tilespmem:v56+s3+$0x0], $0xffff  }
0x3cf: {  	v57 =	vadd.s32 $0x7800, v0;
	_ =	sdelay $0x3  }
0x3d0: {  	[tilespmem:s20+$0x13C00] =	vst v1  }
0x3d1: {  	v1 =	vld.idx.msk [tilespmem:v57+s3+$0x0], $0xffff  }
0x3d2: {  	v58 =	vadd.s32 $0x7A00, v0;
	_ =	sdelay $0x3  }
0x3d3: {  	[tilespmem:s20+$0x13D00] =	vst v1  }
0x3d4: {  	v1 =	vld.idx.msk [tilespmem:v58+s3+$0x0], $0xffff  }
0x3d5: {  	v59 =	vadd.s32 $0x7C00, v0;
	_ =	sdelay $0x3  }
0x3d6: {  	[tilespmem:s20+$0x13E00] =	vst v1  }
0x3d7: {  	v1 =	vld.idx.msk [tilespmem:v59+s3+$0x0], $0xffff  }
0x3d8: {  	v60 =	vadd.s32 $0x7E00, v0;
	_ =	sdelay $0x3  }
0x3d9: {  	[tilespmem:s20+$0x13F00] =	vst v1  }
0x3da: {  	v1 =	vld.idx.msk [tilespmem:v60+s3+$0x0], $0xffff  }
0x3db: {  	v61 =	vadd.s32 $0x8000, v0;
	_ =	sdelay $0x3  }
0x3dc: {  	[tilespmem:s20+$0x14000] =	vst v1  }
0x3dd: {  	v1 =	vld.idx.msk [tilespmem:v61+s3+$0x0], $0xffff  }
0x3de: {  	v62 =	vadd.s32 $0x8200, v0;
	_ =	sdelay $0x3  }
0x3df: {  	[tilespmem:s20+$0x14100] =	vst v1  }
0x3e0: {  	v1 =	vld.idx.msk [tilespmem:v62+s3+$0x0], $0xffff  }
0x3e1: {  	v63 =	vadd.s32 $0x8400, v0;
	_ =	sdelay $0x3  }
0x3e2: {  	[tilespmem:s20+$0x14200] =	vst v1  }
0x3e3: {  	v1 =	vld.idx.msk [tilespmem:v63+s3+$0x0], $0xffff  }
0x3e4: {  	v4 =	vadd.s32 $0x8600, v0;
	_ =	sdelay $0x3  }
0x3e5: {  	[tilespmem:s20+$0x14300] =	vst v1  }
0x3e6: {  	v1 =	vld.idx.msk [tilespmem:v4+s3+$0x0], $0xffff  }
0x3e7: {  	v5 =	vadd.s32 $0x8800, v0;
	_ =	sdelay $0x3  }
0x3e8: {  	[tilespmem:s20+$0x14400] =	vst v1  }
0x3e9: {  	v1 =	vld.idx.msk [tilespmem:v5+s3+$0x0], $0xffff  }
0x3ea: {  	v6 =	vadd.s32 $0x8A00, v0;
	_ =	sdelay $0x3  }
0x3eb: {  	[tilespmem:s20+$0x14500] =	vst v1  }
0x3ec: {  	v1 =	vld.idx.msk [tilespmem:v6+s3+$0x0], $0xffff  }
0x3ed: {  	v7 =	vadd.s32 $0x8C00, v0;
	_ =	sdelay $0x3  }
0x3ee: {  	[tilespmem:s20+$0x14600] =	vst v1  }
0x3ef: {  	v1 =	vld.idx.msk [tilespmem:v7+s3+$0x0], $0xffff  }
0x3f0: {  	v8 =	vadd.s32 $0x8E00, v0;
	_ =	sdelay $0x3  }
0x3f1: {  	[tilespmem:s20+$0x14700] =	vst v1  }
0x3f2: {  	v1 =	vld.idx.msk [tilespmem:v8+s3+$0x0], $0xffff  }
0x3f3: {  	v9 =	vadd.s32 $0x9000, v0;
	_ =	sdelay $0x3  }
0x3f4: {  	[tilespmem:s20+$0x14800] =	vst v1  }
0x3f5: {  	v1 =	vld.idx.msk [tilespmem:v9+s3+$0x0], $0xffff  }
0x3f6: {  	v10 =	vadd.s32 $0x9200, v0;
	_ =	sdelay $0x3  }
0x3f7: {  	[tilespmem:s20+$0x14900] =	vst v1  }
0x3f8: {  	v1 =	vld.idx.msk [tilespmem:v10+s3+$0x0], $0xffff  }
0x3f9: {  	v11 =	vadd.s32 $0x9400, v0;
	_ =	sdelay $0x3  }
0x3fa: {  	[tilespmem:s20+$0x14A00] =	vst v1  }
0x3fb: {  	v1 =	vld.idx.msk [tilespmem:v11+s3+$0x0], $0xffff  }
0x3fc: {  	v12 =	vadd.s32 $0x9600, v0;
	_ =	sdelay $0x3  }
0x3fd: {  	[tilespmem:s20+$0x14B00] =	vst v1  }
0x3fe: {  	v1 =	vld.idx.msk [tilespmem:v12+s3+$0x0], $0xffff  }
0x3ff: {  	v13 =	vadd.s32 $0x9800, v0;
	_ =	sdelay $0x3  }
0x400: {  	[tilespmem:s20+$0x14C00] =	vst v1  }
0x401: {  	v1 =	vld.idx.msk [tilespmem:v13+s3+$0x0], $0xffff  }
0x402: {  	v14 =	vadd.s32 $0x9A00, v0;
	_ =	sdelay $0x3  }
0x403: {  	[tilespmem:s20+$0x14D00] =	vst v1  }
0x404: {  	v1 =	vld.idx.msk [tilespmem:v14+s3+$0x0], $0xffff  }
0x405: {  	v15 =	vadd.s32 $0x9C00, v0;
	_ =	sdelay $0x3  }
0x406: {  	[tilespmem:s20+$0x14E00] =	vst v1  }
0x407: {  	v1 =	vld.idx.msk [tilespmem:v15+s3+$0x0], $0xffff  }
0x408: {  	v16 =	vadd.s32 $0x9E00, v0;
	_ =	sdelay $0x3  }
0x409: {  	[tilespmem:s20+$0x14F00] =	vst v1  }
0x40a: {  	v1 =	vld.idx.msk [tilespmem:v16+s3+$0x0], $0xffff  }
0x40b: {  	v17 =	vadd.s32 $0xA000, v0;
	_ =	sdelay $0x3  }
0x40c: {  	[tilespmem:s20+$0x15000] =	vst v1  }
0x40d: {  	v1 =	vld.idx.msk [tilespmem:v17+s3+$0x0], $0xffff  }
0x40e: {  	v18 =	vadd.s32 $0xA200, v0;
	_ =	sdelay $0x3  }
0x40f: {  	[tilespmem:s20+$0x15100] =	vst v1  }
0x410: {  	v1 =	vld.idx.msk [tilespmem:v18+s3+$0x0], $0xffff  }
0x411: {  	v19 =	vadd.s32 $0xA400, v0;
	_ =	sdelay $0x3  }
0x412: {  	[tilespmem:s20+$0x15200] =	vst v1  }
0x413: {  	v1 =	vld.idx.msk [tilespmem:v19+s3+$0x0], $0xffff  }
0x414: {  	v20 =	vadd.s32 $0xA600, v0;
	_ =	sdelay $0x3  }
0x415: {  	[tilespmem:s20+$0x15300] =	vst v1  }
0x416: {  	v1 =	vld.idx.msk [tilespmem:v20+s3+$0x0], $0xffff  }
0x417: {  	v21 =	vadd.s32 $0xA800, v0;
	_ =	sdelay $0x3  }
0x418: {  	[tilespmem:s20+$0x15400] =	vst v1  }
0x419: {  	v1 =	vld.idx.msk [tilespmem:v21+s3+$0x0], $0xffff  }
0x41a: {  	v22 =	vadd.s32 $0xAA00, v0;
	_ =	sdelay $0x3  }
0x41b: {  	[tilespmem:s20+$0x15500] =	vst v1  }
0x41c: {  	v1 =	vld.idx.msk [tilespmem:v22+s3+$0x0], $0xffff  }
0x41d: {  	v23 =	vadd.s32 $0xAC00, v0;
	_ =	sdelay $0x3  }
0x41e: {  	[tilespmem:s20+$0x15600] =	vst v1  }
0x41f: {  	v1 =	vld.idx.msk [tilespmem:v23+s3+$0x0], $0xffff  }
0x420: {  	v24 =	vadd.s32 $0xAE00, v0;
	_ =	sdelay $0x3  }
0x421: {  	[tilespmem:s20+$0x15700] =	vst v1  }
0x422: {  	v1 =	vld.idx.msk [tilespmem:v24+s3+$0x0], $0xffff  }
0x423: {  	v25 =	vadd.s32 $0xB000, v0;
	_ =	sdelay $0x3  }
0x424: {  	[tilespmem:s20+$0x15800] =	vst v1  }
0x425: {  	v1 =	vld.idx.msk [tilespmem:v25+s3+$0x0], $0xffff  }
0x426: {  	v26 =	vadd.s32 $0xB200, v0;
	_ =	sdelay $0x3  }
0x427: {  	[tilespmem:s20+$0x15900] =	vst v1  }
0x428: {  	v1 =	vld.idx.msk [tilespmem:v26+s3+$0x0], $0xffff  }
0x429: {  	v27 =	vadd.s32 $0xB400, v0;
	_ =	sdelay $0x3  }
0x42a: {  	[tilespmem:s20+$0x15A00] =	vst v1  }
0x42b: {  	v1 =	vld.idx.msk [tilespmem:v27+s3+$0x0], $0xffff  }
0x42c: {  	v28 =	vadd.s32 $0xB600, v0;
	_ =	sdelay $0x3  }
0x42d: {  	[tilespmem:s20+$0x15B00] =	vst v1  }
0x42e: {  	v1 =	vld.idx.msk [tilespmem:v28+s3+$0x0], $0xffff  }
0x42f: {  	v29 =	vadd.s32 $0xB800, v0;
	_ =	sdelay $0x3  }
0x430: {  	[tilespmem:s20+$0x15C00] =	vst v1  }
0x431: {  	v1 =	vld.idx.msk [tilespmem:v29+s3+$0x0], $0xffff  }
0x432: {  	v30 =	vadd.s32 $0xBA00, v0;
	_ =	sdelay $0x3  }
0x433: {  	[tilespmem:s20+$0x15D00] =	vst v1  }
0x434: {  	v1 =	vld.idx.msk [tilespmem:v30+s3+$0x0], $0xffff  }
0x435: {  	v31 =	vadd.s32 $0xBC00, v0;
	_ =	sdelay $0x3  }
0x436: {  	[tilespmem:s20+$0x15E00] =	vst v1  }
0x437: {  	v1 =	vld.idx.msk [tilespmem:v31+s3+$0x0], $0xffff  }
0x438: {  	v32 =	vadd.s32 $0xBE00, v0;
	_ =	sdelay $0x3  }
0x439: {  	[tilespmem:s20+$0x15F00] =	vst v1  }
0x43a: {  	v1 =	vld.idx.msk [tilespmem:v32+s3+$0x0], $0xffff  }
0x43b: {  	v33 =	vadd.s32 $0xC000, v0;
	_ =	sdelay $0x3  }
0x43c: {  	[tilespmem:s20+$0x16000] =	vst v1  }
0x43d: {  	v1 =	vld.idx.msk [tilespmem:v33+s3+$0x0], $0xffff  }
0x43e: {  	v34 =	vadd.s32 $0xC200, v0;
	_ =	sdelay $0x3  }
0x43f: {  	[tilespmem:s20+$0x16100] =	vst v1  }
0x440: {  	v1 =	vld.idx.msk [tilespmem:v34+s3+$0x0], $0xffff  }
0x441: {  	v35 =	vadd.s32 $0xC400, v0;
	_ =	sdelay $0x3  }
0x442: {  	[tilespmem:s20+$0x16200] =	vst v1  }
0x443: {  	v1 =	vld.idx.msk [tilespmem:v35+s3+$0x0], $0xffff  }
0x444: {  	v36 =	vadd.s32 $0xC600, v0;
	_ =	sdelay $0x3  }
0x445: {  	[tilespmem:s20+$0x16300] =	vst v1  }
0x446: {  	v1 =	vld.idx.msk [tilespmem:v36+s3+$0x0], $0xffff  }
0x447: {  	v37 =	vadd.s32 $0xC800, v0;
	_ =	sdelay $0x3  }
0x448: {  	[tilespmem:s20+$0x16400] =	vst v1  }
0x449: {  	v1 =	vld.idx.msk [tilespmem:v37+s3+$0x0], $0xffff  }
0x44a: {  	v38 =	vadd.s32 $0xCA00, v0;
	_ =	sdelay $0x3  }
0x44b: {  	[tilespmem:s20+$0x16500] =	vst v1  }
0x44c: {  	v1 =	vld.idx.msk [tilespmem:v38+s3+$0x0], $0xffff  }
0x44d: {  	v39 =	vadd.s32 $0xCC00, v0;
	_ =	sdelay $0x3  }
0x44e: {  	[tilespmem:s20+$0x16600] =	vst v1  }
0x44f: {  	v1 =	vld.idx.msk [tilespmem:v39+s3+$0x0], $0xffff  }
0x450: {  	v40 =	vadd.s32 $0xCE00, v0;
	_ =	sdelay $0x3  }
0x451: {  	[tilespmem:s20+$0x16700] =	vst v1  }
0x452: {  	v1 =	vld.idx.msk [tilespmem:v40+s3+$0x0], $0xffff  }
0x453: {  	v41 =	vadd.s32 $0xD000, v0;
	_ =	sdelay $0x3  }
0x454: {  	[tilespmem:s20+$0x16800] =	vst v1  }
0x455: {  	v1 =	vld.idx.msk [tilespmem:v41+s3+$0x0], $0xffff  }
0x456: {  	v42 =	vadd.s32 $0xD200, v0;
	_ =	sdelay $0x3  }
0x457: {  	[tilespmem:s20+$0x16900] =	vst v1  }
0x458: {  	v1 =	vld.idx.msk [tilespmem:v42+s3+$0x0], $0xffff  }
0x459: {  	v43 =	vadd.s32 $0xD400, v0;
	_ =	sdelay $0x3  }
0x45a: {  	[tilespmem:s20+$0x16A00] =	vst v1  }
0x45b: {  	v1 =	vld.idx.msk [tilespmem:v43+s3+$0x0], $0xffff  }
0x45c: {  	v44 =	vadd.s32 $0xD600, v0;
	_ =	sdelay $0x3  }
0x45d: {  	[tilespmem:s20+$0x16B00] =	vst v1  }
0x45e: {  	v1 =	vld.idx.msk [tilespmem:v44+s3+$0x0], $0xffff  }
0x45f: {  	v45 =	vadd.s32 $0xD800, v0;
	_ =	sdelay $0x3  }
0x460: {  	[tilespmem:s20+$0x16C00] =	vst v1  }
0x461: {  	v1 =	vld.idx.msk [tilespmem:v45+s3+$0x0], $0xffff  }
0x462: {  	v46 =	vadd.s32 $0xDA00, v0;
	_ =	sdelay $0x3  }
0x463: {  	[tilespmem:s20+$0x16D00] =	vst v1  }
0x464: {  	v1 =	vld.idx.msk [tilespmem:v46+s3+$0x0], $0xffff  }
0x465: {  	v47 =	vadd.s32 $0xDC00, v0;
	_ =	sdelay $0x3  }
0x466: {  	[tilespmem:s20+$0x16E00] =	vst v1  }
0x467: {  	v1 =	vld.idx.msk [tilespmem:v47+s3+$0x0], $0xffff  }
0x468: {  	v48 =	vadd.s32 $0xDE00, v0;
	_ =	sdelay $0x3  }
0x469: {  	[tilespmem:s20+$0x16F00] =	vst v1  }
0x46a: {  	v1 =	vld.idx.msk [tilespmem:v48+s3+$0x0], $0xffff  }
0x46b: {  	v49 =	vadd.s32 $0xE000, v0;
	_ =	sdelay $0x3  }
0x46c: {  	[tilespmem:s20+$0x17000] =	vst v1  }
0x46d: {  	v1 =	vld.idx.msk [tilespmem:v49+s3+$0x0], $0xffff  }
0x46e: {  	v50 =	vadd.s32 $0xE200, v0;
	_ =	sdelay $0x3  }
0x46f: {  	[tilespmem:s20+$0x17100] =	vst v1  }
0x470: {  	v1 =	vld.idx.msk [tilespmem:v50+s3+$0x0], $0xffff  }
0x471: {  	v51 =	vadd.s32 $0xE400, v0;
	_ =	sdelay $0x3  }
0x472: {  	[tilespmem:s20+$0x17200] =	vst v1  }
0x473: {  	v1 =	vld.idx.msk [tilespmem:v51+s3+$0x0], $0xffff  }
0x474: {  	v52 =	vadd.s32 $0xE600, v0;
	_ =	sdelay $0x3  }
0x475: {  	[tilespmem:s20+$0x17300] =	vst v1  }
0x476: {  	v1 =	vld.idx.msk [tilespmem:v52+s3+$0x0], $0xffff  }
0x477: {  	v53 =	vadd.s32 $0xE800, v0;
	_ =	sdelay $0x3  }
0x478: {  	[tilespmem:s20+$0x17400] =	vst v1  }
0x479: {  	v1 =	vld.idx.msk [tilespmem:v53+s3+$0x0], $0xffff  }
0x47a: {  	v54 =	vadd.s32 $0xEA00, v0;
	_ =	sdelay $0x3  }
0x47b: {  	[tilespmem:s20+$0x17500] =	vst v1  }
0x47c: {  	v1 =	vld.idx.msk [tilespmem:v54+s3+$0x0], $0xffff  }
0x47d: {  	v55 =	vadd.s32 $0xEC00, v0;
	_ =	sdelay $0x3  }
0x47e: {  	[tilespmem:s20+$0x17600] =	vst v1  }
0x47f: {  	v1 =	vld.idx.msk [tilespmem:v55+s3+$0x0], $0xffff  }
0x480: {  	v56 =	vadd.s32 $0xEE00, v0;
	_ =	sdelay $0x3  }
0x481: {  	[tilespmem:s20+$0x17700] =	vst v1  }
0x482: {  	v1 =	vld.idx.msk [tilespmem:v56+s3+$0x0], $0xffff  }
0x483: {  	v57 =	vadd.s32 $0xF000, v0;
	_ =	sdelay $0x3  }
0x484: {  	[tilespmem:s20+$0x17800] =	vst v1  }
0x485: {  	v1 =	vld.idx.msk [tilespmem:v57+s3+$0x0], $0xffff  }
0x486: {  	v58 =	vadd.s32 $0xF200, v0;
	_ =	sdelay $0x3  }
0x487: {  	[tilespmem:s20+$0x17900] =	vst v1  }
0x488: {  	v1 =	vld.idx.msk [tilespmem:v58+s3+$0x0], $0xffff  }
0x489: {  	v59 =	vadd.s32 $0xF400, v0;
	_ =	sdelay $0x3  }
0x48a: {  	[tilespmem:s20+$0x17A00] =	vst v1  }
0x48b: {  	v1 =	vld.idx.msk [tilespmem:v59+s3+$0x0], $0xffff  }
0x48c: {  	v60 =	vadd.s32 $0xF600, v0;
	_ =	sdelay $0x3  }
0x48d: {  	[tilespmem:s20+$0x17B00] =	vst v1  }
0x48e: {  	v1 =	vld.idx.msk [tilespmem:v60+s3+$0x0], $0xffff  }
0x48f: {  	v61 =	vadd.s32 $0xF800, v0;
	_ =	sdelay $0x3  }
0x490: {  	[tilespmem:s20+$0x17C00] =	vst v1  }
0x491: {  	v1 =	vld.idx.msk [tilespmem:v61+s3+$0x0], $0xffff  }
0x492: {  	v62 =	vadd.s32 $0xFA00, v0;
	_ =	sdelay $0x3  }
0x493: {  	[tilespmem:s20+$0x17D00] =	vst v1  }
0x494: {  	v1 =	vld.idx.msk [tilespmem:v62+s3+$0x0], $0xffff  }
0x495: {  	v63 =	vadd.s32 $0xFC00, v0;
	_ =	sdelay $0x3  }
0x496: {  	[tilespmem:s20+$0x17E00] =	vst v1  }
0x497: {  	v1 =	vld.idx.msk [tilespmem:v63+s3+$0x0], $0xffff  }
0x498: {  	v0 =	vadd.s32 $0xFE00, v0;
	_ =	sdelay $0x3  }
0x499: {  	[tilespmem:s20+$0x17F00] =	vst v1  }
0x49a: {  	v0 =	vld.idx.msk [tilespmem:v0+s3+$0x0], $0xffff;
	_ =	sdelay $0x2  }
0x49b: {  	s17 =	sadd.s32 s9, s17;
	s16 =	sadd.s32 $0x1, s16  }
0x49c: {  	s17 =	sshrl.u32 s17, $0x3;
	p0 =	sne.s32 s16, $0x8  }
.Ltmp1:
0x49d: {  	s17 =	sadd.s32 s5, s17;
	[tilespmem:s20+$0x18000] =	vst v0;
	(pc) =	sbr.rel @p0 .LBB2_2-.Ltmp1, $4  }
0x49e: {  	[hbm4b:s17+s12] =	stream.strided.scatter [tilespmem:s14], [sflag:$0x1], $0x8000, s13, s12, $0x38;
	[tilespmem:$0x18100] =	vst v63  }
0x49f: {  	_ =	swait.ge [sflag:s6], $0x8000  }
0x4a0: {  	[sflag:s6] =	ssyncset.done $0x0  }
0x4a1: {  	[sflag:s6] =	ssyncadd.s32 $0xFFFF8000  }
0x4a2: {  	s15 =	sadd.s32 $0x1, s15  }
0x4a3: {  	p0 =	sne.s32 s15, s10  }
.Ltmp2:
0x4a4: {  	_ = 	snop;
	(pc) =	sbr.rel @p0 .LBB2_1-.Ltmp2, $1  }
0x4a5: {  	_ =	sdelay $0x3  }
0x4a6: {  	_ =	sfence.sel $0x180000  }
0x4a7: {  	[bflag:$0x0] =	sbarrier.arrive $0xFFFF  }
0x4a8: {  	p0 =	sne.s32 s1, $0x0;
	_ =	strace $0x90000047  }
0x4a9: {  	s0 =	sadd.s32 @!p0 $0x100000, s0;
	[bflag:$0x2] =	sbarrier.arrive $0xFFFF  }
0x4aa: {  	[sflag:s0] =	ssyncadd.tile.s32 @!p0 $0x1;
	_ =	shalt  }
.Lfunc_end2:
_tile_overlayer_lowered:
.L_overlay_start_2:
0x4ab: {  	(tag) =	ssettag $0x2  }
0x4ac: {  	s0 =	rddreg [dreg:$0x0];
	s2 =	stileid.u32  }
0x4ad: {  	s1 =	rddreg [dreg:$0x1];
	p0 =	sne.s32 s2, $0x0  }
0x4ae: {  	s3 =	rddreg [dreg:$0x2];
	[bflag:$0x3] =	sbarrier.arrive $0xFFFF;
	s2 =	simm.s32 @!p0 $0x1C01  }
0x4af: {  	[timem:s3], [sflag:s2] =	dma.local @!p0 [hbm:s0], s1  }
0x4b0: {  	s0 =	simm.s32 @!p0 $0x1  }
0x4b1: {  	_ =	swait.ge @!p0 [sflag:s0], s1  }
0x4b2: {  	s1 =	ssub.s32 @!p0 $0x0, s1;
	[sflag:s0] =	ssyncset.done @!p0 $0x0  }
0x4b3: {  	[sflag:s0] =	ssyncadd.s32 @!p0 s1  }
0x4b4: {  	[bflag:$0x3] =	sbarrier.arrive $0xFFFF  }
0x4b5: {  	_ =	shalt  }

</sc_bundles>
